<compile_context>
chip_gen: v7x
topology: tpu7x:2x2x1
jax: 0.10.2.dev20260603
libtpu: 0.0.44.dev20260713+nightly
codegen_flags: <defaults>
</compile_context>

<pallas_src>
import functools

import jax
import jax.numpy as jnp
from jax import lax
from jax.experimental import pallas as pl
from jax.experimental.pallas import tpu as pltpu
from jax.experimental.pallas import tpu_sc as plsc

B = 16384
EMBED = 64
NC = 2
NS = 16
NW = NC * NS
BPW = B // NW
GROUP = 16


@functools.cache
def _make_sc_gather():
    mesh = plsc.VectorSubcoreMesh(core_axis_name="c", subcore_axis_name="s")

    @functools.partial(
        pl.kernel,
        out_type=(
            jax.ShapeDtypeStruct((B, EMBED), jnp.float32),
            jax.ShapeDtypeStruct((B, EMBED), jnp.float32),
        ),
        mesh=mesh,
        scratch_types=[
            pltpu.VMEM((BPW,), jnp.int32),
            pltpu.VMEM((BPW,), jnp.int32),
            pltpu.VMEM((BPW // 2, EMBED), jnp.float32),
            pltpu.VMEM((BPW // 2, EMBED), jnp.float32),
            pltpu.SemaphoreType.DMA,
        ],
        compiler_params=pltpu.CompilerParams(needs_layout_passes=False),
    )
    def _sc_gather(uid_hbm, iid_hbm, utab_hbm, itab_hbm, uout_hbm, iout_hbm,
                   uidx_v, iidx_v, urows_v, irows_v, sem):
        wid = lax.axis_index("s") * NC + lax.axis_index("c")
        base = wid * BPW
        pltpu.sync_copy(uid_hbm.at[pl.ds(base, BPW)], uidx_v)
        pltpu.sync_copy(iid_hbm.at[pl.ds(base, BPW)], iidx_v)
        lane = lax.iota(jnp.int32, GROUP)

        HALF = BPW // 2

        for half in range(2):
            hbase = half * HALF

            def body(g, carry):
                gb = hbase + g * GROUP
                uchunk = uidx_v[pl.ds(gb, GROUP)]
                ichunk = iidx_v[pl.ds(gb, GROUP)]
                for l in range(GROUP):
                    ui = jnp.max(jnp.where(lane == l, uchunk, 0))
                    ii = jnp.max(jnp.where(lane == l, ichunk, 0))
                    r = g * GROUP + l
                    pltpu.async_copy(
                        utab_hbm.at[pl.ds(ui, 1)],
                        urows_v.at[pl.ds(r, 1)], sem)
                    pltpu.async_copy(
                        itab_hbm.at[pl.ds(ii, 1)],
                        irows_v.at[pl.ds(r, 1)], sem)
                return carry

            lax.fori_loop(0, HALF // GROUP, body, 0)
            pltpu.make_async_copy(uout_hbm.at[pl.ds(base, HALF)],
                                  urows_v, sem).wait()
            pltpu.make_async_copy(iout_hbm.at[pl.ds(base, HALF)],
                                  irows_v, sem).wait()
            pltpu.sync_copy(urows_v, uout_hbm.at[pl.ds(base + hbase, HALF)])
            pltpu.sync_copy(irows_v, iout_hbm.at[pl.ds(base + hbase, HALF)])

    return _sc_gather


def _mlp_body(ue_ref, ie_ref, feat_ref, w1u_ref, w1i_ref, w1f_ref,
              b1_ref, gamma_ref, beta_ref, w2_ref, b2_ref, out_ref):
    h = (jnp.dot(ue_ref[...], w1u_ref[...], preferred_element_type=jnp.float32)
         + jnp.dot(ie_ref[...], w1i_ref[...], preferred_element_type=jnp.float32)
         + jnp.dot(feat_ref[...], w1f_ref[...], preferred_element_type=jnp.float32)
         + b1_ref[...])
    mean = jnp.mean(h, axis=0, keepdims=True)
    d = h - mean
    var = jnp.mean(d * d, axis=0, keepdims=True)
    hn = d * lax.rsqrt(var + 1e-5) * gamma_ref[...] + beta_ref[...]
    hn = jnp.maximum(hn, 0.0)
    out_ref[...] = (jnp.sum(hn * w2_ref[...], axis=1, keepdims=True)
                    + b2_ref[...])


_mlp = pl.pallas_call(
    _mlp_body,
    out_shape=jax.ShapeDtypeStruct((B, 1), jnp.float32),
)


def kernel(user_id, item_id, users_info, items_info, user_table, item_table,
           W1, b1, gamma, beta, W2, b2):
    ue, ie = _make_sc_gather()(user_id, item_id, user_table, item_table)
    feats = jnp.concatenate([users_info, items_info], axis=1)
    return _mlp(ue, ie, feats,
                W1[:EMBED], W1[EMBED:2 * EMBED], W1[2 * EMBED:],
                b1.reshape(1, -1), gamma.reshape(1, -1), beta.reshape(1, -1),
                W2.reshape(1, -1), b2.reshape(1, 1))

# --- scband reference (transcript-rebuilt; emitter-appended) ---
"""Pipeline reference for scband-embedding-recommender-model-59871844106390 (READ-ONLY COPY).

The authoritative reference and input builder live on the scoring server;
editing this copy changes nothing except your own understanding.
"""

import jax, jax.numpy as jnp
import numpy as np

B = 16384
USER_SIZE = 1000000
ITEM_SIZE = 1000000
EMBED = 64
UFEAT = 10
IFEAT = 9
FC1_IN = EMBED * 2 + UFEAT + IFEAT  # 147
HID = 64


def setup_inputs(seed: int = 0) -> dict:
    key = jax.random.key(seed)
    ks = jax.random.split(key, 12)
    user_id = jax.random.randint(ks[0], (B,), 0, USER_SIZE, dtype=jnp.int32)
    item_id = jax.random.randint(ks[1], (B,), 0, ITEM_SIZE, dtype=jnp.int32)
    users_info = jax.random.normal(ks[2], (B, UFEAT), dtype=jnp.float32)
    items_info = jax.random.normal(ks[3], (B, IFEAT), dtype=jnp.float32)
    user_table = jax.random.normal(ks[4], (USER_SIZE, EMBED), dtype=jnp.float32) * 0.02
    item_table = jax.random.normal(ks[5], (ITEM_SIZE, EMBED), dtype=jnp.float32) * 0.02
    W1 = jax.random.normal(ks[6], (FC1_IN, HID), dtype=jnp.float32) * (1.0 / np.sqrt(FC1_IN))
    b1 = jnp.zeros((HID,), dtype=jnp.float32)
    gamma = jnp.ones((HID,), dtype=jnp.float32)
    beta = jnp.zeros((HID,), dtype=jnp.float32)
    W2 = jax.random.normal(ks[7], (HID, 1), dtype=jnp.float32) * (1.0 / np.sqrt(HID))
    b2 = jnp.zeros((1,), dtype=jnp.float32)
    return {
        "user_id": user_id,
        "item_id": item_id,
        "users_info": users_info,
        "items_info": items_info,
        "user_table": user_table,
        "item_table": item_table,
        "W1": W1,
        "b1": b1,
        "gamma": gamma,
        "beta": beta,
        "W2": W2,
        "b2": b2,
    }


def reference(user_id, item_id, users_info, items_info, user_table, item_table, W1, b1, gamma, beta, W2, b2):
    # Embedding lookups (gather)
    user_embed = jnp.take(user_table, user_id, axis=0)
    item_embed = jnp.take(item_table, item_id, axis=0)
    x = jnp.concatenate([user_embed, item_embed, users_info, items_info], axis=1)
    # fc1
    h = x @ W1 + b1
    # BatchNorm1d (training-mode batch statistics, eps=1e-5)
    mean = jnp.mean(h, axis=0)
    var = jnp.var(h, axis=0)
    h = (h - mean) / jnp.sqrt(var + 1e-5) * gamma + beta
    # ReLU
    h = jax.nn.relu(h)
    # fc2
    out = h @ W2 + b2
    return out

if __name__ == "__main__":
    import jax
    _d = setup_inputs()
    print(jax.jit(kernel)(*tuple(_d.values())))

</pallas_src>

<mosaic_0001>
#map = affine_map<(d0, d1) -> (0)>
#map1 = affine_map<(d0, d1) -> (0, 0)>
module attributes {stable_mosaic.version = 14 : i64} {
  func.func @_sc_gather(%arg0: i32, %arg1: i32, %arg2: memref<16384xi32, #tpu.memory_space<hbm>>, %arg3: memref<16384xi32, #tpu.memory_space<hbm>>, %arg4: memref<1000000x64xf32, #tpu.memory_space<hbm>>, %arg5: memref<1000000x64xf32, #tpu.memory_space<hbm>>, %arg6: memref<16384x64xf32, #tpu.memory_space<hbm>>, %arg7: memref<16384x64xf32, #tpu.memory_space<hbm>>, %arg8: memref<512xi32, #tpu.memory_space<vmem>>, %arg9: memref<512xi32, #tpu.memory_space<vmem>>, %arg10: memref<256x64xf32, #tpu.memory_space<vmem>>, %arg11: memref<256x64xf32, #tpu.memory_space<vmem>>, %arg12: memref<!tpu.dma_semaphore, #tpu.memory_space<semaphore_mem>>) attributes {dimension_semantics = [#tpu.dimension_semantics<core_parallel>, #tpu.dimension_semantics<subcore_parallel>], iteration_bounds = array<i64: 2, 16>, scalar_prefetch = 0 : i64, scratch_operands = 5 : i64, tpu.core_type = #tpu.core_type<sc_vector_subcore>, window_params = [{transform_indices = #map}, {transform_indices = #map}, {transform_indices = #map1}, {transform_indices = #map1}, {transform_indices = #map1}, {transform_indices = #map1}]} {
    %mul3A = arith.constant 2 : i32
    %mul3A_0 = arith.muli %arg1, %mul3A : i32
    %add3A = arith.addi %mul3A_0, %arg0 : i32
    %mul3A_1 = arith.constant 512 : i32
    %mul3A_2 = arith.muli %add3A, %mul3A_1 : i32
    "tpu.region"() ({
      %run_scoped3A = tpu.sem_alloc : memref<!tpu.dma_semaphore, #tpu.memory_space<semaphore_mem>>
      %dma_start3A = tpu.memref_slice %arg2[%mul3A_2] : memref<16384xi32, #tpu.memory_space<hbm>> -> memref<512xi32, #tpu.memory_space<hbm>>
      %dma_start3A_37 = tpu.memref_slice %arg2[%mul3A_2] : memref<16384xi32, #tpu.memory_space<hbm>> -> memref<512xi32, #tpu.memory_space<hbm>>
      tpu.enqueue_dma source(%dma_start3A_37 : memref<512xi32, #tpu.memory_space<hbm>>) target(%arg8 : memref<512xi32, #tpu.memory_space<vmem>>) target_semaphore(%run_scoped3A : memref<!tpu.dma_semaphore, #tpu.memory_space<semaphore_mem>>)
      %dma_wait3A_38 = tpu.memref_slice %arg2[%mul3A_2] : memref<16384xi32, #tpu.memory_space<hbm>> -> memref<512xi32, #tpu.memory_space<hbm>>
      %dma_wait3A_39 = tpu.memref_slice %arg2[%mul3A_2] : memref<16384xi32, #tpu.memory_space<hbm>> -> memref<512xi32, #tpu.memory_space<hbm>>
      tpu.wait_dma2 semaphore(%run_scoped3A : memref<!tpu.dma_semaphore, #tpu.memory_space<semaphore_mem>>) src(%dma_wait3A_39 : memref<512xi32, #tpu.memory_space<hbm>>) dst(%arg8 : memref<512xi32, #tpu.memory_space<vmem>>)
      tpu.yield
    }) : () -> ()
    "tpu.region"() ({
      %run_scoped3A = tpu.sem_alloc : memref<!tpu.dma_semaphore, #tpu.memory_space<semaphore_mem>>
      %dma_start3A = tpu.memref_slice %arg3[%mul3A_2] : memref<16384xi32, #tpu.memory_space<hbm>> -> memref<512xi32, #tpu.memory_space<hbm>>
      %dma_start3A_37 = tpu.memref_slice %arg3[%mul3A_2] : memref<16384xi32, #tpu.memory_space<hbm>> -> memref<512xi32, #tpu.memory_space<hbm>>
      tpu.enqueue_dma source(%dma_start3A_37 : memref<512xi32, #tpu.memory_space<hbm>>) target(%arg9 : memref<512xi32, #tpu.memory_space<vmem>>) target_semaphore(%run_scoped3A : memref<!tpu.dma_semaphore, #tpu.memory_space<semaphore_mem>>)
      %dma_wait3A_38 = tpu.memref_slice %arg3[%mul3A_2] : memref<16384xi32, #tpu.memory_space<hbm>> -> memref<512xi32, #tpu.memory_space<hbm>>
      %dma_wait3A_39 = tpu.memref_slice %arg3[%mul3A_2] : memref<16384xi32, #tpu.memory_space<hbm>> -> memref<512xi32, #tpu.memory_space<hbm>>
      tpu.wait_dma2 semaphore(%run_scoped3A : memref<!tpu.dma_semaphore, #tpu.memory_space<semaphore_mem>>) src(%dma_wait3A_39 : memref<512xi32, #tpu.memory_space<hbm>>) dst(%arg9 : memref<512xi32, #tpu.memory_space<vmem>>)
      tpu.yield
    }) : () -> ()
    %iota3A = tpu.iota {dimensions = array<i32: 0>} : vector<16xi32>
    %scan3A = arith.constant 0 : i32
    %scan3A_3 = arith.constant 0 : i32
    %scan3A_4 = arith.constant 16 : i32
    %scan3A_5 = arith.addi %scan3A_3, %scan3A_4 : i32
    %scan3A_6 = arith.constant 1 : i32
    scf.for %scan3A_37 = %scan3A_3 to %scan3A_5 step %scan3A_6  : i32 {
      %mul3A_38 = arith.constant 16 : i32
      %mul3A_39 = arith.muli %scan3A_37, %mul3A_38 : i32
      %add3A_40 = arith.constant 0 : i32
      %add3A_41 = arith.addi %add3A_40, %mul3A_39 : i32
      %get3A = arith.index_cast %add3A_41 : i32 to index
      %get3A_42 = tpu.vector_load %arg8[%get3A] {strides = array<i32>} : memref<512xi32, #tpu.memory_space<vmem>>, vector<16xi32>,
      %get3A_43 = arith.index_cast %add3A_41 : i32 to index
      %get3A_44 = tpu.vector_load %arg9[%get3A_43] {strides = array<i32>} : memref<512xi32, #tpu.memory_space<vmem>>, vector<16xi32>,
      %eq3A = arith.constant 0 : i32
      %eq3A_45 = vector.broadcast %eq3A : i32 to vector<16xi32>
      %eq3A_46 = arith.cmpi eq, %iota3A, %eq3A_45 : vector<16xi32>
      %jit3A = arith.constant 0 : i32
      %broadcast_in_dim3A = vector.broadcast %jit3A : i32 to vector<16xi32>
      %select_n3A = arith.select %eq3A_46, %get3A_42, %broadcast_in_dim3A : vector<16xi1>, vector<16xi32>
      %reduce_max3A = arith.constant true
      %reduce_max3A_47 = vector.broadcast %reduce_max3A : i1 to vector<16xi1>
      %reduce_max3A_48 = arith.constant -2147483648 : i32
      %reduce_max3A_49 = vector.broadcast %reduce_max3A_48 : i32 to vector<16xi32>
      %reduce_max3A_50 = arith.xori %select_n3A, %reduce_max3A_49 : vector<16xi32>
      %reduce_max3A_51 = tpu.scan <max>, %reduce_max3A_50 masked %reduce_max3A_47 : vector<16xi32>, vector<16xi1> -> vector<16xi32>
      %reduce_max3A_52 = arith.xori %reduce_max3A_51, %reduce_max3A_49 : vector<16xi32>
      %reduce_max3A_53 = vector.extract %reduce_max3A_52[15] : i32 from vector<16xi32>
      %eq3A_54 = arith.constant 0 : i32
      %eq3A_55 = vector.broadcast %eq3A_54 : i32 to vector<16xi32>
      %eq3A_56 = arith.cmpi eq, %iota3A, %eq3A_55 : vector<16xi32>
      %jit3A_57 = arith.constant 0 : i32
      %broadcast_in_dim3A_58 = vector.broadcast %jit3A_57 : i32 to vector<16xi32>
      %select_n3A_59 = arith.select %eq3A_56, %get3A_44, %broadcast_in_dim3A_58 : vector<16xi1>, vector<16xi32>
      %reduce_max3A_60 = arith.constant true
      %reduce_max3A_61 = vector.broadcast %reduce_max3A_60 : i1 to vector<16xi1>
      %reduce_max3A_62 = arith.constant -2147483648 : i32
      %reduce_max3A_63 = vector.broadcast %reduce_max3A_62 : i32 to vector<16xi32>
      %reduce_max3A_64 = arith.xori %select_n3A_59, %reduce_max3A_63 : vector<16xi32>
      %reduce_max3A_65 = tpu.scan <max>, %reduce_max3A_64 masked %reduce_max3A_61 : vector<16xi32>, vector<16xi1> -> vector<16xi32>
      %reduce_max3A_66 = arith.xori %reduce_max3A_65, %reduce_max3A_63 : vector<16xi32>
      %reduce_max3A_67 = vector.extract %reduce_max3A_66[15] : i32 from vector<16xi32>
      %mul3A_68 = arith.constant 16 : i32
      %mul3A_69 = arith.muli %scan3A_37, %mul3A_68 : i32
      %add3A_70 = arith.constant 0 : i32
      %add3A_71 = arith.addi %mul3A_69, %add3A_70 : i32
      %dma_start3A = arith.constant 0 : i32
      %dma_start3A_72 = tpu.memref_slice %arg10[%add3A_71, %dma_start3A] : memref<256x64xf32, #tpu.memory_space<vmem>> -> memref<1x64xf32, #tpu.memory_space<vmem>>
      %dma_start3A_73 = arith.constant 0 : i32
      %dma_start3A_74 = tpu.memref_slice %arg4[%reduce_max3A_53, %dma_start3A_73] : memref<1000000x64xf32, #tpu.memory_space<hbm>> -> memref<1x64xf32, #tpu.memory_space<hbm>>
      %dma_start3A_75 = arith.constant 0 : i32
      %dma_start3A_76 = tpu.memref_slice %arg10[%add3A_71, %dma_start3A_75] : memref<256x64xf32, #tpu.memory_space<vmem>> -> memref<1x64xf32, #tpu.memory_space<vmem>>
      %dma_start3A_77 = arith.constant 0 : i32
      %dma_start3A_78 = tpu.memref_slice %arg4[%reduce_max3A_53, %dma_start3A_77] : memref<1000000x64xf32, #tpu.memory_space<hbm>> -> memref<1x64xf32, #tpu.memory_space<hbm>>
      tpu.enqueue_dma source(%dma_start3A_78 : memref<1x64xf32, #tpu.memory_space<hbm>>) target(%dma_start3A_76 : memref<1x64xf32, #tpu.memory_space<vmem>>) target_semaphore(%arg12 : memref<!tpu.dma_semaphore, #tpu.memory_space<semaphore_mem>>)
      %dma_start3A_79 = arith.constant 0 : i32
      %dma_start3A_80 = tpu.memref_slice %arg11[%add3A_71, %dma_start3A_79] : memref<256x64xf32, #tpu.memory_space<vmem>> -> memref<1x64xf32, #tpu.memory_space<vmem>>
      %dma_start3A_81 = arith.constant 0 : i32
      %dma_start3A_82 = tpu.memref_slice %arg5[%reduce_max3A_67, %dma_start3A_81] : memref<1000000x64xf32, #tpu.memory_space<hbm>> -> memref<1x64xf32, #tpu.memory_space<hbm>>
      %dma_start3A_83 = arith.constant 0 : i32
      %dma_start3A_84 = tpu.memref_slice %arg11[%add3A_71, %dma_start3A_83] : memref<256x64xf32, #tpu.memory_space<vmem>> -> memref<1x64xf32, #tpu.memory_space<vmem>>
      %dma_start3A_85 = arith.constant 0 : i32
      %dma_start3A_86 = tpu.memref_slice %arg5[%reduce_max3A_67, %dma_start3A_85] : memref<1000000x64xf32, #tpu.memory_space<hbm>> -> memref<1x64xf32, #tpu.memory_space<hbm>>
      tpu.enqueue_dma source(%dma_start3A_86 : memref<1x64xf32, #tpu.memory_space<hbm>>) target(%dma_start3A_84 : memref<1x64xf32, #tpu.memory_space<vmem>>) target_semaphore(%arg12 : memref<!tpu.dma_semaphore, #tpu.memory_space<semaphore_mem>>)
      %eq3A_87 = arith.constant 1 : i32
      %eq3A_88 = vector.broadcast %eq3A_87 : i32 to vector<16xi32>
      %eq3A_89 = arith.cmpi eq, %iota3A, %eq3A_88 : vector<16xi32>
      %jit3A_90 = arith.constant 0 : i32
      %broadcast_in_dim3A_91 = vector.broadcast %jit3A_90 : i32 to vector<16xi32>
      %select_n3A_92 = arith.select %eq3A_89, %get3A_42, %broadcast_in_dim3A_91 : vector<16xi1>, vector<16xi32>
      %reduce_max3A_93 = arith.constant true
      %reduce_max3A_94 = vector.broadcast %reduce_max3A_93 : i1 to vector<16xi1>
      %reduce_max3A_95 = arith.constant -2147483648 : i32
      %reduce_max3A_96 = vector.broadcast %reduce_max3A_95 : i32 to vector<16xi32>
      %reduce_max3A_97 = arith.xori %select_n3A_92, %reduce_max3A_96 : vector<16xi32>
      %reduce_max3A_98 = tpu.scan <max>, %reduce_max3A_97 masked %reduce_max3A_94 : vector<16xi32>, vector<16xi1> -> vector<16xi32>
      %reduce_max3A_99 = arith.xori %reduce_max3A_98, %reduce_max3A_96 : vector<16xi32>
      %reduce_max3A_100 = vector.extract %reduce_max3A_99[15] : i32 from vector<16xi32>
      %eq3A_101 = arith.constant 1 : i32
      %eq3A_102 = vector.broadcast %eq3A_101 : i32 to vector<16xi32>
      %eq3A_103 = arith.cmpi eq, %iota3A, %eq3A_102 : vector<16xi32>
      %jit3A_104 = arith.constant 0 : i32
      %broadcast_in_dim3A_105 = vector.broadcast %jit3A_104 : i32 to vector<16xi32>
      %select_n3A_106 = arith.select %eq3A_103, %get3A_44, %broadcast_in_dim3A_105 : vector<16xi1>, vector<16xi32>
      %reduce_max3A_107 = arith.constant true
      %reduce_max3A_108 = vector.broadcast %reduce_max3A_107 : i1 to vector<16xi1>
      %reduce_max3A_109 = arith.constant -2147483648 : i32
      %reduce_max3A_110 = vector.broadcast %reduce_max3A_109 : i32 to vector<16xi32>
      %reduce_max3A_111 = arith.xori %select_n3A_106, %reduce_max3A_110 : vector<16xi32>
      %reduce_max3A_112 = tpu.scan <max>, %reduce_max3A_111 masked %reduce_max3A_108 : vector<16xi32>, vector<16xi1> -> vector<16xi32>
      %reduce_max3A_113 = arith.xori %reduce_max3A_112, %reduce_max3A_110 : vector<16xi32>
      %reduce_max3A_114 = vector.extract %reduce_max3A_113[15] : i32 from vector<16xi32>
      %mul3A_115 = arith.constant 16 : i32
      %mul3A_116 = arith.muli %scan3A_37, %mul3A_115 : i32
      %add3A_117 = arith.constant 1 : i32
      %add3A_118 = arith.addi %mul3A_116, %add3A_117 : i32
      %dma_start3A_119 = arith.constant 0 : i32
      %dma_start3A_120 = tpu.memref_slice %arg10[%add3A_118, %dma_start3A_119] : memref<256x64xf32, #tpu.memory_space<vmem>> -> memref<1x64xf32, #tpu.memory_space<vmem>>
      %dma_start3A_121 = arith.constant 0 : i32
      %dma_start3A_122 = tpu.memref_slice %arg4[%reduce_max3A_100, %dma_start3A_121] : memref<1000000x64xf32, #tpu.memory_space<hbm>> -> memref<1x64xf32, #tpu.memory_space<hbm>>
      %dma_start3A_123 = arith.constant 0 : i32
      %dma_start3A_124 = tpu.memref_slice %arg10[%add3A_118, %dma_start3A_123] : memref<256x64xf32, #tpu.memory_space<vmem>> -> memref<1x64xf32, #tpu.memory_space<vmem>>
      %dma_start3A_125 = arith.constant 0 : i32
      %dma_start3A_126 = tpu.memref_slice %arg4[%reduce_max3A_100, %dma_start3A_125] : memref<1000000x64xf32, #tpu.memory_space<hbm>> -> memref<1x64xf32, #tpu.memory_space<hbm>>
      tpu.enqueue_dma source(%dma_start3A_126 : memref<1x64xf32, #tpu.memory_space<hbm>>) target(%dma_start3A_124 : memref<1x64xf32, #tpu.memory_space<vmem>>) target_semaphore(%arg12 : memref<!tpu.dma_semaphore, #tpu.memory_space<semaphore_mem>>)
      %dma_start3A_127 = arith.constant 0 : i32
      %dma_start3A_128 = tpu.memref_slice %arg11[%add3A_118, %dma_start3A_127] : memref<256x64xf32, #tpu.memory_space<vmem>> -> memref<1x64xf32, #tpu.memory_space<vmem>>
      %dma_start3A_129 = arith.constant 0 : i32
      %dma_start3A_130 = tpu.memref_slice %arg5[%reduce_max3A_114, %dma_start3A_129] : memref<1000000x64xf32, #tpu.memory_space<hbm>> -> memref<1x64xf32, #tpu.memory_space<hbm>>
      %dma_start3A_131 = arith.constant 0 : i32
      %dma_start3A_132 = tpu.memref_slice %arg11[%add3A_118, %dma_start3A_131] : memref<256x64xf32, #tpu.memory_space<vmem>> -> memref<1x64xf32, #tpu.memory_space<vmem>>
      %dma_start3A_133 = arith.constant 0 : i32
      %dma_start3A_134 = tpu.memref_slice %arg5[%reduce_max3A_114, %dma_start3A_133] : memref<1000000x64xf32, #tpu.memory_space<hbm>> -> memref<1x64xf32, #tpu.memory_space<hbm>>
      tpu.enqueue_dma source(%dma_start3A_134 : memref<1x64xf32, #tpu.memory_space<hbm>>) target(%dma_start3A_132 : memref<1x64xf32, #tpu.memory_space<vmem>>) target_semaphore(%arg12 : memref<!tpu.dma_semaphore, #tpu.memory_space<semaphore_mem>>)
      %eq3A_135 = arith.constant 2 : i32
      %eq3A_136 = vector.broadcast %eq3A_135 : i32 to vector<16xi32>
      %eq3A_137 = arith.cmpi eq, %iota3A, %eq3A_136 : vector<16xi32>
      %jit3A_138 = arith.constant 0 : i32
      %broadcast_in_dim3A_139 = vector.broadcast %jit3A_138 : i32 to vector<16xi32>
      %select_n3A_140 = arith.select %eq3A_137, %get3A_42, %broadcast_in_dim3A_139 : vector<16xi1>, vector<16xi32>
      %reduce_max3A_141 = arith.constant true
      %reduce_max3A_142 = vector.broadcast %reduce_max3A_141 : i1 to vector<16xi1>
      %reduce_max3A_143 = arith.constant -2147483648 : i32
      %reduce_max3A_144 = vector.broadcast %reduce_max3A_143 : i32 to vector<16xi32>
      %reduce_max3A_145 = arith.xori %select_n3A_140, %reduce_max3A_144 : vector<16xi32>
      %reduce_max3A_146 = tpu.scan <max>, %reduce_max3A_145 masked %reduce_max3A_142 : vector<16xi32>, vector<16xi1> -> vector<16xi32>
      %reduce_max3A_147 = arith.xori %reduce_max3A_146, %reduce_max3A_144 : vector<16xi32>
      %reduce_max3A_148 = vector.extract %reduce_max3A_147[15] : i32 from vector<16xi32>
      %eq3A_149 = arith.constant 2 : i32
      %eq3A_150 = vector.broadcast %eq3A_149 : i32 to vector<16xi32>
      %eq3A_151 = arith.cmpi eq, %iota3A, %eq3A_150 : vector<16xi32>
      %jit3A_152 = arith.constant 0 : i32
      %broadcast_in_dim3A_153 = vector.broadcast %jit3A_152 : i32 to vector<16xi32>
      %select_n3A_154 = arith.select %eq3A_151, %get3A_44, %broadcast_in_dim3A_153 : vector<16xi1>, vector<16xi32>
      %reduce_max3A_155 = arith.constant true
      %reduce_max3A_156 = vector.broadcast %reduce_max3A_155 : i1 to vector<16xi1>
      %reduce_max3A_157 = arith.constant -2147483648 : i32
      %reduce_max3A_158 = vector.broadcast %reduce_max3A_157 : i32 to vector<16xi32>
      %reduce_max3A_159 = arith.xori %select_n3A_154, %reduce_max3A_158 : vector<16xi32>
      %reduce_max3A_160 = tpu.scan <max>, %reduce_max3A_159 masked %reduce_max3A_156 : vector<16xi32>, vector<16xi1> -> vector<16xi32>
      %reduce_max3A_161 = arith.xori %reduce_max3A_160, %reduce_max3A_158 : vector<16xi32>
      %reduce_max3A_162 = vector.extract %reduce_max3A_161[15] : i32 from vector<16xi32>
      %mul3A_163 = arith.constant 16 : i32
      %mul3A_164 = arith.muli %scan3A_37, %mul3A_163 : i32
      %add3A_165 = arith.constant 2 : i32
      %add3A_166 = arith.addi %mul3A_164, %add3A_165 : i32
      %dma_start3A_167 = arith.constant 0 : i32
      %dma_start3A_168 = tpu.memref_slice %arg10[%add3A_166, %dma_start3A_167] : memref<256x64xf32, #tpu.memory_space<vmem>> -> memref<1x64xf32, #tpu.memory_space<vmem>>
      %dma_start3A_169 = arith.constant 0 : i32
      %dma_start3A_170 = tpu.memref_slice %arg4[%reduce_max3A_148, %dma_start3A_169] : memref<1000000x64xf32, #tpu.memory_space<hbm>> -> memref<1x64xf32, #tpu.memory_space<hbm>>
      %dma_start3A_171 = arith.constant 0 : i32
      %dma_start3A_172 = tpu.memref_slice %arg10[%add3A_166, %dma_start3A_171] : memref<256x64xf32, #tpu.memory_space<vmem>> -> memref<1x64xf32, #tpu.memory_space<vmem>>
      %dma_start3A_173 = arith.constant 0 : i32
      %dma_start3A_174 = tpu.memref_slice %arg4[%reduce_max3A_148, %dma_start3A_173] : memref<1000000x64xf32, #tpu.memory_space<hbm>> -> memref<1x64xf32, #tpu.memory_space<hbm>>
      tpu.enqueue_dma source(%dma_start3A_174 : memref<1x64xf32, #tpu.memory_space<hbm>>) target(%dma_start3A_172 : memref<1x64xf32, #tpu.memory_space<vmem>>) target_semaphore(%arg12 : memref<!tpu.dma_semaphore, #tpu.memory_space<semaphore_mem>>)
      %dma_start3A_175 = arith.constant 0 : i32
      %dma_start3A_176 = tpu.memref_slice %arg11[%add3A_166, %dma_start3A_175] : memref<256x64xf32, #tpu.memory_space<vmem>> -> memref<1x64xf32, #tpu.memory_space<vmem>>
      %dma_start3A_177 = arith.constant 0 : i32
      %dma_start3A_178 = tpu.memref_slice %arg5[%reduce_max3A_162, %dma_start3A_177] : memref<1000000x64xf32, #tpu.memory_space<hbm>> -> memref<1x64xf32, #tpu.memory_space<hbm>>
      %dma_start3A_179 = arith.constant 0 : i32
      %dma_start3A_180 = tpu.memref_slice %arg11[%add3A_166, %dma_start3A_179] : memref<256x64xf32, #tpu.memory_space<vmem>> -> memref<1x64xf32, #tpu.memory_space<vmem>>
      %dma_start3A_181 = arith.constant 0 : i32
      %dma_start3A_182 = tpu.memref_slice %arg5[%reduce_max3A_162, %dma_start3A_181] : memref<1000000x64xf32, #tpu.memory_space<hbm>> -> memref<1x64xf32, #tpu.memory_space<hbm>>
      tpu.enqueue_dma source(%dma_start3A_182 : memref<1x64xf32, #tpu.memory_space<hbm>>) target(%dma_start3A_180 : memref<1x64xf32, #tpu.memory_space<vmem>>) target_semaphore(%arg12 : memref<!tpu.dma_semaphore, #tpu.memory_space<semaphore_mem>>)
      %eq3A_183 = arith.constant 3 : i32
      %eq3A_184 = vector.broadcast %eq3A_183 : i32 to vector<16xi32>
      %eq3A_185 = arith.cmpi eq, %iota3A, %eq3A_184 : vector<16xi32>
      %jit3A_186 = arith.constant 0 : i32
      %broadcast_in_dim3A_187 = vector.broadcast %jit3A_186 : i32 to vector<16xi32>
      %select_n3A_188 = arith.select %eq3A_185, %get3A_42, %broadcast_in_dim3A_187 : vector<16xi1>, vector<16xi32>
      %reduce_max3A_189 = arith.constant true
      %reduce_max3A_190 = vector.broadcast %reduce_max3A_189 : i1 to vector<16xi1>
      %reduce_max3A_191 = arith.constant -2147483648 : i32
      %reduce_max3A_192 = vector.broadcast %reduce_max3A_191 : i32 to vector<16xi32>
      %reduce_max3A_193 = arith.xori %select_n3A_188, %reduce_max3A_192 : vector<16xi32>
      %reduce_max3A_194 = tpu.scan <max>, %reduce_max3A_193 masked %reduce_max3A_190 : vector<16xi32>, vector<16xi1> -> vector<16xi32>
      %reduce_max3A_195 = arith.xori %reduce_max3A_194, %reduce_max3A_192 : vector<16xi32>
      %reduce_max3A_196 = vector.extract %reduce_max3A_195[15] : i32 from vector<16xi32>
      %eq3A_197 = arith.constant 3 : i32
      %eq3A_198 = vector.broadcast %eq3A_197 : i32 to vector<16xi32>
      %eq3A_199 = arith.cmpi eq, %iota3A, %eq3A_198 : vector<16xi32>
      %jit3A_200 = arith.constant 0 : i32
      %broadcast_in_dim3A_201 = vector.broadcast %jit3A_200 : i32 to vector<16xi32>
      %select_n3A_202 = arith.select %eq3A_199, %get3A_44, %broadcast_in_dim3A_201 : vector<16xi1>, vector<16xi32>
      %reduce_max3A_203 = arith.constant true
      %reduce_max3A_204 = vector.broadcast %reduce_max3A_203 : i1 to vector<16xi1>
      %reduce_max3A_205 = arith.constant -2147483648 : i32
      %reduce_max3A_206 = vector.broadcast %reduce_max3A_205 : i32 to vector<16xi32>
      %reduce_max3A_207 = arith.xori %select_n3A_202, %reduce_max3A_206 : vector<16xi32>
      %reduce_max3A_208 = tpu.scan <max>, %reduce_max3A_207 masked %reduce_max3A_204 : vector<16xi32>, vector<16xi1> -> vector<16xi32>
      %reduce_max3A_209 = arith.xori %reduce_max3A_208, %reduce_max3A_206 : vector<16xi32>
      %reduce_max3A_210 = vector.extract %reduce_max3A_209[15] : i32 from vector<16xi32>
      %mul3A_211 = arith.constant 16 : i32
      %mul3A_212 = arith.muli %scan3A_37, %mul3A_211 : i32
      %add3A_213 = arith.constant 3 : i32
      %add3A_214 = arith.addi %mul3A_212, %add3A_213 : i32
      %dma_start3A_215 = arith.constant 0 : i32
      %dma_start3A_216 = tpu.memref_slice %arg10[%add3A_214, %dma_start3A_215] : memref<256x64xf32, #tpu.memory_space<vmem>> -> memref<1x64xf32, #tpu.memory_space<vmem>>
      %dma_start3A_217 = arith.constant 0 : i32
      %dma_start3A_218 = tpu.memref_slice %arg4[%reduce_max3A_196, %dma_start3A_217] : memref<1000000x64xf32, #tpu.memory_space<hbm>> -> memref<1x64xf32, #tpu.memory_space<hbm>>
      %dma_start3A_219 = arith.constant 0 : i32
      %dma_start3A_220 = tpu.memref_slice %arg10[%add3A_214, %dma_start3A_219] : memref<256x64xf32, #tpu.memory_space<vmem>> -> memref<1x64xf32, #tpu.memory_space<vmem>>
      %dma_start3A_221 = arith.constant 0 : i32
      %dma_start3A_222 = tpu.memref_slice %arg4[%reduce_max3A_196, %dma_start3A_221] : memref<1000000x64xf32, #tpu.memory_space<hbm>> -> memref<1x64xf32, #tpu.memory_space<hbm>>
      tpu.enqueue_dma source(%dma_start3A_222 : memref<1x64xf32, #tpu.memory_space<hbm>>) target(%dma_start3A_220 : memref<1x64xf32, #tpu.memory_space<vmem>>) target_semaphore(%arg12 : memref<!tpu.dma_semaphore, #tpu.memory_space<semaphore_mem>>)
      %dma_start3A_223 = arith.constant 0 : i32
      %dma_start3A_224 = tpu.memref_slice %arg11[%add3A_214, %dma_start3A_223] : memref<256x64xf32, #tpu.memory_space<vmem>> -> memref<1x64xf32, #tpu.memory_space<vmem>>
      %dma_start3A_225 = arith.constant 0 : i32
      %dma_start3A_226 = tpu.memref_slice %arg5[%reduce_max3A_210, %dma_start3A_225] : memref<1000000x64xf32, #tpu.memory_space<hbm>> -> memref<1x64xf32, #tpu.memory_space<hbm>>
      %dma_start3A_227 = arith.constant 0 : i32
      %dma_start3A_228 = tpu.memref_slice %arg11[%add3A_214, %dma_start3A_227] : memref<256x64xf32, #tpu.memory_space<vmem>> -> memref<1x64xf32, #tpu.memory_space<vmem>>
      %dma_start3A_229 = arith.constant 0 : i32
      %dma_start3A_230 = tpu.memref_slice %arg5[%reduce_max3A_210, %dma_start3A_229] : memref<1000000x64xf32, #tpu.memory_space<hbm>> -> memref<1x64xf32, #tpu.memory_space<hbm>>
      tpu.enqueue_dma source(%dma_start3A_230 : memref<1x64xf32, #tpu.memory_space<hbm>>) target(%dma_start3A_228 : memref<1x64xf32, #tpu.memory_space<vmem>>) target_semaphore(%arg12 : memref<!tpu.dma_semaphore, #tpu.memory_space<semaphore_mem>>)
      %eq3A_231 = arith.constant 4 : i32
      %eq3A_232 = vector.broadcast %eq3A_231 : i32 to vector<16xi32>
      %eq3A_233 = arith.cmpi eq, %iota3A, %eq3A_232 : vector<16xi32>
      %jit3A_234 = arith.constant 0 : i32
      %broadcast_in_dim3A_235 = vector.broadcast %jit3A_234 : i32 to vector<16xi32>
      %select_n3A_236 = arith.select %eq3A_233, %get3A_42, %broadcast_in_dim3A_235 : vector<16xi1>, vector<16xi32>
      %reduce_max3A_237 = arith.constant true
      %reduce_max3A_238 = vector.broadcast %reduce_max3A_237 : i1 to vector<16xi1>
      %reduce_max3A_239 = arith.constant -2147483648 : i32
      %reduce_max3A_240 = vector.broadcast %reduce_max3A_239 : i32 to vector<16xi32>
      %reduce_max3A_241 = arith.xori %select_n3A_236, %reduce_max3A_240 : vector<16xi32>
      %reduce_max3A_242 = tpu.scan <max>, %reduce_max3A_241 masked %reduce_max3A_238 : vector<16xi32>, vector<16xi1> -> vector<16xi32>
      %reduce_max3A_243 = arith.xori %reduce_max3A_242, %reduce_max3A_240 : vector<16xi32>
      %reduce_max3A_244 = vector.extract %reduce_max3A_243[15] : i32 from vector<16xi32>
      %eq3A_245 = arith.constant 4 : i32
      %eq3A_246 = vector.broadcast %eq3A_245 : i32 to vector<16xi32>
      %eq3A_247 = arith.cmpi eq, %iota3A, %eq3A_246 : vector<16xi32>
      %jit3A_248 = arith.constant 0 : i32
      %broadcast_in_dim3A_249 = vector.broadcast %jit3A_248 : i32 to vector<16xi32>
      %select_n3A_250 = arith.select %eq3A_247, %get3A_44, %broadcast_in_dim3A_249 : vector<16xi1>, vector<16xi32>
      %reduce_max3A_251 = arith.constant true
      %reduce_max3A_252 = vector.broadcast %reduce_max3A_251 : i1 to vector<16xi1>
      %reduce_max3A_253 = arith.constant -2147483648 : i32
      %reduce_max3A_254 = vector.broadcast %reduce_max3A_253 : i32 to vector<16xi32>
      %reduce_max3A_255 = arith.xori %select_n3A_250, %reduce_max3A_254 : vector<16xi32>
      %reduce_max3A_256 = tpu.scan <max>, %reduce_max3A_255 masked %reduce_max3A_252 : vector<16xi32>, vector<16xi1> -> vector<16xi32>
      %reduce_max3A_257 = arith.xori %reduce_max3A_256, %reduce_max3A_254 : vector<16xi32>
      %reduce_max3A_258 = vector.extract %reduce_max3A_257[15] : i32 from vector<16xi32>
      %mul3A_259 = arith.constant 16 : i32
      %mul3A_260 = arith.muli %scan3A_37, %mul3A_259 : i32
      %add3A_261 = arith.constant 4 : i32
      %add3A_262 = arith.addi %mul3A_260, %add3A_261 : i32
      %dma_start3A_263 = arith.constant 0 : i32
      %dma_start3A_264 = tpu.memref_slice %arg10[%add3A_262, %dma_start3A_263] : memref<256x64xf32, #tpu.memory_space<vmem>> -> memref<1x64xf32, #tpu.memory_space<vmem>>
      %dma_start3A_265 = arith.constant 0 : i32
      %dma_start3A_266 = tpu.memref_slice %arg4[%reduce_max3A_244, %dma_start3A_265] : memref<1000000x64xf32, #tpu.memory_space<hbm>> -> memref<1x64xf32, #tpu.memory_space<hbm>>
      %dma_start3A_267 = arith.constant 0 : i32
      %dma_start3A_268 = tpu.memref_slice %arg10[%add3A_262, %dma_start3A_267] : memref<256x64xf32, #tpu.memory_space<vmem>> -> memref<1x64xf32, #tpu.memory_space<vmem>>
      %dma_start3A_269 = arith.constant 0 : i32
      %dma_start3A_270 = tpu.memref_slice %arg4[%reduce_max3A_244, %dma_start3A_269] : memref<1000000x64xf32, #tpu.memory_space<hbm>> -> memref<1x64xf32, #tpu.memory_space<hbm>>
      tpu.enqueue_dma source(%dma_start3A_270 : memref<1x64xf32, #tpu.memory_space<hbm>>) target(%dma_start3A_268 : memref<1x64xf32, #tpu.memory_space<vmem>>) target_semaphore(%arg12 : memref<!tpu.dma_semaphore, #tpu.memory_space<semaphore_mem>>)
      %dma_start3A_271 = arith.constant 0 : i32
      %dma_start3A_272 = tpu.memref_slice %arg11[%add3A_262, %dma_start3A_271] : memref<256x64xf32, #tpu.memory_space<vmem>> -> memref<1x64xf32, #tpu.memory_space<vmem>>
      %dma_start3A_273 = arith.constant 0 : i32
      %dma_start3A_274 = tpu.memref_slice %arg5[%reduce_max3A_258, %dma_start3A_273] : memref<1000000x64xf32, #tpu.memory_space<hbm>> -> memref<1x64xf32, #tpu.memory_space<hbm>>
      %dma_start3A_275 = arith.constant 0 : i32
      %dma_start3A_276 = tpu.memref_slice %arg11[%add3A_262, %dma_start3A_275] : memref<256x64xf32, #tpu.memory_space<vmem>> -> memref<1x64xf32, #tpu.memory_space<vmem>>
      %dma_start3A_277 = arith.constant 0 : i32
      %dma_start3A_278 = tpu.memref_slice %arg5[%reduce_max3A_258, %dma_start3A_277] : memref<1000000x64xf32, #tpu.memory_space<hbm>> -> memref<1x64xf32, #tpu.memory_space<hbm>>
      tpu.enqueue_dma source(%dma_start3A_278 : memref<1x64xf32, #tpu.memory_space<hbm>>) target(%dma_start3A_276 : memref<1x64xf32, #tpu.memory_space<vmem>>) target_semaphore(%arg12 : memref<!tpu.dma_semaphore, #tpu.memory_space<semaphore_mem>>)
      %eq3A_279 = arith.constant 5 : i32
      %eq3A_280 = vector.broadcast %eq3A_279 : i32 to vector<16xi32>
      %eq3A_281 = arith.cmpi eq, %iota3A, %eq3A_280 : vector<16xi32>
      %jit3A_282 = arith.constant 0 : i32
      %broadcast_in_dim3A_283 = vector.broadcast %jit3A_282 : i32 to vector<16xi32>
      %select_n3A_284 = arith.select %eq3A_281, %get3A_42, %broadcast_in_dim3A_283 : vector<16xi1>, vector<16xi32>
      %reduce_max3A_285 = arith.constant true
      %reduce_max3A_286 = vector.broadcast %reduce_max3A_285 : i1 to vector<16xi1>
      %reduce_max3A_287 = arith.constant -2147483648 : i32
      %reduce_max3A_288 = vector.broadcast %reduce_max3A_287 : i32 to vector<16xi32>
      %reduce_max3A_289 = arith.xori %select_n3A_284, %reduce_max3A_288 : vector<16xi32>
      %reduce_max3A_290 = tpu.scan <max>, %reduce_max3A_289 masked %reduce_max3A_286 : vector<16xi32>, vector<16xi1> -> vector<16xi32>
      %reduce_max3A_291 = arith.xori %reduce_max3A_290, %reduce_max3A_288 : vector<16xi32>
      %reduce_max3A_292 = vector.extract %reduce_max3A_291[15] : i32 from vector<16xi32>
      %eq3A_293 = arith.constant 5 : i32
      %eq3A_294 = vector.broadcast %eq3A_293 : i32 to vector<16xi32>
      %eq3A_295 = arith.cmpi eq, %iota3A, %eq3A_294 : vector<16xi32>
      %jit3A_296 = arith.constant 0 : i32
      %broadcast_in_dim3A_297 = vector.broadcast %jit3A_296 : i32 to vector<16xi32>
      %select_n3A_298 = arith.select %eq3A_295, %get3A_44, %broadcast_in_dim3A_297 : vector<16xi1>, vector<16xi32>
      %reduce_max3A_299 = arith.constant true
      %reduce_max3A_300 = vector.broadcast %reduce_max3A_299 : i1 to vector<16xi1>
      %reduce_max3A_301 = arith.constant -2147483648 : i32
      %reduce_max3A_302 = vector.broadcast %reduce_max3A_301 : i32 to vector<16xi32>
      %reduce_max3A_303 = arith.xori %select_n3A_298, %reduce_max3A_302 : vector<16xi32>
      %reduce_max3A_304 = tpu.scan <max>, %reduce_max3A_303 masked %reduce_max3A_300 : vector<16xi32>, vector<16xi1> -> vector<16xi32>
      %reduce_max3A_305 = arith.xori %reduce_max3A_304, %reduce_max3A_302 : vector<16xi32>
      %reduce_max3A_306 = vector.extract %reduce_max3A_305[15] : i32 from vector<16xi32>
      %mul3A_307 = arith.constant 16 : i32
      %mul3A_308 = arith.muli %scan3A_37, %mul3A_307 : i32
      %add3A_309 = arith.constant 5 : i32
      %add3A_310 = arith.addi %mul3A_308, %add3A_309 : i32
      %dma_start3A_311 = arith.constant 0 : i32
      %dma_start3A_312 = tpu.memref_slice %arg10[%add3A_310, %dma_start3A_311] : memref<256x64xf32, #tpu.memory_space<vmem>> -> memref<1x64xf32, #tpu.memory_space<vmem>>
      %dma_start3A_313 = arith.constant 0 : i32
      %dma_start3A_314 = tpu.memref_slice %arg4[%reduce_max3A_292, %dma_start3A_313] : memref<1000000x64xf32, #tpu.memory_space<hbm>> -> memref<1x64xf32, #tpu.memory_space<hbm>>
      %dma_start3A_315 = arith.constant 0 : i32
      %dma_start3A_316 = tpu.memref_slice %arg10[%add3A_310, %dma_start3A_315] : memref<256x64xf32, #tpu.memory_space<vmem>> -> memref<1x64xf32, #tpu.memory_space<vmem>>
      %dma_start3A_317 = arith.constant 0 : i32
      %dma_start3A_318 = tpu.memref_slice %arg4[%reduce_max3A_292, %dma_start3A_317] : memref<1000000x64xf32, #tpu.memory_space<hbm>> -> memref<1x64xf32, #tpu.memory_space<hbm>>
      tpu.enqueue_dma source(%dma_start3A_318 : memref<1x64xf32, #tpu.memory_space<hbm>>) target(%dma_start3A_316 : memref<1x64xf32, #tpu.memory_space<vmem>>) target_semaphore(%arg12 : memref<!tpu.dma_semaphore, #tpu.memory_space<semaphore_mem>>)
      %dma_start3A_319 = arith.constant 0 : i32
      %dma_start3A_320 = tpu.memref_slice %arg11[%add3A_310, %dma_start3A_319] : memref<256x64xf32, #tpu.memory_space<vmem>> -> memref<1x64xf32, #tpu.memory_space<vmem>>
      %dma_start3A_321 = arith.constant 0 : i32
      %dma_start3A_322 = tpu.memref_slice %arg5[%reduce_max3A_306, %dma_start3A_321] : memref<1000000x64xf32, #tpu.memory_space<hbm>> -> memref<1x64xf32, #tpu.memory_space<hbm>>
      %dma_start3A_323 = arith.constant 0 : i32
      %dma_start3A_324 = tpu.memref_slice %arg11[%add3A_310, %dma_start3A_323] : memref<256x64xf32, #tpu.memory_space<vmem>> -> memref<1x64xf32, #tpu.memory_space<vmem>>
      %dma_start3A_325 = arith.constant 0 : i32
      %dma_start3A_326 = tpu.memref_slice %arg5[%reduce_max3A_306, %dma_start3A_325] : memref<1000000x64xf32, #tpu.memory_space<hbm>> -> memref<1x64xf32, #tpu.memory_space<hbm>>
      tpu.enqueue_dma source(%dma_start3A_326 : memref<1x64xf32, #tpu.memory_space<hbm>>) target(%dma_start3A_324 : memref<1x64xf32, #tpu.memory_space<vmem>>) target_semaphore(%arg12 : memref<!tpu.dma_semaphore, #tpu.memory_space<semaphore_mem>>)
      %eq3A_327 = arith.constant 6 : i32
      %eq3A_328 = vector.broadcast %eq3A_327 : i32 to vector<16xi32>
      %eq3A_329 = arith.cmpi eq, %iota3A, %eq3A_328 : vector<16xi32>
      %jit3A_330 = arith.constant 0 : i32
      %broadcast_in_dim3A_331 = vector.broadcast %jit3A_330 : i32 to vector<16xi32>
      %select_n3A_332 = arith.select %eq3A_329, %get3A_42, %broadcast_in_dim3A_331 : vector<16xi1>, vector<16xi32>
      %reduce_max3A_333 = arith.constant true
      %reduce_max3A_334 = vector.broadcast %reduce_max3A_333 : i1 to vector<16xi1>
      %reduce_max3A_335 = arith.constant -2147483648 : i32
      %reduce_max3A_336 = vector.broadcast %reduce_max3A_335 : i32 to vector<16xi32>
      %reduce_max3A_337 = arith.xori %select_n3A_332, %reduce_max3A_336 : vector<16xi32>
      %reduce_max3A_338 = tpu.scan <max>, %reduce_max3A_337 masked %reduce_max3A_334 : vector<16xi32>, vector<16xi1> -> vector<16xi32>
      %reduce_max3A_339 = arith.xori %reduce_max3A_338, %reduce_max3A_336 : vector<16xi32>
      %reduce_max3A_340 = vector.extract %reduce_max3A_339[15] : i32 from vector<16xi32>
      %eq3A_341 = arith.constant 6 : i32
      %eq3A_342 = vector.broadcast %eq3A_341 : i32 to vector<16xi32>
      %eq3A_343 = arith.cmpi eq, %iota3A, %eq3A_342 : vector<16xi32>
      %jit3A_344 = arith.constant 0 : i32
      %broadcast_in_dim3A_345 = vector.broadcast %jit3A_344 : i32 to vector<16xi32>
      %select_n3A_346 = arith.select %eq3A_343, %get3A_44, %broadcast_in_dim3A_345 : vector<16xi1>, vector<16xi32>
      %reduce_max3A_347 = arith.constant true
      %reduce_max3A_348 = vector.broadcast %reduce_max3A_347 : i1 to vector<16xi1>
      %reduce_max3A_349 = arith.constant -2147483648 : i32
      %reduce_max3A_350 = vector.broadcast %reduce_max3A_349 : i32 to vector<16xi32>
      %reduce_max3A_351 = arith.xori %select_n3A_346, %reduce_max3A_350 : vector<16xi32>
      %reduce_max3A_352 = tpu.scan <max>, %reduce_max3A_351 masked %reduce_max3A_348 : vector<16xi32>, vector<16xi1> -> vector<16xi32>
      %reduce_max3A_353 = arith.xori %reduce_max3A_352, %reduce_max3A_350 : vector<16xi32>
      %reduce_max3A_354 = vector.extract %reduce_max3A_353[15] : i32 from vector<16xi32>
      %mul3A_355 = arith.constant 16 : i32
      %mul3A_356 = arith.muli %scan3A_37, %mul3A_355 : i32
      %add3A_357 = arith.constant 6 : i32
      %add3A_358 = arith.addi %mul3A_356, %add3A_357 : i32
      %dma_start3A_359 = arith.constant 0 : i32
      %dma_start3A_360 = tpu.memref_slice %arg10[%add3A_358, %dma_start3A_359] : memref<256x64xf32, #tpu.memory_space<vmem>> -> memref<1x64xf32, #tpu.memory_space<vmem>>
      %dma_start3A_361 = arith.constant 0 : i32
      %dma_start3A_362 = tpu.memref_slice %arg4[%reduce_max3A_340, %dma_start3A_361] : memref<1000000x64xf32, #tpu.memory_space<hbm>> -> memref<1x64xf32, #tpu.memory_space<hbm>>
      %dma_start3A_363 = arith.constant 0 : i32
      %dma_start3A_364 = tpu.memref_slice %arg10[%add3A_358, %dma_start3A_363] : memref<256x64xf32, #tpu.memory_space<vmem>> -> memref<1x64xf32, #tpu.memory_space<vmem>>
      %dma_start3A_365 = arith.constant 0 : i32
      %dma_start3A_366 = tpu.memref_slice %arg4[%reduce_max3A_340, %dma_start3A_365] : memref<1000000x64xf32, #tpu.memory_space<hbm>> -> memref<1x64xf32, #tpu.memory_space<hbm>>
      tpu.enqueue_dma source(%dma_start3A_366 : memref<1x64xf32, #tpu.memory_space<hbm>>) target(%dma_start3A_364 : memref<1x64xf32, #tpu.memory_space<vmem>>) target_semaphore(%arg12 : memref<!tpu.dma_semaphore, #tpu.memory_space<semaphore_mem>>)
      %dma_start3A_367 = arith.constant 0 : i32
      %dma_start3A_368 = tpu.memref_slice %arg11[%add3A_358, %dma_start3A_367] : memref<256x64xf32, #tpu.memory_space<vmem>> -> memref<1x64xf32, #tpu.memory_space<vmem>>
      %dma_start3A_369 = arith.constant 0 : i32
      %dma_start3A_370 = tpu.memref_slice %arg5[%reduce_max3A_354, %dma_start3A_369] : memref<1000000x64xf32, #tpu.memory_space<hbm>> -> memref<1x64xf32, #tpu.memory_space<hbm>>
      %dma_start3A_371 = arith.constant 0 : i32
      %dma_start3A_372 = tpu.memref_slice %arg11[%add3A_358, %dma_start3A_371] : memref<256x64xf32, #tpu.memory_space<vmem>> -> memref<1x64xf32, #tpu.memory_space<vmem>>
      %dma_start3A_373 = arith.constant 0 : i32
      %dma_start3A_374 = tpu.memref_slice %arg5[%reduce_max3A_354, %dma_start3A_373] : memref<1000000x64xf32, #tpu.memory_space<hbm>> -> memref<1x64xf32, #tpu.memory_space<hbm>>
      tpu.enqueue_dma source(%dma_start3A_374 : memref<1x64xf32, #tpu.memory_space<hbm>>) target(%dma_start3A_372 : memref<1x64xf32, #tpu.memory_space<vmem>>) target_semaphore(%arg12 : memref<!tpu.dma_semaphore, #tpu.memory_space<semaphore_mem>>)
      %eq3A_375 = arith.constant 7 : i32
      %eq3A_376 = vector.broadcast %eq3A_375 : i32 to vector<16xi32>
      %eq3A_377 = arith.cmpi eq, %iota3A, %eq3A_376 : vector<16xi32>
      %jit3A_378 = arith.constant 0 : i32
      %broadcast_in_dim3A_379 = vector.broadcast %jit3A_378 : i32 to vector<16xi32>
      %select_n3A_380 = arith.select %eq3A_377, %get3A_42, %broadcast_in_dim3A_379 : vector<16xi1>, vector<16xi32>
      %reduce_max3A_381 = arith.constant true
      %reduce_max3A_382 = vector.broadcast %reduce_max3A_381 : i1 to vector<16xi1>
      %reduce_max3A_383 = arith.constant -2147483648 : i32
      %reduce_max3A_384 = vector.broadcast %reduce_max3A_383 : i32 to vector<16xi32>
      %reduce_max3A_385 = arith.xori %select_n3A_380, %reduce_max3A_384 : vector<16xi32>
      %reduce_max3A_386 = tpu.scan <max>, %reduce_max3A_385 masked %reduce_max3A_382 : vector<16xi32>, vector<16xi1> -> vector<16xi32>
      %reduce_max3A_387 = arith.xori %reduce_max3A_386, %reduce_max3A_384 : vector<16xi32>
      %reduce_max3A_388 = vector.extract %reduce_max3A_387[15] : i32 from vector<16xi32>
      %eq3A_389 = arith.constant 7 : i32
      %eq3A_390 = vector.broadcast %eq3A_389 : i32 to vector<16xi32>
      %eq3A_391 = arith.cmpi eq, %iota3A, %eq3A_390 : vector<16xi32>
      %jit3A_392 = arith.constant 0 : i32
      %broadcast_in_dim3A_393 = vector.broadcast %jit3A_392 : i32 to vector<16xi32>
      %select_n3A_394 = arith.select %eq3A_391, %get3A_44, %broadcast_in_dim3A_393 : vector<16xi1>, vector<16xi32>
      %reduce_max3A_395 = arith.constant true
      %reduce_max3A_396 = vector.broadcast %reduce_max3A_395 : i1 to vector<16xi1>
      %reduce_max3A_397 = arith.constant -2147483648 : i32
      %reduce_max3A_398 = vector.broadcast %reduce_max3A_397 : i32 to vector<16xi32>
      %reduce_max3A_399 = arith.xori %select_n3A_394, %reduce_max3A_398 : vector<16xi32>
      %reduce_max3A_400 = tpu.scan <max>, %reduce_max3A_399 masked %reduce_max3A_396 : vector<16xi32>, vector<16xi1> -> vector<16xi32>
      %reduce_max3A_401 = arith.xori %reduce_max3A_400, %reduce_max3A_398 : vector<16xi32>
      %reduce_max3A_402 = vector.extract %reduce_max3A_401[15] : i32 from vector<16xi32>
      %mul3A_403 = arith.constant 16 : i32
      %mul3A_404 = arith.muli %scan3A_37, %mul3A_403 : i32
      %add3A_405 = arith.constant 7 : i32
      %add3A_406 = arith.addi %mul3A_404, %add3A_405 : i32
      %dma_start3A_407 = arith.constant 0 : i32
      %dma_start3A_408 = tpu.memref_slice %arg10[%add3A_406, %dma_start3A_407] : memref<256x64xf32, #tpu.memory_space<vmem>> -> memref<1x64xf32, #tpu.memory_space<vmem>>
      %dma_start3A_409 = arith.constant 0 : i32
      %dma_start3A_410 = tpu.memref_slice %arg4[%reduce_max3A_388, %dma_start3A_409] : memref<1000000x64xf32, #tpu.memory_space<hbm>> -> memref<1x64xf32, #tpu.memory_space<hbm>>
      %dma_start3A_411 = arith.constant 0 : i32
      %dma_start3A_412 = tpu.memref_slice %arg10[%add3A_406, %dma_start3A_411] : memref<256x64xf32, #tpu.memory_space<vmem>> -> memref<1x64xf32, #tpu.memory_space<vmem>>
      %dma_start3A_413 = arith.constant 0 : i32
      %dma_start3A_414 = tpu.memref_slice %arg4[%reduce_max3A_388, %dma_start3A_413] : memref<1000000x64xf32, #tpu.memory_space<hbm>> -> memref<1x64xf32, #tpu.memory_space<hbm>>
      tpu.enqueue_dma source(%dma_start3A_414 : memref<1x64xf32, #tpu.memory_space<hbm>>) target(%dma_start3A_412 : memref<1x64xf32, #tpu.memory_space<vmem>>) target_semaphore(%arg12 : memref<!tpu.dma_semaphore, #tpu.memory_space<semaphore_mem>>)
      %dma_start3A_415 = arith.constant 0 : i32
      %dma_start3A_416 = tpu.memref_slice %arg11[%add3A_406, %dma_start3A_415] : memref<256x64xf32, #tpu.memory_space<vmem>> -> memref<1x64xf32, #tpu.memory_space<vmem>>
      %dma_start3A_417 = arith.constant 0 : i32
      %dma_start3A_418 = tpu.memref_slice %arg5[%reduce_max3A_402, %dma_start3A_417] : memref<1000000x64xf32, #tpu.memory_space<hbm>> -> memref<1x64xf32, #tpu.memory_space<hbm>>
      %dma_start3A_419 = arith.constant 0 : i32
      %dma_start3A_420 = tpu.memref_slice %arg11[%add3A_406, %dma_start3A_419] : memref<256x64xf32, #tpu.memory_space<vmem>> -> memref<1x64xf32, #tpu.memory_space<vmem>>
      %dma_start3A_421 = arith.constant 0 : i32
      %dma_start3A_422 = tpu.memref_slice %arg5[%reduce_max3A_402, %dma_start3A_421] : memref<1000000x64xf32, #tpu.memory_space<hbm>> -> memref<1x64xf32, #tpu.memory_space<hbm>>
      tpu.enqueue_dma source(%dma_start3A_422 : memref<1x64xf32, #tpu.memory_space<hbm>>) target(%dma_start3A_420 : memref<1x64xf32, #tpu.memory_space<vmem>>) target_semaphore(%arg12 : memref<!tpu.dma_semaphore, #tpu.memory_space<semaphore_mem>>)
      %eq3A_423 = arith.constant 8 : i32
      %eq3A_424 = vector.broadcast %eq3A_423 : i32 to vector<16xi32>
      %eq3A_425 = arith.cmpi eq, %iota3A, %eq3A_424 : vector<16xi32>
      %jit3A_426 = arith.constant 0 : i32
      %broadcast_in_dim3A_427 = vector.broadcast %jit3A_426 : i32 to vector<16xi32>
      %select_n3A_428 = arith.select %eq3A_425, %get3A_42, %broadcast_in_dim3A_427 : vector<16xi1>, vector<16xi32>
      %reduce_max3A_429 = arith.constant true
      %reduce_max3A_430 = vector.broadcast %reduce_max3A_429 : i1 to vector<16xi1>
      %reduce_max3A_431 = arith.constant -2147483648 : i32
      %reduce_max3A_432 = vector.broadcast %reduce_max3A_431 : i32 to vector<16xi32>
      %reduce_max3A_433 = arith.xori %select_n3A_428, %reduce_max3A_432 : vector<16xi32>
      %reduce_max3A_434 = tpu.scan <max>, %reduce_max3A_433 masked %reduce_max3A_430 : vector<16xi32>, vector<16xi1> -> vector<16xi32>
      %reduce_max3A_435 = arith.xori %reduce_max3A_434, %reduce_max3A_432 : vector<16xi32>
      %reduce_max3A_436 = vector.extract %reduce_max3A_435[15] : i32 from vector<16xi32>
      %eq3A_437 = arith.constant 8 : i32
      %eq3A_438 = vector.broadcast %eq3A_437 : i32 to vector<16xi32>
      %eq3A_439 = arith.cmpi eq, %iota3A, %eq3A_438 : vector<16xi32>
      %jit3A_440 = arith.constant 0 : i32
      %broadcast_in_dim3A_441 = vector.broadcast %jit3A_440 : i32 to vector<16xi32>
      %select_n3A_442 = arith.select %eq3A_439, %get3A_44, %broadcast_in_dim3A_441 : vector<16xi1>, vector<16xi32>
      %reduce_max3A_443 = arith.constant true
      %reduce_max3A_444 = vector.broadcast %reduce_max3A_443 : i1 to vector<16xi1>
      %reduce_max3A_445 = arith.constant -2147483648 : i32
      %reduce_max3A_446 = vector.broadcast %reduce_max3A_445 : i32 to vector<16xi32>
      %reduce_max3A_447 = arith.xori %select_n3A_442, %reduce_max3A_446 : vector<16xi32>
      %reduce_max3A_448 = tpu.scan <max>, %reduce_max3A_447 masked %reduce_max3A_444 : vector<16xi32>, vector<16xi1> -> vector<16xi32>
      %reduce_max3A_449 = arith.xori %reduce_max3A_448, %reduce_max3A_446 : vector<16xi32>
      %reduce_max3A_450 = vector.extract %reduce_max3A_449[15] : i32 from vector<16xi32>
      %mul3A_451 = arith.constant 16 : i32
      %mul3A_452 = arith.muli %scan3A_37, %mul3A_451 : i32
      %add3A_453 = arith.constant 8 : i32
      %add3A_454 = arith.addi %mul3A_452, %add3A_453 : i32
      %dma_start3A_455 = arith.constant 0 : i32
      %dma_start3A_456 = tpu.memref_slice %arg10[%add3A_454, %dma_start3A_455] : memref<256x64xf32, #tpu.memory_space<vmem>> -> memref<1x64xf32, #tpu.memory_space<vmem>>
      %dma_start3A_457 = arith.constant 0 : i32
      %dma_start3A_458 = tpu.memref_slice %arg4[%reduce_max3A_436, %dma_start3A_457] : memref<1000000x64xf32, #tpu.memory_space<hbm>> -> memref<1x64xf32, #tpu.memory_space<hbm>>
      %dma_start3A_459 = arith.constant 0 : i32
      %dma_start3A_460 = tpu.memref_slice %arg10[%add3A_454, %dma_start3A_459] : memref<256x64xf32, #tpu.memory_space<vmem>> -> memref<1x64xf32, #tpu.memory_space<vmem>>
      %dma_start3A_461 = arith.constant 0 : i32
      %dma_start3A_462 = tpu.memref_slice %arg4[%reduce_max3A_436, %dma_start3A_461] : memref<1000000x64xf32, #tpu.memory_space<hbm>> -> memref<1x64xf32, #tpu.memory_space<hbm>>
      tpu.enqueue_dma source(%dma_start3A_462 : memref<1x64xf32, #tpu.memory_space<hbm>>) target(%dma_start3A_460 : memref<1x64xf32, #tpu.memory_space<vmem>>) target_semaphore(%arg12 : memref<!tpu.dma_semaphore, #tpu.memory_space<semaphore_mem>>)
      %dma_start3A_463 = arith.constant 0 : i32
      %dma_start3A_464 = tpu.memref_slice %arg11[%add3A_454, %dma_start3A_463] : memref<256x64xf32, #tpu.memory_space<vmem>> -> memref<1x64xf32, #tpu.memory_space<vmem>>
      %dma_start3A_465 = arith.constant 0 : i32
      %dma_start3A_466 = tpu.memref_slice %arg5[%reduce_max3A_450, %dma_start3A_465] : memref<1000000x64xf32, #tpu.memory_space<hbm>> -> memref<1x64xf32, #tpu.memory_space<hbm>>
      %dma_start3A_467 = arith.constant 0 : i32
      %dma_start3A_468 = tpu.memref_slice %arg11[%add3A_454, %dma_start3A_467] : memref<256x64xf32, #tpu.memory_space<vmem>> -> memref<1x64xf32, #tpu.memory_space<vmem>>
      %dma_start3A_469 = arith.constant 0 : i32
      %dma_start3A_470 = tpu.memref_slice %arg5[%reduce_max3A_450, %dma_start3A_469] : memref<1000000x64xf32, #tpu.memory_space<hbm>> -> memref<1x64xf32, #tpu.memory_space<hbm>>
      tpu.enqueue_dma source(%dma_start3A_470 : memref<1x64xf32, #tpu.memory_space<hbm>>) target(%dma_start3A_468 : memref<1x64xf32, #tpu.memory_space<vmem>>) target_semaphore(%arg12 : memref<!tpu.dma_semaphore, #tpu.memory_space<semaphore_mem>>)
      %eq3A_471 = arith.constant 9 : i32
      %eq3A_472 = vector.broadcast %eq3A_471 : i32 to vector<16xi32>
      %eq3A_473 = arith.cmpi eq, %iota3A, %eq3A_472 : vector<16xi32>
      %jit3A_474 = arith.constant 0 : i32
      %broadcast_in_dim3A_475 = vector.broadcast %jit3A_474 : i32 to vector<16xi32>
      %select_n3A_476 = arith.select %eq3A_473, %get3A_42, %broadcast_in_dim3A_475 : vector<16xi1>, vector<16xi32>
      %reduce_max3A_477 = arith.constant true
      %reduce_max3A_478 = vector.broadcast %reduce_max3A_477 : i1 to vector<16xi1>
      %reduce_max3A_479 = arith.constant -2147483648 : i32
      %reduce_max3A_480 = vector.broadcast %reduce_max3A_479 : i32 to vector<16xi32>
      %reduce_max3A_481 = arith.xori %select_n3A_476, %reduce_max3A_480 : vector<16xi32>
      %reduce_max3A_482 = tpu.scan <max>, %reduce_max3A_481 masked %reduce_max3A_478 : vector<16xi32>, vector<16xi1> -> vector<16xi32>
      %reduce_max3A_483 = arith.xori %reduce_max3A_482, %reduce_max3A_480 : vector<16xi32>
      %reduce_max3A_484 = vector.extract %reduce_max3A_483[15] : i32 from vector<16xi32>
      %eq3A_485 = arith.constant 9 : i32
      %eq3A_486 = vector.broadcast %eq3A_485 : i32 to vector<16xi32>
      %eq3A_487 = arith.cmpi eq, %iota3A, %eq3A_486 : vector<16xi32>
      %jit3A_488 = arith.constant 0 : i32
      %broadcast_in_dim3A_489 = vector.broadcast %jit3A_488 : i32 to vector<16xi32>
      %select_n3A_490 = arith.select %eq3A_487, %get3A_44, %broadcast_in_dim3A_489 : vector<16xi1>, vector<16xi32>
      %reduce_max3A_491 = arith.constant true
      %reduce_max3A_492 = vector.broadcast %reduce_max3A_491 : i1 to vector<16xi1>
      %reduce_max3A_493 = arith.constant -2147483648 : i32
      %reduce_max3A_494 = vector.broadcast %reduce_max3A_493 : i32 to vector<16xi32>
      %reduce_max3A_495 = arith.xori %select_n3A_490, %reduce_max3A_494 : vector<16xi32>
      %reduce_max3A_496 = tpu.scan <max>, %reduce_max3A_495 masked %reduce_max3A_492 : vector<16xi32>, vector<16xi1> -> vector<16xi32>
      %reduce_max3A_497 = arith.xori %reduce_max3A_496, %reduce_max3A_494 : vector<16xi32>
      %reduce_max3A_498 = vector.extract %reduce_max3A_497[15] : i32 from vector<16xi32>
      %mul3A_499 = arith.constant 16 : i32
      %mul3A_500 = arith.muli %scan3A_37, %mul3A_499 : i32
      %add3A_501 = arith.constant 9 : i32
      %add3A_502 = arith.addi %mul3A_500, %add3A_501 : i32
      %dma_start3A_503 = arith.constant 0 : i32
      %dma_start3A_504 = tpu.memref_slice %arg10[%add3A_502, %dma_start3A_503] : memref<256x64xf32, #tpu.memory_space<vmem>> -> memref<1x64xf32, #tpu.memory_space<vmem>>
      %dma_start3A_505 = arith.constant 0 : i32
      %dma_start3A_506 = tpu.memref_slice %arg4[%reduce_max3A_484, %dma_start3A_505] : memref<1000000x64xf32, #tpu.memory_space<hbm>> -> memref<1x64xf32, #tpu.memory_space<hbm>>
      %dma_start3A_507 = arith.constant 0 : i32
      %dma_start3A_508 = tpu.memref_slice %arg10[%add3A_502, %dma_start3A_507] : memref<256x64xf32, #tpu.memory_space<vmem>> -> memref<1x64xf32, #tpu.memory_space<vmem>>
      %dma_start3A_509 = arith.constant 0 : i32
      %dma_start3A_510 = tpu.memref_slice %arg4[%reduce_max3A_484, %dma_start3A_509] : memref<1000000x64xf32, #tpu.memory_space<hbm>> -> memref<1x64xf32, #tpu.memory_space<hbm>>
      tpu.enqueue_dma source(%dma_start3A_510 : memref<1x64xf32, #tpu.memory_space<hbm>>) target(%dma_start3A_508 : memref<1x64xf32, #tpu.memory_space<vmem>>) target_semaphore(%arg12 : memref<!tpu.dma_semaphore, #tpu.memory_space<semaphore_mem>>)
      %dma_start3A_511 = arith.constant 0 : i32
      %dma_start3A_512 = tpu.memref_slice %arg11[%add3A_502, %dma_start3A_511] : memref<256x64xf32, #tpu.memory_space<vmem>> -> memref<1x64xf32, #tpu.memory_space<vmem>>
      %dma_start3A_513 = arith.constant 0 : i32
      %dma_start3A_514 = tpu.memref_slice %arg5[%reduce_max3A_498, %dma_start3A_513] : memref<1000000x64xf32, #tpu.memory_space<hbm>> -> memref<1x64xf32, #tpu.memory_space<hbm>>
      %dma_start3A_515 = arith.constant 0 : i32
      %dma_start3A_516 = tpu.memref_slice %arg11[%add3A_502, %dma_start3A_515] : memref<256x64xf32, #tpu.memory_space<vmem>> -> memref<1x64xf32, #tpu.memory_space<vmem>>
      %dma_start3A_517 = arith.constant 0 : i32
      %dma_start3A_518 = tpu.memref_slice %arg5[%reduce_max3A_498, %dma_start3A_517] : memref<1000000x64xf32, #tpu.memory_space<hbm>> -> memref<1x64xf32, #tpu.memory_space<hbm>>
      tpu.enqueue_dma source(%dma_start3A_518 : memref<1x64xf32, #tpu.memory_space<hbm>>) target(%dma_start3A_516 : memref<1x64xf32, #tpu.memory_space<vmem>>) target_semaphore(%arg12 : memref<!tpu.dma_semaphore, #tpu.memory_space<semaphore_mem>>)
      %eq3A_519 = arith.constant 10 : i32
      %eq3A_520 = vector.broadcast %eq3A_519 : i32 to vector<16xi32>
      %eq3A_521 = arith.cmpi eq, %iota3A, %eq3A_520 : vector<16xi32>
      %jit3A_522 = arith.constant 0 : i32
      %broadcast_in_dim3A_523 = vector.broadcast %jit3A_522 : i32 to vector<16xi32>
      %select_n3A_524 = arith.select %eq3A_521, %get3A_42, %broadcast_in_dim3A_523 : vector<16xi1>, vector<16xi32>
      %reduce_max3A_525 = arith.constant true
      %reduce_max3A_526 = vector.broadcast %reduce_max3A_525 : i1 to vector<16xi1>
      %reduce_max3A_527 = arith.constant -2147483648 : i32
      %reduce_max3A_528 = vector.broadcast %reduce_max3A_527 : i32 to vector<16xi32>
      %reduce_max3A_529 = arith.xori %select_n3A_524, %reduce_max3A_528 : vector<16xi32>
      %reduce_max3A_530 = tpu.scan <max>, %reduce_max3A_529 masked %reduce_max3A_526 : vector<16xi32>, vector<16xi1> -> vector<16xi32>
      %reduce_max3A_531 = arith.xori %reduce_max3A_530, %reduce_max3A_528 : vector<16xi32>
      %reduce_max3A_532 = vector.extract %reduce_max3A_531[15] : i32 from vector<16xi32>
      %eq3A_533 = arith.constant 10 : i32
      %eq3A_534 = vector.broadcast %eq3A_533 : i32 to vector<16xi32>
      %eq3A_535 = arith.cmpi eq, %iota3A, %eq3A_534 : vector<16xi32>
      %jit3A_536 = arith.constant 0 : i32
      %broadcast_in_dim3A_537 = vector.broadcast %jit3A_536 : i32 to vector<16xi32>
      %select_n3A_538 = arith.select %eq3A_535, %get3A_44, %broadcast_in_dim3A_537 : vector<16xi1>, vector<16xi32>
      %reduce_max3A_539 = arith.constant true
      %reduce_max3A_540 = vector.broadcast %reduce_max3A_539 : i1 to vector<16xi1>
      %reduce_max3A_541 = arith.constant -2147483648 : i32
      %reduce_max3A_542 = vector.broadcast %reduce_max3A_541 : i32 to vector<16xi32>
      %reduce_max3A_543 = arith.xori %select_n3A_538, %reduce_max3A_542 : vector<16xi32>
      %reduce_max3A_544 = tpu.scan <max>, %reduce_max3A_543 masked %reduce_max3A_540 : vector<16xi32>, vector<16xi1> -> vector<16xi32>
      %reduce_max3A_545 = arith.xori %reduce_max3A_544, %reduce_max3A_542 : vector<16xi32>
      %reduce_max3A_546 = vector.extract %reduce_max3A_545[15] : i32 from vector<16xi32>
      %mul3A_547 = arith.constant 16 : i32
      %mul3A_548 = arith.muli %scan3A_37, %mul3A_547 : i32
      %add3A_549 = arith.constant 10 : i32
      %add3A_550 = arith.addi %mul3A_548, %add3A_549 : i32
      %dma_start3A_551 = arith.constant 0 : i32
      %dma_start3A_552 = tpu.memref_slice %arg10[%add3A_550, %dma_start3A_551] : memref<256x64xf32, #tpu.memory_space<vmem>> -> memref<1x64xf32, #tpu.memory_space<vmem>>
      %dma_start3A_553 = arith.constant 0 : i32
      %dma_start3A_554 = tpu.memref_slice %arg4[%reduce_max3A_532, %dma_start3A_553] : memref<1000000x64xf32, #tpu.memory_space<hbm>> -> memref<1x64xf32, #tpu.memory_space<hbm>>
      %dma_start3A_555 = arith.constant 0 : i32
      %dma_start3A_556 = tpu.memref_slice %arg10[%add3A_550, %dma_start3A_555] : memref<256x64xf32, #tpu.memory_space<vmem>> -> memref<1x64xf32, #tpu.memory_space<vmem>>
      %dma_start3A_557 = arith.constant 0 : i32
      %dma_start3A_558 = tpu.memref_slice %arg4[%reduce_max3A_532, %dma_start3A_557] : memref<1000000x64xf32, #tpu.memory_space<hbm>> -> memref<1x64xf32, #tpu.memory_space<hbm>>
      tpu.enqueue_dma source(%dma_start3A_558 : memref<1x64xf32, #tpu.memory_space<hbm>>) target(%dma_start3A_556 : memref<1x64xf32, #tpu.memory_space<vmem>>) target_semaphore(%arg12 : memref<!tpu.dma_semaphore, #tpu.memory_space<semaphore_mem>>)
      %dma_start3A_559 = arith.constant 0 : i32
      %dma_start3A_560 = tpu.memref_slice %arg11[%add3A_550, %dma_start3A_559] : memref<256x64xf32, #tpu.memory_space<vmem>> -> memref<1x64xf32, #tpu.memory_space<vmem>>
      %dma_start3A_561 = arith.constant 0 : i32
      %dma_start3A_562 = tpu.memref_slice %arg5[%reduce_max3A_546, %dma_start3A_561] : memref<1000000x64xf32, #tpu.memory_space<hbm>> -> memref<1x64xf32, #tpu.memory_space<hbm>>
      %dma_start3A_563 = arith.constant 0 : i32
      %dma_start3A_564 = tpu.memref_slice %arg11[%add3A_550, %dma_start3A_563] : memref<256x64xf32, #tpu.memory_space<vmem>> -> memref<1x64xf32, #tpu.memory_space<vmem>>
      %dma_start3A_565 = arith.constant 0 : i32
      %dma_start3A_566 = tpu.memref_slice %arg5[%reduce_max3A_546, %dma_start3A_565] : memref<1000000x64xf32, #tpu.memory_space<hbm>> -> memref<1x64xf32, #tpu.memory_space<hbm>>
      tpu.enqueue_dma source(%dma_start3A_566 : memref<1x64xf32, #tpu.memory_space<hbm>>) target(%dma_start3A_564 : memref<1x64xf32, #tpu.memory_space<vmem>>) target_semaphore(%arg12 : memref<!tpu.dma_semaphore, #tpu.memory_space<semaphore_mem>>)
      %eq3A_567 = arith.constant 11 : i32
      %eq3A_568 = vector.broadcast %eq3A_567 : i32 to vector<16xi32>
      %eq3A_569 = arith.cmpi eq, %iota3A, %eq3A_568 : vector<16xi32>
      %jit3A_570 = arith.constant 0 : i32
      %broadcast_in_dim3A_571 = vector.broadcast %jit3A_570 : i32 to vector<16xi32>
      %select_n3A_572 = arith.select %eq3A_569, %get3A_42, %broadcast_in_dim3A_571 : vector<16xi1>, vector<16xi32>
      %reduce_max3A_573 = arith.constant true
      %reduce_max3A_574 = vector.broadcast %reduce_max3A_573 : i1 to vector<16xi1>
      %reduce_max3A_575 = arith.constant -2147483648 : i32
      %reduce_max3A_576 = vector.broadcast %reduce_max3A_575 : i32 to vector<16xi32>
      %reduce_max3A_577 = arith.xori %select_n3A_572, %reduce_max3A_576 : vector<16xi32>
      %reduce_max3A_578 = tpu.scan <max>, %reduce_max3A_577 masked %reduce_max3A_574 : vector<16xi32>, vector<16xi1> -> vector<16xi32>
      %reduce_max3A_579 = arith.xori %reduce_max3A_578, %reduce_max3A_576 : vector<16xi32>
      %reduce_max3A_580 = vector.extract %reduce_max3A_579[15] : i32 from vector<16xi32>
      %eq3A_581 = arith.constant 11 : i32
      %eq3A_582 = vector.broadcast %eq3A_581 : i32 to vector<16xi32>
      %eq3A_583 = arith.cmpi eq, %iota3A, %eq3A_582 : vector<16xi32>
      %jit3A_584 = arith.constant 0 : i32
      %broadcast_in_dim3A_585 = vector.broadcast %jit3A_584 : i32 to vector<16xi32>
      %select_n3A_586 = arith.select %eq3A_583, %get3A_44, %broadcast_in_dim3A_585 : vector<16xi1>, vector<16xi32>
      %reduce_max3A_587 = arith.constant true
      %reduce_max3A_588 = vector.broadcast %reduce_max3A_587 : i1 to vector<16xi1>
      %reduce_max3A_589 = arith.constant -2147483648 : i32
      %reduce_max3A_590 = vector.broadcast %reduce_max3A_589 : i32 to vector<16xi32>
      %reduce_max3A_591 = arith.xori %select_n3A_586, %reduce_max3A_590 : vector<16xi32>
      %reduce_max3A_592 = tpu.scan <max>, %reduce_max3A_591 masked %reduce_max3A_588 : vector<16xi32>, vector<16xi1> -> vector<16xi32>
      %reduce_max3A_593 = arith.xori %reduce_max3A_592, %reduce_max3A_590 : vector<16xi32>
      %reduce_max3A_594 = vector.extract %reduce_max3A_593[15] : i32 from vector<16xi32>
      %mul3A_595 = arith.constant 16 : i32
      %mul3A_596 = arith.muli %scan3A_37, %mul3A_595 : i32
      %add3A_597 = arith.constant 11 : i32
      %add3A_598 = arith.addi %mul3A_596, %add3A_597 : i32
      %dma_start3A_599 = arith.constant 0 : i32
      %dma_start3A_600 = tpu.memref_slice %arg10[%add3A_598, %dma_start3A_599] : memref<256x64xf32, #tpu.memory_space<vmem>> -> memref<1x64xf32, #tpu.memory_space<vmem>>
      %dma_start3A_601 = arith.constant 0 : i32
      %dma_start3A_602 = tpu.memref_slice %arg4[%reduce_max3A_580, %dma_start3A_601] : memref<1000000x64xf32, #tpu.memory_space<hbm>> -> memref<1x64xf32, #tpu.memory_space<hbm>>
      %dma_start3A_603 = arith.constant 0 : i32
      %dma_start3A_604 = tpu.memref_slice %arg10[%add3A_598, %dma_start3A_603] : memref<256x64xf32, #tpu.memory_space<vmem>> -> memref<1x64xf32, #tpu.memory_space<vmem>>
      %dma_start3A_605 = arith.constant 0 : i32
      %dma_start3A_606 = tpu.memref_slice %arg4[%reduce_max3A_580, %dma_start3A_605] : memref<1000000x64xf32, #tpu.memory_space<hbm>> -> memref<1x64xf32, #tpu.memory_space<hbm>>
      tpu.enqueue_dma source(%dma_start3A_606 : memref<1x64xf32, #tpu.memory_space<hbm>>) target(%dma_start3A_604 : memref<1x64xf32, #tpu.memory_space<vmem>>) target_semaphore(%arg12 : memref<!tpu.dma_semaphore, #tpu.memory_space<semaphore_mem>>)
      %dma_start3A_607 = arith.constant 0 : i32
      %dma_start3A_608 = tpu.memref_slice %arg11[%add3A_598, %dma_start3A_607] : memref<256x64xf32, #tpu.memory_space<vmem>> -> memref<1x64xf32, #tpu.memory_space<vmem>>
      %dma_start3A_609 = arith.constant 0 : i32
      %dma_start3A_610 = tpu.memref_slice %arg5[%reduce_max3A_594, %dma_start3A_609] : memref<1000000x64xf32, #tpu.memory_space<hbm>> -> memref<1x64xf32, #tpu.memory_space<hbm>>
      %dma_start3A_611 = arith.constant 0 : i32
      %dma_start3A_612 = tpu.memref_slice %arg11[%add3A_598, %dma_start3A_611] : memref<256x64xf32, #tpu.memory_space<vmem>> -> memref<1x64xf32, #tpu.memory_space<vmem>>
      %dma_start3A_613 = arith.constant 0 : i32
      %dma_start3A_614 = tpu.memref_slice %arg5[%reduce_max3A_594, %dma_start3A_613] : memref<1000000x64xf32, #tpu.memory_space<hbm>> -> memref<1x64xf32, #tpu.memory_space<hbm>>
      tpu.enqueue_dma source(%dma_start3A_614 : memref<1x64xf32, #tpu.memory_space<hbm>>) target(%dma_start3A_612 : memref<1x64xf32, #tpu.memory_space<vmem>>) target_semaphore(%arg12 : memref<!tpu.dma_semaphore, #tpu.memory_space<semaphore_mem>>)
      %eq3A_615 = arith.constant 12 : i32
      %eq3A_616 = vector.broadcast %eq3A_615 : i32 to vector<16xi32>
      %eq3A_617 = arith.cmpi eq, %iota3A, %eq3A_616 : vector<16xi32>
      %jit3A_618 = arith.constant 0 : i32
      %broadcast_in_dim3A_619 = vector.broadcast %jit3A_618 : i32 to vector<16xi32>
      %select_n3A_620 = arith.select %eq3A_617, %get3A_42, %broadcast_in_dim3A_619 : vector<16xi1>, vector<16xi32>
      %reduce_max3A_621 = arith.constant true
      %reduce_max3A_622 = vector.broadcast %reduce_max3A_621 : i1 to vector<16xi1>
      %reduce_max3A_623 = arith.constant -2147483648 : i32
      %reduce_max3A_624 = vector.broadcast %reduce_max3A_623 : i32 to vector<16xi32>
      %reduce_max3A_625 = arith.xori %select_n3A_620, %reduce_max3A_624 : vector<16xi32>
      %reduce_max3A_626 = tpu.scan <max>, %reduce_max3A_625 masked %reduce_max3A_622 : vector<16xi32>, vector<16xi1> -> vector<16xi32>
      %reduce_max3A_627 = arith.xori %reduce_max3A_626, %reduce_max3A_624 : vector<16xi32>
      %reduce_max3A_628 = vector.extract %reduce_max3A_627[15] : i32 from vector<16xi32>
      %eq3A_629 = arith.constant 12 : i32
      %eq3A_630 = vector.broadcast %eq3A_629 : i32 to vector<16xi32>
      %eq3A_631 = arith.cmpi eq, %iota3A, %eq3A_630 : vector<16xi32>
      %jit3A_632 = arith.constant 0 : i32
      %broadcast_in_dim3A_633 = vector.broadcast %jit3A_632 : i32 to vector<16xi32>
      %select_n3A_634 = arith.select %eq3A_631, %get3A_44, %broadcast_in_dim3A_633 : vector<16xi1>, vector<16xi32>
      %reduce_max3A_635 = arith.constant true
      %reduce_max3A_636 = vector.broadcast %reduce_max3A_635 : i1 to vector<16xi1>
      %reduce_max3A_637 = arith.constant -2147483648 : i32
      %reduce_max3A_638 = vector.broadcast %reduce_max3A_637 : i32 to vector<16xi32>
      %reduce_max3A_639 = arith.xori %select_n3A_634, %reduce_max3A_638 : vector<16xi32>
      %reduce_max3A_640 = tpu.scan <max>, %reduce_max3A_639 masked %reduce_max3A_636 : vector<16xi32>, vector<16xi1> -> vector<16xi32>
      %reduce_max3A_641 = arith.xori %reduce_max3A_640, %reduce_max3A_638 : vector<16xi32>
      %reduce_max3A_642 = vector.extract %reduce_max3A_641[15] : i32 from vector<16xi32>
      %mul3A_643 = arith.constant 16 : i32
      %mul3A_644 = arith.muli %scan3A_37, %mul3A_643 : i32
      %add3A_645 = arith.constant 12 : i32
      %add3A_646 = arith.addi %mul3A_644, %add3A_645 : i32
      %dma_start3A_647 = arith.constant 0 : i32
      %dma_start3A_648 = tpu.memref_slice %arg10[%add3A_646, %dma_start3A_647] : memref<256x64xf32, #tpu.memory_space<vmem>> -> memref<1x64xf32, #tpu.memory_space<vmem>>
      %dma_start3A_649 = arith.constant 0 : i32
      %dma_start3A_650 = tpu.memref_slice %arg4[%reduce_max3A_628, %dma_start3A_649] : memref<1000000x64xf32, #tpu.memory_space<hbm>> -> memref<1x64xf32, #tpu.memory_space<hbm>>
      %dma_start3A_651 = arith.constant 0 : i32
      %dma_start3A_652 = tpu.memref_slice %arg10[%add3A_646, %dma_start3A_651] : memref<256x64xf32, #tpu.memory_space<vmem>> -> memref<1x64xf32, #tpu.memory_space<vmem>>
      %dma_start3A_653 = arith.constant 0 : i32
      %dma_start3A_654 = tpu.memref_slice %arg4[%reduce_max3A_628, %dma_start3A_653] : memref<1000000x64xf32, #tpu.memory_space<hbm>> -> memref<1x64xf32, #tpu.memory_space<hbm>>
      tpu.enqueue_dma source(%dma_start3A_654 : memref<1x64xf32, #tpu.memory_space<hbm>>) target(%dma_start3A_652 : memref<1x64xf32, #tpu.memory_space<vmem>>) target_semaphore(%arg12 : memref<!tpu.dma_semaphore, #tpu.memory_space<semaphore_mem>>)
      %dma_start3A_655 = arith.constant 0 : i32
      %dma_start3A_656 = tpu.memref_slice %arg11[%add3A_646, %dma_start3A_655] : memref<256x64xf32, #tpu.memory_space<vmem>> -> memref<1x64xf32, #tpu.memory_space<vmem>>
      %dma_start3A_657 = arith.constant 0 : i32
      %dma_start3A_658 = tpu.memref_slice %arg5[%reduce_max3A_642, %dma_start3A_657] : memref<1000000x64xf32, #tpu.memory_space<hbm>> -> memref<1x64xf32, #tpu.memory_space<hbm>>
      %dma_start3A_659 = arith.constant 0 : i32
      %dma_start3A_660 = tpu.memref_slice %arg11[%add3A_646, %dma_start3A_659] : memref<256x64xf32, #tpu.memory_space<vmem>> -> memref<1x64xf32, #tpu.memory_space<vmem>>
      %dma_start3A_661 = arith.constant 0 : i32
      %dma_start3A_662 = tpu.memref_slice %arg5[%reduce_max3A_642, %dma_start3A_661] : memref<1000000x64xf32, #tpu.memory_space<hbm>> -> memref<1x64xf32, #tpu.memory_space<hbm>>
      tpu.enqueue_dma source(%dma_start3A_662 : memref<1x64xf32, #tpu.memory_space<hbm>>) target(%dma_start3A_660 : memref<1x64xf32, #tpu.memory_space<vmem>>) target_semaphore(%arg12 : memref<!tpu.dma_semaphore, #tpu.memory_space<semaphore_mem>>)
      %eq3A_663 = arith.constant 13 : i32
      %eq3A_664 = vector.broadcast %eq3A_663 : i32 to vector<16xi32>
      %eq3A_665 = arith.cmpi eq, %iota3A, %eq3A_664 : vector<16xi32>
      %jit3A_666 = arith.constant 0 : i32
      %broadcast_in_dim3A_667 = vector.broadcast %jit3A_666 : i32 to vector<16xi32>
      %select_n3A_668 = arith.select %eq3A_665, %get3A_42, %broadcast_in_dim3A_667 : vector<16xi1>, vector<16xi32>
      %reduce_max3A_669 = arith.constant true
      %reduce_max3A_670 = vector.broadcast %reduce_max3A_669 : i1 to vector<16xi1>
      %reduce_max3A_671 = arith.constant -2147483648 : i32
      %reduce_max3A_672 = vector.broadcast %reduce_max3A_671 : i32 to vector<16xi32>
      %reduce_max3A_673 = arith.xori %select_n3A_668, %reduce_max3A_672 : vector<16xi32>
      %reduce_max3A_674 = tpu.scan <max>, %reduce_max3A_673 masked %reduce_max3A_670 : vector<16xi32>, vector<16xi1> -> vector<16xi32>
      %reduce_max3A_675 = arith.xori %reduce_max3A_674, %reduce_max3A_672 : vector<16xi32>
      %reduce_max3A_676 = vector.extract %reduce_max3A_675[15] : i32 from vector<16xi32>
      %eq3A_677 = arith.constant 13 : i32
      %eq3A_678 = vector.broadcast %eq3A_677 : i32 to vector<16xi32>
      %eq3A_679 = arith.cmpi eq, %iota3A, %eq3A_678 : vector<16xi32>
      %jit3A_680 = arith.constant 0 : i32
      %broadcast_in_dim3A_681 = vector.broadcast %jit3A_680 : i32 to vector<16xi32>
      %select_n3A_682 = arith.select %eq3A_679, %get3A_44, %broadcast_in_dim3A_681 : vector<16xi1>, vector<16xi32>
      %reduce_max3A_683 = arith.constant true
      %reduce_max3A_684 = vector.broadcast %reduce_max3A_683 : i1 to vector<16xi1>
      %reduce_max3A_685 = arith.constant -2147483648 : i32
      %reduce_max3A_686 = vector.broadcast %reduce_max3A_685 : i32 to vector<16xi32>
      %reduce_max3A_687 = arith.xori %select_n3A_682, %reduce_max3A_686 : vector<16xi32>
      %reduce_max3A_688 = tpu.scan <max>, %reduce_max3A_687 masked %reduce_max3A_684 : vector<16xi32>, vector<16xi1> -> vector<16xi32>
      %reduce_max3A_689 = arith.xori %reduce_max3A_688, %reduce_max3A_686 : vector<16xi32>
      %reduce_max3A_690 = vector.extract %reduce_max3A_689[15] : i32 from vector<16xi32>
      %mul3A_691 = arith.constant 16 : i32
      %mul3A_692 = arith.muli %scan3A_37, %mul3A_691 : i32
      %add3A_693 = arith.constant 13 : i32
      %add3A_694 = arith.addi %mul3A_692, %add3A_693 : i32
      %dma_start3A_695 = arith.constant 0 : i32
      %dma_start3A_696 = tpu.memref_slice %arg10[%add3A_694, %dma_start3A_695] : memref<256x64xf32, #tpu.memory_space<vmem>> -> memref<1x64xf32, #tpu.memory_space<vmem>>
      %dma_start3A_697 = arith.constant 0 : i32
      %dma_start3A_698 = tpu.memref_slice %arg4[%reduce_max3A_676, %dma_start3A_697] : memref<1000000x64xf32, #tpu.memory_space<hbm>> -> memref<1x64xf32, #tpu.memory_space<hbm>>
      %dma_start3A_699 = arith.constant 0 : i32
      %dma_start3A_700 = tpu.memref_slice %arg10[%add3A_694, %dma_start3A_699] : memref<256x64xf32, #tpu.memory_space<vmem>> -> memref<1x64xf32, #tpu.memory_space<vmem>>
      %dma_start3A_701 = arith.constant 0 : i32
      %dma_start3A_702 = tpu.memref_slice %arg4[%reduce_max3A_676, %dma_start3A_701] : memref<1000000x64xf32, #tpu.memory_space<hbm>> -> memref<1x64xf32, #tpu.memory_space<hbm>>
      tpu.enqueue_dma source(%dma_start3A_702 : memref<1x64xf32, #tpu.memory_space<hbm>>) target(%dma_start3A_700 : memref<1x64xf32, #tpu.memory_space<vmem>>) target_semaphore(%arg12 : memref<!tpu.dma_semaphore, #tpu.memory_space<semaphore_mem>>)
      %dma_start3A_703 = arith.constant 0 : i32
      %dma_start3A_704 = tpu.memref_slice %arg11[%add3A_694, %dma_start3A_703] : memref<256x64xf32, #tpu.memory_space<vmem>> -> memref<1x64xf32, #tpu.memory_space<vmem>>
      %dma_start3A_705 = arith.constant 0 : i32
      %dma_start3A_706 = tpu.memref_slice %arg5[%reduce_max3A_690, %dma_start3A_705] : memref<1000000x64xf32, #tpu.memory_space<hbm>> -> memref<1x64xf32, #tpu.memory_space<hbm>>
      %dma_start3A_707 = arith.constant 0 : i32
      %dma_start3A_708 = tpu.memref_slice %arg11[%add3A_694, %dma_start3A_707] : memref<256x64xf32, #tpu.memory_space<vmem>> -> memref<1x64xf32, #tpu.memory_space<vmem>>
      %dma_start3A_709 = arith.constant 0 : i32
      %dma_start3A_710 = tpu.memref_slice %arg5[%reduce_max3A_690, %dma_start3A_709] : memref<1000000x64xf32, #tpu.memory_space<hbm>> -> memref<1x64xf32, #tpu.memory_space<hbm>>
      tpu.enqueue_dma source(%dma_start3A_710 : memref<1x64xf32, #tpu.memory_space<hbm>>) target(%dma_start3A_708 : memref<1x64xf32, #tpu.memory_space<vmem>>) target_semaphore(%arg12 : memref<!tpu.dma_semaphore, #tpu.memory_space<semaphore_mem>>)
      %eq3A_711 = arith.constant 14 : i32
      %eq3A_712 = vector.broadcast %eq3A_711 : i32 to vector<16xi32>
      %eq3A_713 = arith.cmpi eq, %iota3A, %eq3A_712 : vector<16xi32>
      %jit3A_714 = arith.constant 0 : i32
      %broadcast_in_dim3A_715 = vector.broadcast %jit3A_714 : i32 to vector<16xi32>
      %select_n3A_716 = arith.select %eq3A_713, %get3A_42, %broadcast_in_dim3A_715 : vector<16xi1>, vector<16xi32>
      %reduce_max3A_717 = arith.constant true
      %reduce_max3A_718 = vector.broadcast %reduce_max3A_717 : i1 to vector<16xi1>
      %reduce_max3A_719 = arith.constant -2147483648 : i32
      %reduce_max3A_720 = vector.broadcast %reduce_max3A_719 : i32 to vector<16xi32>
      %reduce_max3A_721 = arith.xori %select_n3A_716, %reduce_max3A_720 : vector<16xi32>
      %reduce_max3A_722 = tpu.scan <max>, %reduce_max3A_721 masked %reduce_max3A_718 : vector<16xi32>, vector<16xi1> -> vector<16xi32>
      %reduce_max3A_723 = arith.xori %reduce_max3A_722, %reduce_max3A_720 : vector<16xi32>
      %reduce_max3A_724 = vector.extract %reduce_max3A_723[15] : i32 from vector<16xi32>
      %eq3A_725 = arith.constant 14 : i32
      %eq3A_726 = vector.broadcast %eq3A_725 : i32 to vector<16xi32>
      %eq3A_727 = arith.cmpi eq, %iota3A, %eq3A_726 : vector<16xi32>
      %jit3A_728 = arith.constant 0 : i32
      %broadcast_in_dim3A_729 = vector.broadcast %jit3A_728 : i32 to vector<16xi32>
      %select_n3A_730 = arith.select %eq3A_727, %get3A_44, %broadcast_in_dim3A_729 : vector<16xi1>, vector<16xi32>
      %reduce_max3A_731 = arith.constant true
      %reduce_max3A_732 = vector.broadcast %reduce_max3A_731 : i1 to vector<16xi1>
      %reduce_max3A_733 = arith.constant -2147483648 : i32
      %reduce_max3A_734 = vector.broadcast %reduce_max3A_733 : i32 to vector<16xi32>
      %reduce_max3A_735 = arith.xori %select_n3A_730, %reduce_max3A_734 : vector<16xi32>
      %reduce_max3A_736 = tpu.scan <max>, %reduce_max3A_735 masked %reduce_max3A_732 : vector<16xi32>, vector<16xi1> -> vector<16xi32>
      %reduce_max3A_737 = arith.xori %reduce_max3A_736, %reduce_max3A_734 : vector<16xi32>
      %reduce_max3A_738 = vector.extract %reduce_max3A_737[15] : i32 from vector<16xi32>
      %mul3A_739 = arith.constant 16 : i32
      %mul3A_740 = arith.muli %scan3A_37, %mul3A_739 : i32
      %add3A_741 = arith.constant 14 : i32
      %add3A_742 = arith.addi %mul3A_740, %add3A_741 : i32
      %dma_start3A_743 = arith.constant 0 : i32
      %dma_start3A_744 = tpu.memref_slice %arg10[%add3A_742, %dma_start3A_743] : memref<256x64xf32, #tpu.memory_space<vmem>> -> memref<1x64xf32, #tpu.memory_space<vmem>>
      %dma_start3A_745 = arith.constant 0 : i32
      %dma_start3A_746 = tpu.memref_slice %arg4[%reduce_max3A_724, %dma_start3A_745] : memref<1000000x64xf32, #tpu.memory_space<hbm>> -> memref<1x64xf32, #tpu.memory_space<hbm>>
      %dma_start3A_747 = arith.constant 0 : i32
      %dma_start3A_748 = tpu.memref_slice %arg10[%add3A_742, %dma_start3A_747] : memref<256x64xf32, #tpu.memory_space<vmem>> -> memref<1x64xf32, #tpu.memory_space<vmem>>
      %dma_start3A_749 = arith.constant 0 : i32
      %dma_start3A_750 = tpu.memref_slice %arg4[%reduce_max3A_724, %dma_start3A_749] : memref<1000000x64xf32, #tpu.memory_space<hbm>> -> memref<1x64xf32, #tpu.memory_space<hbm>>
      tpu.enqueue_dma source(%dma_start3A_750 : memref<1x64xf32, #tpu.memory_space<hbm>>) target(%dma_start3A_748 : memref<1x64xf32, #tpu.memory_space<vmem>>) target_semaphore(%arg12 : memref<!tpu.dma_semaphore, #tpu.memory_space<semaphore_mem>>)
      %dma_start3A_751 = arith.constant 0 : i32
      %dma_start3A_752 = tpu.memref_slice %arg11[%add3A_742, %dma_start3A_751] : memref<256x64xf32, #tpu.memory_space<vmem>> -> memref<1x64xf32, #tpu.memory_space<vmem>>
      %dma_start3A_753 = arith.constant 0 : i32
      %dma_start3A_754 = tpu.memref_slice %arg5[%reduce_max3A_738, %dma_start3A_753] : memref<1000000x64xf32, #tpu.memory_space<hbm>> -> memref<1x64xf32, #tpu.memory_space<hbm>>
      %dma_start3A_755 = arith.constant 0 : i32
      %dma_start3A_756 = tpu.memref_slice %arg11[%add3A_742, %dma_start3A_755] : memref<256x64xf32, #tpu.memory_space<vmem>> -> memref<1x64xf32, #tpu.memory_space<vmem>>
      %dma_start3A_757 = arith.constant 0 : i32
      %dma_start3A_758 = tpu.memref_slice %arg5[%reduce_max3A_738, %dma_start3A_757] : memref<1000000x64xf32, #tpu.memory_space<hbm>> -> memref<1x64xf32, #tpu.memory_space<hbm>>
      tpu.enqueue_dma source(%dma_start3A_758 : memref<1x64xf32, #tpu.memory_space<hbm>>) target(%dma_start3A_756 : memref<1x64xf32, #tpu.memory_space<vmem>>) target_semaphore(%arg12 : memref<!tpu.dma_semaphore, #tpu.memory_space<semaphore_mem>>)
      %eq3A_759 = arith.constant 15 : i32
      %eq3A_760 = vector.broadcast %eq3A_759 : i32 to vector<16xi32>
      %eq3A_761 = arith.cmpi eq, %iota3A, %eq3A_760 : vector<16xi32>
      %jit3A_762 = arith.constant 0 : i32
      %broadcast_in_dim3A_763 = vector.broadcast %jit3A_762 : i32 to vector<16xi32>
      %select_n3A_764 = arith.select %eq3A_761, %get3A_42, %broadcast_in_dim3A_763 : vector<16xi1>, vector<16xi32>
      %reduce_max3A_765 = arith.constant true
      %reduce_max3A_766 = vector.broadcast %reduce_max3A_765 : i1 to vector<16xi1>
      %reduce_max3A_767 = arith.constant -2147483648 : i32
      %reduce_max3A_768 = vector.broadcast %reduce_max3A_767 : i32 to vector<16xi32>
      %reduce_max3A_769 = arith.xori %select_n3A_764, %reduce_max3A_768 : vector<16xi32>
      %reduce_max3A_770 = tpu.scan <max>, %reduce_max3A_769 masked %reduce_max3A_766 : vector<16xi32>, vector<16xi1> -> vector<16xi32>
      %reduce_max3A_771 = arith.xori %reduce_max3A_770, %reduce_max3A_768 : vector<16xi32>
      %reduce_max3A_772 = vector.extract %reduce_max3A_771[15] : i32 from vector<16xi32>
      %eq3A_773 = arith.constant 15 : i32
      %eq3A_774 = vector.broadcast %eq3A_773 : i32 to vector<16xi32>
      %eq3A_775 = arith.cmpi eq, %iota3A, %eq3A_774 : vector<16xi32>
      %jit3A_776 = arith.constant 0 : i32
      %broadcast_in_dim3A_777 = vector.broadcast %jit3A_776 : i32 to vector<16xi32>
      %select_n3A_778 = arith.select %eq3A_775, %get3A_44, %broadcast_in_dim3A_777 : vector<16xi1>, vector<16xi32>
      %reduce_max3A_779 = arith.constant true
      %reduce_max3A_780 = vector.broadcast %reduce_max3A_779 : i1 to vector<16xi1>
      %reduce_max3A_781 = arith.constant -2147483648 : i32
      %reduce_max3A_782 = vector.broadcast %reduce_max3A_781 : i32 to vector<16xi32>
      %reduce_max3A_783 = arith.xori %select_n3A_778, %reduce_max3A_782 : vector<16xi32>
      %reduce_max3A_784 = tpu.scan <max>, %reduce_max3A_783 masked %reduce_max3A_780 : vector<16xi32>, vector<16xi1> -> vector<16xi32>
      %reduce_max3A_785 = arith.xori %reduce_max3A_784, %reduce_max3A_782 : vector<16xi32>
      %reduce_max3A_786 = vector.extract %reduce_max3A_785[15] : i32 from vector<16xi32>
      %mul3A_787 = arith.constant 16 : i32
      %mul3A_788 = arith.muli %scan3A_37, %mul3A_787 : i32
      %add3A_789 = arith.constant 15 : i32
      %add3A_790 = arith.addi %mul3A_788, %add3A_789 : i32
      %dma_start3A_791 = arith.constant 0 : i32
      %dma_start3A_792 = tpu.memref_slice %arg10[%add3A_790, %dma_start3A_791] : memref<256x64xf32, #tpu.memory_space<vmem>> -> memref<1x64xf32, #tpu.memory_space<vmem>>
      %dma_start3A_793 = arith.constant 0 : i32
      %dma_start3A_794 = tpu.memref_slice %arg4[%reduce_max3A_772, %dma_start3A_793] : memref<1000000x64xf32, #tpu.memory_space<hbm>> -> memref<1x64xf32, #tpu.memory_space<hbm>>
      %dma_start3A_795 = arith.constant 0 : i32
      %dma_start3A_796 = tpu.memref_slice %arg10[%add3A_790, %dma_start3A_795] : memref<256x64xf32, #tpu.memory_space<vmem>> -> memref<1x64xf32, #tpu.memory_space<vmem>>
      %dma_start3A_797 = arith.constant 0 : i32
      %dma_start3A_798 = tpu.memref_slice %arg4[%reduce_max3A_772, %dma_start3A_797] : memref<1000000x64xf32, #tpu.memory_space<hbm>> -> memref<1x64xf32, #tpu.memory_space<hbm>>
      tpu.enqueue_dma source(%dma_start3A_798 : memref<1x64xf32, #tpu.memory_space<hbm>>) target(%dma_start3A_796 : memref<1x64xf32, #tpu.memory_space<vmem>>) target_semaphore(%arg12 : memref<!tpu.dma_semaphore, #tpu.memory_space<semaphore_mem>>)
      %dma_start3A_799 = arith.constant 0 : i32
      %dma_start3A_800 = tpu.memref_slice %arg11[%add3A_790, %dma_start3A_799] : memref<256x64xf32, #tpu.memory_space<vmem>> -> memref<1x64xf32, #tpu.memory_space<vmem>>
      %dma_start3A_801 = arith.constant 0 : i32
      %dma_start3A_802 = tpu.memref_slice %arg5[%reduce_max3A_786, %dma_start3A_801] : memref<1000000x64xf32, #tpu.memory_space<hbm>> -> memref<1x64xf32, #tpu.memory_space<hbm>>
      %dma_start3A_803 = arith.constant 0 : i32
      %dma_start3A_804 = tpu.memref_slice %arg11[%add3A_790, %dma_start3A_803] : memref<256x64xf32, #tpu.memory_space<vmem>> -> memref<1x64xf32, #tpu.memory_space<vmem>>
      %dma_start3A_805 = arith.constant 0 : i32
      %dma_start3A_806 = tpu.memref_slice %arg5[%reduce_max3A_786, %dma_start3A_805] : memref<1000000x64xf32, #tpu.memory_space<hbm>> -> memref<1x64xf32, #tpu.memory_space<hbm>>
      tpu.enqueue_dma source(%dma_start3A_806 : memref<1x64xf32, #tpu.memory_space<hbm>>) target(%dma_start3A_804 : memref<1x64xf32, #tpu.memory_space<vmem>>) target_semaphore(%arg12 : memref<!tpu.dma_semaphore, #tpu.memory_space<semaphore_mem>>)
    }
    %scan3A_7 = arith.constant 16 : i32
    %dma_wait3A = arith.constant 0 : i32
    %dma_wait3A_8 = tpu.memref_slice %arg6[%mul3A_2, %dma_wait3A] : memref<16384x64xf32, #tpu.memory_space<hbm>> -> memref<256x64xf32, #tpu.memory_space<hbm>>
    %dma_wait3A_9 = arith.constant 0 : i32
    %dma_wait3A_10 = tpu.memref_slice %arg6[%mul3A_2, %dma_wait3A_9] : memref<16384x64xf32, #tpu.memory_space<hbm>> -> memref<256x64xf32, #tpu.memory_space<hbm>>
    tpu.wait_dma2 semaphore(%arg12 : memref<!tpu.dma_semaphore, #tpu.memory_space<semaphore_mem>>) src(%dma_wait3A_10 : memref<256x64xf32, #tpu.memory_space<hbm>>) dst(%arg10 : memref<256x64xf32, #tpu.memory_space<vmem>>)
    %dma_wait3A_11 = arith.constant 0 : i32
    %dma_wait3A_12 = tpu.memref_slice %arg7[%mul3A_2, %dma_wait3A_11] : memref<16384x64xf32, #tpu.memory_space<hbm>> -> memref<256x64xf32, #tpu.memory_space<hbm>>
    %dma_wait3A_13 = arith.constant 0 : i32
    %dma_wait3A_14 = tpu.memref_slice %arg7[%mul3A_2, %dma_wait3A_13] : memref<16384x64xf32, #tpu.memory_space<hbm>> -> memref<256x64xf32, #tpu.memory_space<hbm>>
    tpu.wait_dma2 semaphore(%arg12 : memref<!tpu.dma_semaphore, #tpu.memory_space<semaphore_mem>>) src(%dma_wait3A_14 : memref<256x64xf32, #tpu.memory_space<hbm>>) dst(%arg11 : memref<256x64xf32, #tpu.memory_space<vmem>>)
    %add3A_15 = arith.constant 0 : i32
    %add3A_16 = arith.addi %mul3A_2, %add3A_15 : i32
    "tpu.region"() ({
      %run_scoped3A = tpu.sem_alloc : memref<!tpu.dma_semaphore, #tpu.memory_space<semaphore_mem>>
      %dma_start3A = arith.constant 0 : i32
      %dma_start3A_37 = tpu.memref_slice %arg6[%add3A_16, %dma_start3A] : memref<16384x64xf32, #tpu.memory_space<hbm>> -> memref<256x64xf32, #tpu.memory_space<hbm>>
      %dma_start3A_38 = arith.constant 0 : i32
      %dma_start3A_39 = tpu.memref_slice %arg6[%add3A_16, %dma_start3A_38] : memref<16384x64xf32, #tpu.memory_space<hbm>> -> memref<256x64xf32, #tpu.memory_space<hbm>>
      tpu.enqueue_dma source(%arg10 : memref<256x64xf32, #tpu.memory_space<vmem>>) target(%dma_start3A_39 : memref<256x64xf32, #tpu.memory_space<hbm>>) target_semaphore(%run_scoped3A : memref<!tpu.dma_semaphore, #tpu.memory_space<semaphore_mem>>)
      %dma_wait3A_40 = arith.constant 0 : i32
      %dma_wait3A_41 = tpu.memref_slice %arg6[%add3A_16, %dma_wait3A_40] : memref<16384x64xf32, #tpu.memory_space<hbm>> -> memref<256x64xf32, #tpu.memory_space<hbm>>
      %dma_wait3A_42 = arith.constant 0 : i32
      %dma_wait3A_43 = tpu.memref_slice %arg6[%add3A_16, %dma_wait3A_42] : memref<16384x64xf32, #tpu.memory_space<hbm>> -> memref<256x64xf32, #tpu.memory_space<hbm>>
      tpu.wait_dma2 semaphore(%run_scoped3A : memref<!tpu.dma_semaphore, #tpu.memory_space<semaphore_mem>>) src(%arg10 : memref<256x64xf32, #tpu.memory_space<vmem>>) dst(%dma_wait3A_43 : memref<256x64xf32, #tpu.memory_space<hbm>>)
      tpu.yield
    }) : () -> ()
    %add3A_17 = arith.constant 0 : i32
    %add3A_18 = arith.addi %mul3A_2, %add3A_17 : i32
    "tpu.region"() ({
      %run_scoped3A = tpu.sem_alloc : memref<!tpu.dma_semaphore, #tpu.memory_space<semaphore_mem>>
      %dma_start3A = arith.constant 0 : i32
      %dma_start3A_37 = tpu.memref_slice %arg7[%add3A_18, %dma_start3A] : memref<16384x64xf32, #tpu.memory_space<hbm>> -> memref<256x64xf32, #tpu.memory_space<hbm>>
      %dma_start3A_38 = arith.constant 0 : i32
      %dma_start3A_39 = tpu.memref_slice %arg7[%add3A_18, %dma_start3A_38] : memref<16384x64xf32, #tpu.memory_space<hbm>> -> memref<256x64xf32, #tpu.memory_space<hbm>>
      tpu.enqueue_dma source(%arg11 : memref<256x64xf32, #tpu.memory_space<vmem>>) target(%dma_start3A_39 : memref<256x64xf32, #tpu.memory_space<hbm>>) target_semaphore(%run_scoped3A : memref<!tpu.dma_semaphore, #tpu.memory_space<semaphore_mem>>)
      %dma_wait3A_40 = arith.constant 0 : i32
      %dma_wait3A_41 = tpu.memref_slice %arg7[%add3A_18, %dma_wait3A_40] : memref<16384x64xf32, #tpu.memory_space<hbm>> -> memref<256x64xf32, #tpu.memory_space<hbm>>
      %dma_wait3A_42 = arith.constant 0 : i32
      %dma_wait3A_43 = tpu.memref_slice %arg7[%add3A_18, %dma_wait3A_42] : memref<16384x64xf32, #tpu.memory_space<hbm>> -> memref<256x64xf32, #tpu.memory_space<hbm>>
      tpu.wait_dma2 semaphore(%run_scoped3A : memref<!tpu.dma_semaphore, #tpu.memory_space<semaphore_mem>>) src(%arg11 : memref<256x64xf32, #tpu.memory_space<vmem>>) dst(%dma_wait3A_43 : memref<256x64xf32, #tpu.memory_space<hbm>>)
      tpu.yield
    }) : () -> ()
    %scan3A_19 = arith.constant 0 : i32
    %scan3A_20 = arith.constant 0 : i32
    %scan3A_21 = arith.constant 16 : i32
    %scan3A_22 = arith.addi %scan3A_20, %scan3A_21 : i32
    %scan3A_23 = arith.constant 1 : i32
    scf.for %scan3A_37 = %scan3A_20 to %scan3A_22 step %scan3A_23  : i32 {
      %mul3A_38 = arith.constant 16 : i32
      %mul3A_39 = arith.muli %scan3A_37, %mul3A_38 : i32
      %add3A_40 = arith.constant 256 : i32
      %add3A_41 = arith.addi %add3A_40, %mul3A_39 : i32
      %get3A = arith.index_cast %add3A_41 : i32 to index
      %get3A_42 = tpu.vector_load %arg8[%get3A] {strides = array<i32>} : memref<512xi32, #tpu.memory_space<vmem>>, vector<16xi32>,
      %get3A_43 = arith.index_cast %add3A_41 : i32 to index
      %get3A_44 = tpu.vector_load %arg9[%get3A_43] {strides = array<i32>} : memref<512xi32, #tpu.memory_space<vmem>>, vector<16xi32>,
      %eq3A = arith.constant 0 : i32
      %eq3A_45 = vector.broadcast %eq3A : i32 to vector<16xi32>
      %eq3A_46 = arith.cmpi eq, %iota3A, %eq3A_45 : vector<16xi32>
      %jit3A = arith.constant 0 : i32
      %broadcast_in_dim3A = vector.broadcast %jit3A : i32 to vector<16xi32>
      %select_n3A = arith.select %eq3A_46, %get3A_42, %broadcast_in_dim3A : vector<16xi1>, vector<16xi32>
      %reduce_max3A = arith.constant true
      %reduce_max3A_47 = vector.broadcast %reduce_max3A : i1 to vector<16xi1>
      %reduce_max3A_48 = arith.constant -2147483648 : i32
      %reduce_max3A_49 = vector.broadcast %reduce_max3A_48 : i32 to vector<16xi32>
      %reduce_max3A_50 = arith.xori %select_n3A, %reduce_max3A_49 : vector<16xi32>
      %reduce_max3A_51 = tpu.scan <max>, %reduce_max3A_50 masked %reduce_max3A_47 : vector<16xi32>, vector<16xi1> -> vector<16xi32>
      %reduce_max3A_52 = arith.xori %reduce_max3A_51, %reduce_max3A_49 : vector<16xi32>
      %reduce_max3A_53 = vector.extract %reduce_max3A_52[15] : i32 from vector<16xi32>
      %eq3A_54 = arith.constant 0 : i32
      %eq3A_55 = vector.broadcast %eq3A_54 : i32 to vector<16xi32>
      %eq3A_56 = arith.cmpi eq, %iota3A, %eq3A_55 : vector<16xi32>
      %jit3A_57 = arith.constant 0 : i32
      %broadcast_in_dim3A_58 = vector.broadcast %jit3A_57 : i32 to vector<16xi32>
      %select_n3A_59 = arith.select %eq3A_56, %get3A_44, %broadcast_in_dim3A_58 : vector<16xi1>, vector<16xi32>
      %reduce_max3A_60 = arith.constant true
      %reduce_max3A_61 = vector.broadcast %reduce_max3A_60 : i1 to vector<16xi1>
      %reduce_max3A_62 = arith.constant -2147483648 : i32
      %reduce_max3A_63 = vector.broadcast %reduce_max3A_62 : i32 to vector<16xi32>
      %reduce_max3A_64 = arith.xori %select_n3A_59, %reduce_max3A_63 : vector<16xi32>
      %reduce_max3A_65 = tpu.scan <max>, %reduce_max3A_64 masked %reduce_max3A_61 : vector<16xi32>, vector<16xi1> -> vector<16xi32>
      %reduce_max3A_66 = arith.xori %reduce_max3A_65, %reduce_max3A_63 : vector<16xi32>
      %reduce_max3A_67 = vector.extract %reduce_max3A_66[15] : i32 from vector<16xi32>
      %mul3A_68 = arith.constant 16 : i32
      %mul3A_69 = arith.muli %scan3A_37, %mul3A_68 : i32
      %add3A_70 = arith.constant 0 : i32
      %add3A_71 = arith.addi %mul3A_69, %add3A_70 : i32
      %dma_start3A = arith.constant 0 : i32
      %dma_start3A_72 = tpu.memref_slice %arg10[%add3A_71, %dma_start3A] : memref<256x64xf32, #tpu.memory_space<vmem>> -> memref<1x64xf32, #tpu.memory_space<vmem>>
      %dma_start3A_73 = arith.constant 0 : i32
      %dma_start3A_74 = tpu.memref_slice %arg4[%reduce_max3A_53, %dma_start3A_73] : memref<1000000x64xf32, #tpu.memory_space<hbm>> -> memref<1x64xf32, #tpu.memory_space<hbm>>
      %dma_start3A_75 = arith.constant 0 : i32
      %dma_start3A_76 = tpu.memref_slice %arg10[%add3A_71, %dma_start3A_75] : memref<256x64xf32, #tpu.memory_space<vmem>> -> memref<1x64xf32, #tpu.memory_space<vmem>>
      %dma_start3A_77 = arith.constant 0 : i32
      %dma_start3A_78 = tpu.memref_slice %arg4[%reduce_max3A_53, %dma_start3A_77] : memref<1000000x64xf32, #tpu.memory_space<hbm>> -> memref<1x64xf32, #tpu.memory_space<hbm>>
      tpu.enqueue_dma source(%dma_start3A_78 : memref<1x64xf32, #tpu.memory_space<hbm>>) target(%dma_start3A_76 : memref<1x64xf32, #tpu.memory_space<vmem>>) target_semaphore(%arg12 : memref<!tpu.dma_semaphore, #tpu.memory_space<semaphore_mem>>)
      %dma_start3A_79 = arith.constant 0 : i32
      %dma_start3A_80 = tpu.memref_slice %arg11[%add3A_71, %dma_start3A_79] : memref<256x64xf32, #tpu.memory_space<vmem>> -> memref<1x64xf32, #tpu.memory_space<vmem>>
      %dma_start3A_81 = arith.constant 0 : i32
      %dma_start3A_82 = tpu.memref_slice %arg5[%reduce_max3A_67, %dma_start3A_81] : memref<1000000x64xf32, #tpu.memory_space<hbm>> -> memref<1x64xf32, #tpu.memory_space<hbm>>
      %dma_start3A_83 = arith.constant 0 : i32
      %dma_start3A_84 = tpu.memref_slice %arg11[%add3A_71, %dma_start3A_83] : memref<256x64xf32, #tpu.memory_space<vmem>> -> memref<1x64xf32, #tpu.memory_space<vmem>>
      %dma_start3A_85 = arith.constant 0 : i32
      %dma_start3A_86 = tpu.memref_slice %arg5[%reduce_max3A_67, %dma_start3A_85] : memref<1000000x64xf32, #tpu.memory_space<hbm>> -> memref<1x64xf32, #tpu.memory_space<hbm>>
      tpu.enqueue_dma source(%dma_start3A_86 : memref<1x64xf32, #tpu.memory_space<hbm>>) target(%dma_start3A_84 : memref<1x64xf32, #tpu.memory_space<vmem>>) target_semaphore(%arg12 : memref<!tpu.dma_semaphore, #tpu.memory_space<semaphore_mem>>)
      %eq3A_87 = arith.constant 1 : i32
      %eq3A_88 = vector.broadcast %eq3A_87 : i32 to vector<16xi32>
      %eq3A_89 = arith.cmpi eq, %iota3A, %eq3A_88 : vector<16xi32>
      %jit3A_90 = arith.constant 0 : i32
      %broadcast_in_dim3A_91 = vector.broadcast %jit3A_90 : i32 to vector<16xi32>
      %select_n3A_92 = arith.select %eq3A_89, %get3A_42, %broadcast_in_dim3A_91 : vector<16xi1>, vector<16xi32>
      %reduce_max3A_93 = arith.constant true
      %reduce_max3A_94 = vector.broadcast %reduce_max3A_93 : i1 to vector<16xi1>
      %reduce_max3A_95 = arith.constant -2147483648 : i32
      %reduce_max3A_96 = vector.broadcast %reduce_max3A_95 : i32 to vector<16xi32>
      %reduce_max3A_97 = arith.xori %select_n3A_92, %reduce_max3A_96 : vector<16xi32>
      %reduce_max3A_98 = tpu.scan <max>, %reduce_max3A_97 masked %reduce_max3A_94 : vector<16xi32>, vector<16xi1> -> vector<16xi32>
      %reduce_max3A_99 = arith.xori %reduce_max3A_98, %reduce_max3A_96 : vector<16xi32>
      %reduce_max3A_100 = vector.extract %reduce_max3A_99[15] : i32 from vector<16xi32>
      %eq3A_101 = arith.constant 1 : i32
      %eq3A_102 = vector.broadcast %eq3A_101 : i32 to vector<16xi32>
      %eq3A_103 = arith.cmpi eq, %iota3A, %eq3A_102 : vector<16xi32>
      %jit3A_104 = arith.constant 0 : i32
      %broadcast_in_dim3A_105 = vector.broadcast %jit3A_104 : i32 to vector<16xi32>
      %select_n3A_106 = arith.select %eq3A_103, %get3A_44, %broadcast_in_dim3A_105 : vector<16xi1>, vector<16xi32>
      %reduce_max3A_107 = arith.constant true
      %reduce_max3A_108 = vector.broadcast %reduce_max3A_107 : i1 to vector<16xi1>
      %reduce_max3A_109 = arith.constant -2147483648 : i32
      %reduce_max3A_110 = vector.broadcast %reduce_max3A_109 : i32 to vector<16xi32>
      %reduce_max3A_111 = arith.xori %select_n3A_106, %reduce_max3A_110 : vector<16xi32>
      %reduce_max3A_112 = tpu.scan <max>, %reduce_max3A_111 masked %reduce_max3A_108 : vector<16xi32>, vector<16xi1> -> vector<16xi32>
      %reduce_max3A_113 = arith.xori %reduce_max3A_112, %reduce_max3A_110 : vector<16xi32>
      %reduce_max3A_114 = vector.extract %reduce_max3A_113[15] : i32 from vector<16xi32>
      %mul3A_115 = arith.constant 16 : i32
      %mul3A_116 = arith.muli %scan3A_37, %mul3A_115 : i32
      %add3A_117 = arith.constant 1 : i32
      %add3A_118 = arith.addi %mul3A_116, %add3A_117 : i32
      %dma_start3A_119 = arith.constant 0 : i32
      %dma_start3A_120 = tpu.memref_slice %arg10[%add3A_118, %dma_start3A_119] : memref<256x64xf32, #tpu.memory_space<vmem>> -> memref<1x64xf32, #tpu.memory_space<vmem>>
      %dma_start3A_121 = arith.constant 0 : i32
      %dma_start3A_122 = tpu.memref_slice %arg4[%reduce_max3A_100, %dma_start3A_121] : memref<1000000x64xf32, #tpu.memory_space<hbm>> -> memref<1x64xf32, #tpu.memory_space<hbm>>
      %dma_start3A_123 = arith.constant 0 : i32
      %dma_start3A_124 = tpu.memref_slice %arg10[%add3A_118, %dma_start3A_123] : memref<256x64xf32, #tpu.memory_space<vmem>> -> memref<1x64xf32, #tpu.memory_space<vmem>>
      %dma_start3A_125 = arith.constant 0 : i32
      %dma_start3A_126 = tpu.memref_slice %arg4[%reduce_max3A_100, %dma_start3A_125] : memref<1000000x64xf32, #tpu.memory_space<hbm>> -> memref<1x64xf32, #tpu.memory_space<hbm>>
      tpu.enqueue_dma source(%dma_start3A_126 : memref<1x64xf32, #tpu.memory_space<hbm>>) target(%dma_start3A_124 : memref<1x64xf32, #tpu.memory_space<vmem>>) target_semaphore(%arg12 : memref<!tpu.dma_semaphore, #tpu.memory_space<semaphore_mem>>)
      %dma_start3A_127 = arith.constant 0 : i32
      %dma_start3A_128 = tpu.memref_slice %arg11[%add3A_118, %dma_start3A_127] : memref<256x64xf32, #tpu.memory_space<vmem>> -> memref<1x64xf32, #tpu.memory_space<vmem>>
      %dma_start3A_129 = arith.constant 0 : i32
      %dma_start3A_130 = tpu.memref_slice %arg5[%reduce_max3A_114, %dma_start3A_129] : memref<1000000x64xf32, #tpu.memory_space<hbm>> -> memref<1x64xf32, #tpu.memory_space<hbm>>
      %dma_start3A_131 = arith.constant 0 : i32
      %dma_start3A_132 = tpu.memref_slice %arg11[%add3A_118, %dma_start3A_131] : memref<256x64xf32, #tpu.memory_space<vmem>> -> memref<1x64xf32, #tpu.memory_space<vmem>>
      %dma_start3A_133 = arith.constant 0 : i32
      %dma_start3A_134 = tpu.memref_slice %arg5[%reduce_max3A_114, %dma_start3A_133] : memref<1000000x64xf32, #tpu.memory_space<hbm>> -> memref<1x64xf32, #tpu.memory_space<hbm>>
      tpu.enqueue_dma source(%dma_start3A_134 : memref<1x64xf32, #tpu.memory_space<hbm>>) target(%dma_start3A_132 : memref<1x64xf32, #tpu.memory_space<vmem>>) target_semaphore(%arg12 : memref<!tpu.dma_semaphore, #tpu.memory_space<semaphore_mem>>)
      %eq3A_135 = arith.constant 2 : i32
      %eq3A_136 = vector.broadcast %eq3A_135 : i32 to vector<16xi32>
      %eq3A_137 = arith.cmpi eq, %iota3A, %eq3A_136 : vector<16xi32>
      %jit3A_138 = arith.constant 0 : i32
      %broadcast_in_dim3A_139 = vector.broadcast %jit3A_138 : i32 to vector<16xi32>
      %select_n3A_140 = arith.select %eq3A_137, %get3A_42, %broadcast_in_dim3A_139 : vector<16xi1>, vector<16xi32>
      %reduce_max3A_141 = arith.constant true
      %reduce_max3A_142 = vector.broadcast %reduce_max3A_141 : i1 to vector<16xi1>
      %reduce_max3A_143 = arith.constant -2147483648 : i32
      %reduce_max3A_144 = vector.broadcast %reduce_max3A_143 : i32 to vector<16xi32>
      %reduce_max3A_145 = arith.xori %select_n3A_140, %reduce_max3A_144 : vector<16xi32>
      %reduce_max3A_146 = tpu.scan <max>, %reduce_max3A_145 masked %reduce_max3A_142 : vector<16xi32>, vector<16xi1> -> vector<16xi32>
      %reduce_max3A_147 = arith.xori %reduce_max3A_146, %reduce_max3A_144 : vector<16xi32>
      %reduce_max3A_148 = vector.extract %reduce_max3A_147[15] : i32 from vector<16xi32>
      %eq3A_149 = arith.constant 2 : i32
      %eq3A_150 = vector.broadcast %eq3A_149 : i32 to vector<16xi32>
      %eq3A_151 = arith.cmpi eq, %iota3A, %eq3A_150 : vector<16xi32>
      %jit3A_152 = arith.constant 0 : i32
      %broadcast_in_dim3A_153 = vector.broadcast %jit3A_152 : i32 to vector<16xi32>
      %select_n3A_154 = arith.select %eq3A_151, %get3A_44, %broadcast_in_dim3A_153 : vector<16xi1>, vector<16xi32>
      %reduce_max3A_155 = arith.constant true
      %reduce_max3A_156 = vector.broadcast %reduce_max3A_155 : i1 to vector<16xi1>
      %reduce_max3A_157 = arith.constant -2147483648 : i32
      %reduce_max3A_158 = vector.broadcast %reduce_max3A_157 : i32 to vector<16xi32>
      %reduce_max3A_159 = arith.xori %select_n3A_154, %reduce_max3A_158 : vector<16xi32>
      %reduce_max3A_160 = tpu.scan <max>, %reduce_max3A_159 masked %reduce_max3A_156 : vector<16xi32>, vector<16xi1> -> vector<16xi32>
      %reduce_max3A_161 = arith.xori %reduce_max3A_160, %reduce_max3A_158 : vector<16xi32>
      %reduce_max3A_162 = vector.extract %reduce_max3A_161[15] : i32 from vector<16xi32>
      %mul3A_163 = arith.constant 16 : i32
      %mul3A_164 = arith.muli %scan3A_37, %mul3A_163 : i32
      %add3A_165 = arith.constant 2 : i32
      %add3A_166 = arith.addi %mul3A_164, %add3A_165 : i32
      %dma_start3A_167 = arith.constant 0 : i32
      %dma_start3A_168 = tpu.memref_slice %arg10[%add3A_166, %dma_start3A_167] : memref<256x64xf32, #tpu.memory_space<vmem>> -> memref<1x64xf32, #tpu.memory_space<vmem>>
      %dma_start3A_169 = arith.constant 0 : i32
      %dma_start3A_170 = tpu.memref_slice %arg4[%reduce_max3A_148, %dma_start3A_169] : memref<1000000x64xf32, #tpu.memory_space<hbm>> -> memref<1x64xf32, #tpu.memory_space<hbm>>
      %dma_start3A_171 = arith.constant 0 : i32
      %dma_start3A_172 = tpu.memref_slice %arg10[%add3A_166, %dma_start3A_171] : memref<256x64xf32, #tpu.memory_space<vmem>> -> memref<1x64xf32, #tpu.memory_space<vmem>>
      %dma_start3A_173 = arith.constant 0 : i32
      %dma_start3A_174 = tpu.memref_slice %arg4[%reduce_max3A_148, %dma_start3A_173] : memref<1000000x64xf32, #tpu.memory_space<hbm>> -> memref<1x64xf32, #tpu.memory_space<hbm>>
      tpu.enqueue_dma source(%dma_start3A_174 : memref<1x64xf32, #tpu.memory_space<hbm>>) target(%dma_start3A_172 : memref<1x64xf32, #tpu.memory_space<vmem>>) target_semaphore(%arg12 : memref<!tpu.dma_semaphore, #tpu.memory_space<semaphore_mem>>)
      %dma_start3A_175 = arith.constant 0 : i32
      %dma_start3A_176 = tpu.memref_slice %arg11[%add3A_166, %dma_start3A_175] : memref<256x64xf32, #tpu.memory_space<vmem>> -> memref<1x64xf32, #tpu.memory_space<vmem>>
      %dma_start3A_177 = arith.constant 0 : i32
      %dma_start3A_178 = tpu.memref_slice %arg5[%reduce_max3A_162, %dma_start3A_177] : memref<1000000x64xf32, #tpu.memory_space<hbm>> -> memref<1x64xf32, #tpu.memory_space<hbm>>
      %dma_start3A_179 = arith.constant 0 : i32
      %dma_start3A_180 = tpu.memref_slice %arg11[%add3A_166, %dma_start3A_179] : memref<256x64xf32, #tpu.memory_space<vmem>> -> memref<1x64xf32, #tpu.memory_space<vmem>>
      %dma_start3A_181 = arith.constant 0 : i32
      %dma_start3A_182 = tpu.memref_slice %arg5[%reduce_max3A_162, %dma_start3A_181] : memref<1000000x64xf32, #tpu.memory_space<hbm>> -> memref<1x64xf32, #tpu.memory_space<hbm>>
      tpu.enqueue_dma source(%dma_start3A_182 : memref<1x64xf32, #tpu.memory_space<hbm>>) target(%dma_start3A_180 : memref<1x64xf32, #tpu.memory_space<vmem>>) target_semaphore(%arg12 : memref<!tpu.dma_semaphore, #tpu.memory_space<semaphore_mem>>)
      %eq3A_183 = arith.constant 3 : i32
      %eq3A_184 = vector.broadcast %eq3A_183 : i32 to vector<16xi32>
      %eq3A_185 = arith.cmpi eq, %iota3A, %eq3A_184 : vector<16xi32>
      %jit3A_186 = arith.constant 0 : i32
      %broadcast_in_dim3A_187 = vector.broadcast %jit3A_186 : i32 to vector<16xi32>
      %select_n3A_188 = arith.select %eq3A_185, %get3A_42, %broadcast_in_dim3A_187 : vector<16xi1>, vector<16xi32>
      %reduce_max3A_189 = arith.constant true
      %reduce_max3A_190 = vector.broadcast %reduce_max3A_189 : i1 to vector<16xi1>
      %reduce_max3A_191 = arith.constant -2147483648 : i32
      %reduce_max3A_192 = vector.broadcast %reduce_max3A_191 : i32 to vector<16xi32>
      %reduce_max3A_193 = arith.xori %select_n3A_188, %reduce_max3A_192 : vector<16xi32>
      %reduce_max3A_194 = tpu.scan <max>, %reduce_max3A_193 masked %reduce_max3A_190 : vector<16xi32>, vector<16xi1> -> vector<16xi32>
      %reduce_max3A_195 = arith.xori %reduce_max3A_194, %reduce_max3A_192 : vector<16xi32>
      %reduce_max3A_196 = vector.extract %reduce_max3A_195[15] : i32 from vector<16xi32>
      %eq3A_197 = arith.constant 3 : i32
      %eq3A_198 = vector.broadcast %eq3A_197 : i32 to vector<16xi32>
      %eq3A_199 = arith.cmpi eq, %iota3A, %eq3A_198 : vector<16xi32>
      %jit3A_200 = arith.constant 0 : i32
      %broadcast_in_dim3A_201 = vector.broadcast %jit3A_200 : i32 to vector<16xi32>
      %select_n3A_202 = arith.select %eq3A_199, %get3A_44, %broadcast_in_dim3A_201 : vector<16xi1>, vector<16xi32>
      %reduce_max3A_203 = arith.constant true
      %reduce_max3A_204 = vector.broadcast %reduce_max3A_203 : i1 to vector<16xi1>
      %reduce_max3A_205 = arith.constant -2147483648 : i32
      %reduce_max3A_206 = vector.broadcast %reduce_max3A_205 : i32 to vector<16xi32>
      %reduce_max3A_207 = arith.xori %select_n3A_202, %reduce_max3A_206 : vector<16xi32>
      %reduce_max3A_208 = tpu.scan <max>, %reduce_max3A_207 masked %reduce_max3A_204 : vector<16xi32>, vector<16xi1> -> vector<16xi32>
      %reduce_max3A_209 = arith.xori %reduce_max3A_208, %reduce_max3A_206 : vector<16xi32>
      %reduce_max3A_210 = vector.extract %reduce_max3A_209[15] : i32 from vector<16xi32>
      %mul3A_211 = arith.constant 16 : i32
      %mul3A_212 = arith.muli %scan3A_37, %mul3A_211 : i32
      %add3A_213 = arith.constant 3 : i32
      %add3A_214 = arith.addi %mul3A_212, %add3A_213 : i32
      %dma_start3A_215 = arith.constant 0 : i32
      %dma_start3A_216 = tpu.memref_slice %arg10[%add3A_214, %dma_start3A_215] : memref<256x64xf32, #tpu.memory_space<vmem>> -> memref<1x64xf32, #tpu.memory_space<vmem>>
      %dma_start3A_217 = arith.constant 0 : i32
      %dma_start3A_218 = tpu.memref_slice %arg4[%reduce_max3A_196, %dma_start3A_217] : memref<1000000x64xf32, #tpu.memory_space<hbm>> -> memref<1x64xf32, #tpu.memory_space<hbm>>
      %dma_start3A_219 = arith.constant 0 : i32
      %dma_start3A_220 = tpu.memref_slice %arg10[%add3A_214, %dma_start3A_219] : memref<256x64xf32, #tpu.memory_space<vmem>> -> memref<1x64xf32, #tpu.memory_space<vmem>>
      %dma_start3A_221 = arith.constant 0 : i32
      %dma_start3A_222 = tpu.memref_slice %arg4[%reduce_max3A_196, %dma_start3A_221] : memref<1000000x64xf32, #tpu.memory_space<hbm>> -> memref<1x64xf32, #tpu.memory_space<hbm>>
      tpu.enqueue_dma source(%dma_start3A_222 : memref<1x64xf32, #tpu.memory_space<hbm>>) target(%dma_start3A_220 : memref<1x64xf32, #tpu.memory_space<vmem>>) target_semaphore(%arg12 : memref<!tpu.dma_semaphore, #tpu.memory_space<semaphore_mem>>)
      %dma_start3A_223 = arith.constant 0 : i32
      %dma_start3A_224 = tpu.memref_slice %arg11[%add3A_214, %dma_start3A_223] : memref<256x64xf32, #tpu.memory_space<vmem>> -> memref<1x64xf32, #tpu.memory_space<vmem>>
      %dma_start3A_225 = arith.constant 0 : i32
      %dma_start3A_226 = tpu.memref_slice %arg5[%reduce_max3A_210, %dma_start3A_225] : memref<1000000x64xf32, #tpu.memory_space<hbm>> -> memref<1x64xf32, #tpu.memory_space<hbm>>
      %dma_start3A_227 = arith.constant 0 : i32
      %dma_start3A_228 = tpu.memref_slice %arg11[%add3A_214, %dma_start3A_227] : memref<256x64xf32, #tpu.memory_space<vmem>> -> memref<1x64xf32, #tpu.memory_space<vmem>>
      %dma_start3A_229 = arith.constant 0 : i32
      %dma_start3A_230 = tpu.memref_slice %arg5[%reduce_max3A_210, %dma_start3A_229] : memref<1000000x64xf32, #tpu.memory_space<hbm>> -> memref<1x64xf32, #tpu.memory_space<hbm>>
      tpu.enqueue_dma source(%dma_start3A_230 : memref<1x64xf32, #tpu.memory_space<hbm>>) target(%dma_start3A_228 : memref<1x64xf32, #tpu.memory_space<vmem>>) target_semaphore(%arg12 : memref<!tpu.dma_semaphore, #tpu.memory_space<semaphore_mem>>)
      %eq3A_231 = arith.constant 4 : i32
      %eq3A_232 = vector.broadcast %eq3A_231 : i32 to vector<16xi32>
      %eq3A_233 = arith.cmpi eq, %iota3A, %eq3A_232 : vector<16xi32>
      %jit3A_234 = arith.constant 0 : i32
      %broadcast_in_dim3A_235 = vector.broadcast %jit3A_234 : i32 to vector<16xi32>
      %select_n3A_236 = arith.select %eq3A_233, %get3A_42, %broadcast_in_dim3A_235 : vector<16xi1>, vector<16xi32>
      %reduce_max3A_237 = arith.constant true
      %reduce_max3A_238 = vector.broadcast %reduce_max3A_237 : i1 to vector<16xi1>
      %reduce_max3A_239 = arith.constant -2147483648 : i32
      %reduce_max3A_240 = vector.broadcast %reduce_max3A_239 : i32 to vector<16xi32>
      %reduce_max3A_241 = arith.xori %select_n3A_236, %reduce_max3A_240 : vector<16xi32>
      %reduce_max3A_242 = tpu.scan <max>, %reduce_max3A_241 masked %reduce_max3A_238 : vector<16xi32>, vector<16xi1> -> vector<16xi32>
      %reduce_max3A_243 = arith.xori %reduce_max3A_242, %reduce_max3A_240 : vector<16xi32>
      %reduce_max3A_244 = vector.extract %reduce_max3A_243[15] : i32 from vector<16xi32>
      %eq3A_245 = arith.constant 4 : i32
      %eq3A_246 = vector.broadcast %eq3A_245 : i32 to vector<16xi32>
      %eq3A_247 = arith.cmpi eq, %iota3A, %eq3A_246 : vector<16xi32>
      %jit3A_248 = arith.constant 0 : i32
      %broadcast_in_dim3A_249 = vector.broadcast %jit3A_248 : i32 to vector<16xi32>
      %select_n3A_250 = arith.select %eq3A_247, %get3A_44, %broadcast_in_dim3A_249 : vector<16xi1>, vector<16xi32>
      %reduce_max3A_251 = arith.constant true
      %reduce_max3A_252 = vector.broadcast %reduce_max3A_251 : i1 to vector<16xi1>
      %reduce_max3A_253 = arith.constant -2147483648 : i32
      %reduce_max3A_254 = vector.broadcast %reduce_max3A_253 : i32 to vector<16xi32>
      %reduce_max3A_255 = arith.xori %select_n3A_250, %reduce_max3A_254 : vector<16xi32>
      %reduce_max3A_256 = tpu.scan <max>, %reduce_max3A_255 masked %reduce_max3A_252 : vector<16xi32>, vector<16xi1> -> vector<16xi32>
      %reduce_max3A_257 = arith.xori %reduce_max3A_256, %reduce_max3A_254 : vector<16xi32>
      %reduce_max3A_258 = vector.extract %reduce_max3A_257[15] : i32 from vector<16xi32>
      %mul3A_259 = arith.constant 16 : i32
      %mul3A_260 = arith.muli %scan3A_37, %mul3A_259 : i32
      %add3A_261 = arith.constant 4 : i32
      %add3A_262 = arith.addi %mul3A_260, %add3A_261 : i32
      %dma_start3A_263 = arith.constant 0 : i32
      %dma_start3A_264 = tpu.memref_slice %arg10[%add3A_262, %dma_start3A_263] : memref<256x64xf32, #tpu.memory_space<vmem>> -> memref<1x64xf32, #tpu.memory_space<vmem>>
      %dma_start3A_265 = arith.constant 0 : i32
      %dma_start3A_266 = tpu.memref_slice %arg4[%reduce_max3A_244, %dma_start3A_265] : memref<1000000x64xf32, #tpu.memory_space<hbm>> -> memref<1x64xf32, #tpu.memory_space<hbm>>
      %dma_start3A_267 = arith.constant 0 : i32
      %dma_start3A_268 = tpu.memref_slice %arg10[%add3A_262, %dma_start3A_267] : memref<256x64xf32, #tpu.memory_space<vmem>> -> memref<1x64xf32, #tpu.memory_space<vmem>>
      %dma_start3A_269 = arith.constant 0 : i32
      %dma_start3A_270 = tpu.memref_slice %arg4[%reduce_max3A_244, %dma_start3A_269] : memref<1000000x64xf32, #tpu.memory_space<hbm>> -> memref<1x64xf32, #tpu.memory_space<hbm>>
      tpu.enqueue_dma source(%dma_start3A_270 : memref<1x64xf32, #tpu.memory_space<hbm>>) target(%dma_start3A_268 : memref<1x64xf32, #tpu.memory_space<vmem>>) target_semaphore(%arg12 : memref<!tpu.dma_semaphore, #tpu.memory_space<semaphore_mem>>)
      %dma_start3A_271 = arith.constant 0 : i32
      %dma_start3A_272 = tpu.memref_slice %arg11[%add3A_262, %dma_start3A_271] : memref<256x64xf32, #tpu.memory_space<vmem>> -> memref<1x64xf32, #tpu.memory_space<vmem>>
      %dma_start3A_273 = arith.constant 0 : i32
      %dma_start3A_274 = tpu.memref_slice %arg5[%reduce_max3A_258, %dma_start3A_273] : memref<1000000x64xf32, #tpu.memory_space<hbm>> -> memref<1x64xf32, #tpu.memory_space<hbm>>
      %dma_start3A_275 = arith.constant 0 : i32
      %dma_start3A_276 = tpu.memref_slice %arg11[%add3A_262, %dma_start3A_275] : memref<256x64xf32, #tpu.memory_space<vmem>> -> memref<1x64xf32, #tpu.memory_space<vmem>>
      %dma_start3A_277 = arith.constant 0 : i32
      %dma_start3A_278 = tpu.memref_slice %arg5[%reduce_max3A_258, %dma_start3A_277] : memref<1000000x64xf32, #tpu.memory_space<hbm>> -> memref<1x64xf32, #tpu.memory_space<hbm>>
      tpu.enqueue_dma source(%dma_start3A_278 : memref<1x64xf32, #tpu.memory_space<hbm>>) target(%dma_start3A_276 : memref<1x64xf32, #tpu.memory_space<vmem>>) target_semaphore(%arg12 : memref<!tpu.dma_semaphore, #tpu.memory_space<semaphore_mem>>)
      %eq3A_279 = arith.constant 5 : i32
      %eq3A_280 = vector.broadcast %eq3A_279 : i32 to vector<16xi32>
      %eq3A_281 = arith.cmpi eq, %iota3A, %eq3A_280 : vector<16xi32>
      %jit3A_282 = arith.constant 0 : i32
      %broadcast_in_dim3A_283 = vector.broadcast %jit3A_282 : i32 to vector<16xi32>
      %select_n3A_284 = arith.select %eq3A_281, %get3A_42, %broadcast_in_dim3A_283 : vector<16xi1>, vector<16xi32>
      %reduce_max3A_285 = arith.constant true
      %reduce_max3A_286 = vector.broadcast %reduce_max3A_285 : i1 to vector<16xi1>
      %reduce_max3A_287 = arith.constant -2147483648 : i32
      %reduce_max3A_288 = vector.broadcast %reduce_max3A_287 : i32 to vector<16xi32>
      %reduce_max3A_289 = arith.xori %select_n3A_284, %reduce_max3A_288 : vector<16xi32>
      %reduce_max3A_290 = tpu.scan <max>, %reduce_max3A_289 masked %reduce_max3A_286 : vector<16xi32>, vector<16xi1> -> vector<16xi32>
      %reduce_max3A_291 = arith.xori %reduce_max3A_290, %reduce_max3A_288 : vector<16xi32>
      %reduce_max3A_292 = vector.extract %reduce_max3A_291[15] : i32 from vector<16xi32>
      %eq3A_293 = arith.constant 5 : i32
      %eq3A_294 = vector.broadcast %eq3A_293 : i32 to vector<16xi32>
      %eq3A_295 = arith.cmpi eq, %iota3A, %eq3A_294 : vector<16xi32>
      %jit3A_296 = arith.constant 0 : i32
      %broadcast_in_dim3A_297 = vector.broadcast %jit3A_296 : i32 to vector<16xi32>
      %select_n3A_298 = arith.select %eq3A_295, %get3A_44, %broadcast_in_dim3A_297 : vector<16xi1>, vector<16xi32>
      %reduce_max3A_299 = arith.constant true
      %reduce_max3A_300 = vector.broadcast %reduce_max3A_299 : i1 to vector<16xi1>
      %reduce_max3A_301 = arith.constant -2147483648 : i32
      %reduce_max3A_302 = vector.broadcast %reduce_max3A_301 : i32 to vector<16xi32>
      %reduce_max3A_303 = arith.xori %select_n3A_298, %reduce_max3A_302 : vector<16xi32>
      %reduce_max3A_304 = tpu.scan <max>, %reduce_max3A_303 masked %reduce_max3A_300 : vector<16xi32>, vector<16xi1> -> vector<16xi32>
      %reduce_max3A_305 = arith.xori %reduce_max3A_304, %reduce_max3A_302 : vector<16xi32>
      %reduce_max3A_306 = vector.extract %reduce_max3A_305[15] : i32 from vector<16xi32>
      %mul3A_307 = arith.constant 16 : i32
      %mul3A_308 = arith.muli %scan3A_37, %mul3A_307 : i32
      %add3A_309 = arith.constant 5 : i32
      %add3A_310 = arith.addi %mul3A_308, %add3A_309 : i32
      %dma_start3A_311 = arith.constant 0 : i32
      %dma_start3A_312 = tpu.memref_slice %arg10[%add3A_310, %dma_start3A_311] : memref<256x64xf32, #tpu.memory_space<vmem>> -> memref<1x64xf32, #tpu.memory_space<vmem>>
      %dma_start3A_313 = arith.constant 0 : i32
      %dma_start3A_314 = tpu.memref_slice %arg4[%reduce_max3A_292, %dma_start3A_313] : memref<1000000x64xf32, #tpu.memory_space<hbm>> -> memref<1x64xf32, #tpu.memory_space<hbm>>
      %dma_start3A_315 = arith.constant 0 : i32
      %dma_start3A_316 = tpu.memref_slice %arg10[%add3A_310, %dma_start3A_315] : memref<256x64xf32, #tpu.memory_space<vmem>> -> memref<1x64xf32, #tpu.memory_space<vmem>>
      %dma_start3A_317 = arith.constant 0 : i32
      %dma_start3A_318 = tpu.memref_slice %arg4[%reduce_max3A_292, %dma_start3A_317] : memref<1000000x64xf32, #tpu.memory_space<hbm>> -> memref<1x64xf32, #tpu.memory_space<hbm>>
      tpu.enqueue_dma source(%dma_start3A_318 : memref<1x64xf32, #tpu.memory_space<hbm>>) target(%dma_start3A_316 : memref<1x64xf32, #tpu.memory_space<vmem>>) target_semaphore(%arg12 : memref<!tpu.dma_semaphore, #tpu.memory_space<semaphore_mem>>)
      %dma_start3A_319 = arith.constant 0 : i32
      %dma_start3A_320 = tpu.memref_slice %arg11[%add3A_310, %dma_start3A_319] : memref<256x64xf32, #tpu.memory_space<vmem>> -> memref<1x64xf32, #tpu.memory_space<vmem>>
      %dma_start3A_321 = arith.constant 0 : i32
      %dma_start3A_322 = tpu.memref_slice %arg5[%reduce_max3A_306, %dma_start3A_321] : memref<1000000x64xf32, #tpu.memory_space<hbm>> -> memref<1x64xf32, #tpu.memory_space<hbm>>
      %dma_start3A_323 = arith.constant 0 : i32
      %dma_start3A_324 = tpu.memref_slice %arg11[%add3A_310, %dma_start3A_323] : memref<256x64xf32, #tpu.memory_space<vmem>> -> memref<1x64xf32, #tpu.memory_space<vmem>>
      %dma_start3A_325 = arith.constant 0 : i32
      %dma_start3A_326 = tpu.memref_slice %arg5[%reduce_max3A_306, %dma_start3A_325] : memref<1000000x64xf32, #tpu.memory_space<hbm>> -> memref<1x64xf32, #tpu.memory_space<hbm>>
      tpu.enqueue_dma source(%dma_start3A_326 : memref<1x64xf32, #tpu.memory_space<hbm>>) target(%dma_start3A_324 : memref<1x64xf32, #tpu.memory_space<vmem>>) target_semaphore(%arg12 : memref<!tpu.dma_semaphore, #tpu.memory_space<semaphore_mem>>)
      %eq3A_327 = arith.constant 6 : i32
      %eq3A_328 = vector.broadcast %eq3A_327 : i32 to vector<16xi32>
      %eq3A_329 = arith.cmpi eq, %iota3A, %eq3A_328 : vector<16xi32>
      %jit3A_330 = arith.constant 0 : i32
      %broadcast_in_dim3A_331 = vector.broadcast %jit3A_330 : i32 to vector<16xi32>
      %select_n3A_332 = arith.select %eq3A_329, %get3A_42, %broadcast_in_dim3A_331 : vector<16xi1>, vector<16xi32>
      %reduce_max3A_333 = arith.constant true
      %reduce_max3A_334 = vector.broadcast %reduce_max3A_333 : i1 to vector<16xi1>
      %reduce_max3A_335 = arith.constant -2147483648 : i32
      %reduce_max3A_336 = vector.broadcast %reduce_max3A_335 : i32 to vector<16xi32>
      %reduce_max3A_337 = arith.xori %select_n3A_332, %reduce_max3A_336 : vector<16xi32>
      %reduce_max3A_338 = tpu.scan <max>, %reduce_max3A_337 masked %reduce_max3A_334 : vector<16xi32>, vector<16xi1> -> vector<16xi32>
      %reduce_max3A_339 = arith.xori %reduce_max3A_338, %reduce_max3A_336 : vector<16xi32>
      %reduce_max3A_340 = vector.extract %reduce_max3A_339[15] : i32 from vector<16xi32>
      %eq3A_341 = arith.constant 6 : i32
      %eq3A_342 = vector.broadcast %eq3A_341 : i32 to vector<16xi32>
      %eq3A_343 = arith.cmpi eq, %iota3A, %eq3A_342 : vector<16xi32>
      %jit3A_344 = arith.constant 0 : i32
      %broadcast_in_dim3A_345 = vector.broadcast %jit3A_344 : i32 to vector<16xi32>
      %select_n3A_346 = arith.select %eq3A_343, %get3A_44, %broadcast_in_dim3A_345 : vector<16xi1>, vector<16xi32>
      %reduce_max3A_347 = arith.constant true
      %reduce_max3A_348 = vector.broadcast %reduce_max3A_347 : i1 to vector<16xi1>
      %reduce_max3A_349 = arith.constant -2147483648 : i32
      %reduce_max3A_350 = vector.broadcast %reduce_max3A_349 : i32 to vector<16xi32>
      %reduce_max3A_351 = arith.xori %select_n3A_346, %reduce_max3A_350 : vector<16xi32>
      %reduce_max3A_352 = tpu.scan <max>, %reduce_max3A_351 masked %reduce_max3A_348 : vector<16xi32>, vector<16xi1> -> vector<16xi32>
      %reduce_max3A_353 = arith.xori %reduce_max3A_352, %reduce_max3A_350 : vector<16xi32>
      %reduce_max3A_354 = vector.extract %reduce_max3A_353[15] : i32 from vector<16xi32>
      %mul3A_355 = arith.constant 16 : i32
      %mul3A_356 = arith.muli %scan3A_37, %mul3A_355 : i32
      %add3A_357 = arith.constant 6 : i32
      %add3A_358 = arith.addi %mul3A_356, %add3A_357 : i32
      %dma_start3A_359 = arith.constant 0 : i32
      %dma_start3A_360 = tpu.memref_slice %arg10[%add3A_358, %dma_start3A_359] : memref<256x64xf32, #tpu.memory_space<vmem>> -> memref<1x64xf32, #tpu.memory_space<vmem>>
      %dma_start3A_361 = arith.constant 0 : i32
      %dma_start3A_362 = tpu.memref_slice %arg4[%reduce_max3A_340, %dma_start3A_361] : memref<1000000x64xf32, #tpu.memory_space<hbm>> -> memref<1x64xf32, #tpu.memory_space<hbm>>
      %dma_start3A_363 = arith.constant 0 : i32
      %dma_start3A_364 = tpu.memref_slice %arg10[%add3A_358, %dma_start3A_363] : memref<256x64xf32, #tpu.memory_space<vmem>> -> memref<1x64xf32, #tpu.memory_space<vmem>>
      %dma_start3A_365 = arith.constant 0 : i32
      %dma_start3A_366 = tpu.memref_slice %arg4[%reduce_max3A_340, %dma_start3A_365] : memref<1000000x64xf32, #tpu.memory_space<hbm>> -> memref<1x64xf32, #tpu.memory_space<hbm>>
      tpu.enqueue_dma source(%dma_start3A_366 : memref<1x64xf32, #tpu.memory_space<hbm>>) target(%dma_start3A_364 : memref<1x64xf32, #tpu.memory_space<vmem>>) target_semaphore(%arg12 : memref<!tpu.dma_semaphore, #tpu.memory_space<semaphore_mem>>)
      %dma_start3A_367 = arith.constant 0 : i32
      %dma_start3A_368 = tpu.memref_slice %arg11[%add3A_358, %dma_start3A_367] : memref<256x64xf32, #tpu.memory_space<vmem>> -> memref<1x64xf32, #tpu.memory_space<vmem>>
      %dma_start3A_369 = arith.constant 0 : i32
      %dma_start3A_370 = tpu.memref_slice %arg5[%reduce_max3A_354, %dma_start3A_369] : memref<1000000x64xf32, #tpu.memory_space<hbm>> -> memref<1x64xf32, #tpu.memory_space<hbm>>
      %dma_start3A_371 = arith.constant 0 : i32
      %dma_start3A_372 = tpu.memref_slice %arg11[%add3A_358, %dma_start3A_371] : memref<256x64xf32, #tpu.memory_space<vmem>> -> memref<1x64xf32, #tpu.memory_space<vmem>>
      %dma_start3A_373 = arith.constant 0 : i32
      %dma_start3A_374 = tpu.memref_slice %arg5[%reduce_max3A_354, %dma_start3A_373] : memref<1000000x64xf32, #tpu.memory_space<hbm>> -> memref<1x64xf32, #tpu.memory_space<hbm>>
      tpu.enqueue_dma source(%dma_start3A_374 : memref<1x64xf32, #tpu.memory_space<hbm>>) target(%dma_start3A_372 : memref<1x64xf32, #tpu.memory_space<vmem>>) target_semaphore(%arg12 : memref<!tpu.dma_semaphore, #tpu.memory_space<semaphore_mem>>)
      %eq3A_375 = arith.constant 7 : i32
      %eq3A_376 = vector.broadcast %eq3A_375 : i32 to vector<16xi32>
      %eq3A_377 = arith.cmpi eq, %iota3A, %eq3A_376 : vector<16xi32>
      %jit3A_378 = arith.constant 0 : i32
      %broadcast_in_dim3A_379 = vector.broadcast %jit3A_378 : i32 to vector<16xi32>
      %select_n3A_380 = arith.select %eq3A_377, %get3A_42, %broadcast_in_dim3A_379 : vector<16xi1>, vector<16xi32>
      %reduce_max3A_381 = arith.constant true
      %reduce_max3A_382 = vector.broadcast %reduce_max3A_381 : i1 to vector<16xi1>
      %reduce_max3A_383 = arith.constant -2147483648 : i32
      %reduce_max3A_384 = vector.broadcast %reduce_max3A_383 : i32 to vector<16xi32>
      %reduce_max3A_385 = arith.xori %select_n3A_380, %reduce_max3A_384 : vector<16xi32>
      %reduce_max3A_386 = tpu.scan <max>, %reduce_max3A_385 masked %reduce_max3A_382 : vector<16xi32>, vector<16xi1> -> vector<16xi32>
      %reduce_max3A_387 = arith.xori %reduce_max3A_386, %reduce_max3A_384 : vector<16xi32>
      %reduce_max3A_388 = vector.extract %reduce_max3A_387[15] : i32 from vector<16xi32>
      %eq3A_389 = arith.constant 7 : i32
      %eq3A_390 = vector.broadcast %eq3A_389 : i32 to vector<16xi32>
      %eq3A_391 = arith.cmpi eq, %iota3A, %eq3A_390 : vector<16xi32>
      %jit3A_392 = arith.constant 0 : i32
      %broadcast_in_dim3A_393 = vector.broadcast %jit3A_392 : i32 to vector<16xi32>
      %select_n3A_394 = arith.select %eq3A_391, %get3A_44, %broadcast_in_dim3A_393 : vector<16xi1>, vector<16xi32>
      %reduce_max3A_395 = arith.constant true
      %reduce_max3A_396 = vector.broadcast %reduce_max3A_395 : i1 to vector<16xi1>
      %reduce_max3A_397 = arith.constant -2147483648 : i32
      %reduce_max3A_398 = vector.broadcast %reduce_max3A_397 : i32 to vector<16xi32>
      %reduce_max3A_399 = arith.xori %select_n3A_394, %reduce_max3A_398 : vector<16xi32>
      %reduce_max3A_400 = tpu.scan <max>, %reduce_max3A_399 masked %reduce_max3A_396 : vector<16xi32>, vector<16xi1> -> vector<16xi32>
      %reduce_max3A_401 = arith.xori %reduce_max3A_400, %reduce_max3A_398 : vector<16xi32>
      %reduce_max3A_402 = vector.extract %reduce_max3A_401[15] : i32 from vector<16xi32>
      %mul3A_403 = arith.constant 16 : i32
      %mul3A_404 = arith.muli %scan3A_37, %mul3A_403 : i32
      %add3A_405 = arith.constant 7 : i32
      %add3A_406 = arith.addi %mul3A_404, %add3A_405 : i32
      %dma_start3A_407 = arith.constant 0 : i32
      %dma_start3A_408 = tpu.memref_slice %arg10[%add3A_406, %dma_start3A_407] : memref<256x64xf32, #tpu.memory_space<vmem>> -> memref<1x64xf32, #tpu.memory_space<vmem>>
      %dma_start3A_409 = arith.constant 0 : i32
      %dma_start3A_410 = tpu.memref_slice %arg4[%reduce_max3A_388, %dma_start3A_409] : memref<1000000x64xf32, #tpu.memory_space<hbm>> -> memref<1x64xf32, #tpu.memory_space<hbm>>
      %dma_start3A_411 = arith.constant 0 : i32
      %dma_start3A_412 = tpu.memref_slice %arg10[%add3A_406, %dma_start3A_411] : memref<256x64xf32, #tpu.memory_space<vmem>> -> memref<1x64xf32, #tpu.memory_space<vmem>>
      %dma_start3A_413 = arith.constant 0 : i32
      %dma_start3A_414 = tpu.memref_slice %arg4[%reduce_max3A_388, %dma_start3A_413] : memref<1000000x64xf32, #tpu.memory_space<hbm>> -> memref<1x64xf32, #tpu.memory_space<hbm>>
      tpu.enqueue_dma source(%dma_start3A_414 : memref<1x64xf32, #tpu.memory_space<hbm>>) target(%dma_start3A_412 : memref<1x64xf32, #tpu.memory_space<vmem>>) target_semaphore(%arg12 : memref<!tpu.dma_semaphore, #tpu.memory_space<semaphore_mem>>)
      %dma_start3A_415 = arith.constant 0 : i32
      %dma_start3A_416 = tpu.memref_slice %arg11[%add3A_406, %dma_start3A_415] : memref<256x64xf32, #tpu.memory_space<vmem>> -> memref<1x64xf32, #tpu.memory_space<vmem>>
      %dma_start3A_417 = arith.constant 0 : i32
      %dma_start3A_418 = tpu.memref_slice %arg5[%reduce_max3A_402, %dma_start3A_417] : memref<1000000x64xf32, #tpu.memory_space<hbm>> -> memref<1x64xf32, #tpu.memory_space<hbm>>
      %dma_start3A_419 = arith.constant 0 : i32
      %dma_start3A_420 = tpu.memref_slice %arg11[%add3A_406, %dma_start3A_419] : memref<256x64xf32, #tpu.memory_space<vmem>> -> memref<1x64xf32, #tpu.memory_space<vmem>>
      %dma_start3A_421 = arith.constant 0 : i32
      %dma_start3A_422 = tpu.memref_slice %arg5[%reduce_max3A_402, %dma_start3A_421] : memref<1000000x64xf32, #tpu.memory_space<hbm>> -> memref<1x64xf32, #tpu.memory_space<hbm>>
      tpu.enqueue_dma source(%dma_start3A_422 : memref<1x64xf32, #tpu.memory_space<hbm>>) target(%dma_start3A_420 : memref<1x64xf32, #tpu.memory_space<vmem>>) target_semaphore(%arg12 : memref<!tpu.dma_semaphore, #tpu.memory_space<semaphore_mem>>)
      %eq3A_423 = arith.constant 8 : i32
      %eq3A_424 = vector.broadcast %eq3A_423 : i32 to vector<16xi32>
      %eq3A_425 = arith.cmpi eq, %iota3A, %eq3A_424 : vector<16xi32>
      %jit3A_426 = arith.constant 0 : i32
      %broadcast_in_dim3A_427 = vector.broadcast %jit3A_426 : i32 to vector<16xi32>
      %select_n3A_428 = arith.select %eq3A_425, %get3A_42, %broadcast_in_dim3A_427 : vector<16xi1>, vector<16xi32>
      %reduce_max3A_429 = arith.constant true
      %reduce_max3A_430 = vector.broadcast %reduce_max3A_429 : i1 to vector<16xi1>
      %reduce_max3A_431 = arith.constant -2147483648 : i32
      %reduce_max3A_432 = vector.broadcast %reduce_max3A_431 : i32 to vector<16xi32>
      %reduce_max3A_433 = arith.xori %select_n3A_428, %reduce_max3A_432 : vector<16xi32>
      %reduce_max3A_434 = tpu.scan <max>, %reduce_max3A_433 masked %reduce_max3A_430 : vector<16xi32>, vector<16xi1> -> vector<16xi32>
      %reduce_max3A_435 = arith.xori %reduce_max3A_434, %reduce_max3A_432 : vector<16xi32>
      %reduce_max3A_436 = vector.extract %reduce_max3A_435[15] : i32 from vector<16xi32>
      %eq3A_437 = arith.constant 8 : i32
      %eq3A_438 = vector.broadcast %eq3A_437 : i32 to vector<16xi32>
      %eq3A_439 = arith.cmpi eq, %iota3A, %eq3A_438 : vector<16xi32>
      %jit3A_440 = arith.constant 0 : i32
      %broadcast_in_dim3A_441 = vector.broadcast %jit3A_440 : i32 to vector<16xi32>
      %select_n3A_442 = arith.select %eq3A_439, %get3A_44, %broadcast_in_dim3A_441 : vector<16xi1>, vector<16xi32>
      %reduce_max3A_443 = arith.constant true
      %reduce_max3A_444 = vector.broadcast %reduce_max3A_443 : i1 to vector<16xi1>
      %reduce_max3A_445 = arith.constant -2147483648 : i32
      %reduce_max3A_446 = vector.broadcast %reduce_max3A_445 : i32 to vector<16xi32>
      %reduce_max3A_447 = arith.xori %select_n3A_442, %reduce_max3A_446 : vector<16xi32>
      %reduce_max3A_448 = tpu.scan <max>, %reduce_max3A_447 masked %reduce_max3A_444 : vector<16xi32>, vector<16xi1> -> vector<16xi32>
      %reduce_max3A_449 = arith.xori %reduce_max3A_448, %reduce_max3A_446 : vector<16xi32>
      %reduce_max3A_450 = vector.extract %reduce_max3A_449[15] : i32 from vector<16xi32>
      %mul3A_451 = arith.constant 16 : i32
      %mul3A_452 = arith.muli %scan3A_37, %mul3A_451 : i32
      %add3A_453 = arith.constant 8 : i32
      %add3A_454 = arith.addi %mul3A_452, %add3A_453 : i32
      %dma_start3A_455 = arith.constant 0 : i32
      %dma_start3A_456 = tpu.memref_slice %arg10[%add3A_454, %dma_start3A_455] : memref<256x64xf32, #tpu.memory_space<vmem>> -> memref<1x64xf32, #tpu.memory_space<vmem>>
      %dma_start3A_457 = arith.constant 0 : i32
      %dma_start3A_458 = tpu.memref_slice %arg4[%reduce_max3A_436, %dma_start3A_457] : memref<1000000x64xf32, #tpu.memory_space<hbm>> -> memref<1x64xf32, #tpu.memory_space<hbm>>
      %dma_start3A_459 = arith.constant 0 : i32
      %dma_start3A_460 = tpu.memref_slice %arg10[%add3A_454, %dma_start3A_459] : memref<256x64xf32, #tpu.memory_space<vmem>> -> memref<1x64xf32, #tpu.memory_space<vmem>>
      %dma_start3A_461 = arith.constant 0 : i32
      %dma_start3A_462 = tpu.memref_slice %arg4[%reduce_max3A_436, %dma_start3A_461] : memref<1000000x64xf32, #tpu.memory_space<hbm>> -> memref<1x64xf32, #tpu.memory_space<hbm>>
      tpu.enqueue_dma source(%dma_start3A_462 : memref<1x64xf32, #tpu.memory_space<hbm>>) target(%dma_start3A_460 : memref<1x64xf32, #tpu.memory_space<vmem>>) target_semaphore(%arg12 : memref<!tpu.dma_semaphore, #tpu.memory_space<semaphore_mem>>)
      %dma_start3A_463 = arith.constant 0 : i32
      %dma_start3A_464 = tpu.memref_slice %arg11[%add3A_454, %dma_start3A_463] : memref<256x64xf32, #tpu.memory_space<vmem>> -> memref<1x64xf32, #tpu.memory_space<vmem>>
      %dma_start3A_465 = arith.constant 0 : i32
      %dma_start3A_466 = tpu.memref_slice %arg5[%reduce_max3A_450, %dma_start3A_465] : memref<1000000x64xf32, #tpu.memory_space<hbm>> -> memref<1x64xf32, #tpu.memory_space<hbm>>
      %dma_start3A_467 = arith.constant 0 : i32
      %dma_start3A_468 = tpu.memref_slice %arg11[%add3A_454, %dma_start3A_467] : memref<256x64xf32, #tpu.memory_space<vmem>> -> memref<1x64xf32, #tpu.memory_space<vmem>>
      %dma_start3A_469 = arith.constant 0 : i32
      %dma_start3A_470 = tpu.memref_slice %arg5[%reduce_max3A_450, %dma_start3A_469] : memref<1000000x64xf32, #tpu.memory_space<hbm>> -> memref<1x64xf32, #tpu.memory_space<hbm>>
      tpu.enqueue_dma source(%dma_start3A_470 : memref<1x64xf32, #tpu.memory_space<hbm>>) target(%dma_start3A_468 : memref<1x64xf32, #tpu.memory_space<vmem>>) target_semaphore(%arg12 : memref<!tpu.dma_semaphore, #tpu.memory_space<semaphore_mem>>)
      %eq3A_471 = arith.constant 9 : i32
      %eq3A_472 = vector.broadcast %eq3A_471 : i32 to vector<16xi32>
      %eq3A_473 = arith.cmpi eq, %iota3A, %eq3A_472 : vector<16xi32>
      %jit3A_474 = arith.constant 0 : i32
      %broadcast_in_dim3A_475 = vector.broadcast %jit3A_474 : i32 to vector<16xi32>
      %select_n3A_476 = arith.select %eq3A_473, %get3A_42, %broadcast_in_dim3A_475 : vector<16xi1>, vector<16xi32>
      %reduce_max3A_477 = arith.constant true
      %reduce_max3A_478 = vector.broadcast %reduce_max3A_477 : i1 to vector<16xi1>
      %reduce_max3A_479 = arith.constant -2147483648 : i32
      %reduce_max3A_480 = vector.broadcast %reduce_max3A_479 : i32 to vector<16xi32>
      %reduce_max3A_481 = arith.xori %select_n3A_476, %reduce_max3A_480 : vector<16xi32>
      %reduce_max3A_482 = tpu.scan <max>, %reduce_max3A_481 masked %reduce_max3A_478 : vector<16xi32>, vector<16xi1> -> vector<16xi32>
      %reduce_max3A_483 = arith.xori %reduce_max3A_482, %reduce_max3A_480 : vector<16xi32>
      %reduce_max3A_484 = vector.extract %reduce_max3A_483[15] : i32 from vector<16xi32>
      %eq3A_485 = arith.constant 9 : i32
      %eq3A_486 = vector.broadcast %eq3A_485 : i32 to vector<16xi32>
      %eq3A_487 = arith.cmpi eq, %iota3A, %eq3A_486 : vector<16xi32>
      %jit3A_488 = arith.constant 0 : i32
      %broadcast_in_dim3A_489 = vector.broadcast %jit3A_488 : i32 to vector<16xi32>
      %select_n3A_490 = arith.select %eq3A_487, %get3A_44, %broadcast_in_dim3A_489 : vector<16xi1>, vector<16xi32>
      %reduce_max3A_491 = arith.constant true
      %reduce_max3A_492 = vector.broadcast %reduce_max3A_491 : i1 to vector<16xi1>
      %reduce_max3A_493 = arith.constant -2147483648 : i32
      %reduce_max3A_494 = vector.broadcast %reduce_max3A_493 : i32 to vector<16xi32>
      %reduce_max3A_495 = arith.xori %select_n3A_490, %reduce_max3A_494 : vector<16xi32>
      %reduce_max3A_496 = tpu.scan <max>, %reduce_max3A_495 masked %reduce_max3A_492 : vector<16xi32>, vector<16xi1> -> vector<16xi32>
      %reduce_max3A_497 = arith.xori %reduce_max3A_496, %reduce_max3A_494 : vector<16xi32>
      %reduce_max3A_498 = vector.extract %reduce_max3A_497[15] : i32 from vector<16xi32>
      %mul3A_499 = arith.constant 16 : i32
      %mul3A_500 = arith.muli %scan3A_37, %mul3A_499 : i32
      %add3A_501 = arith.constant 9 : i32
      %add3A_502 = arith.addi %mul3A_500, %add3A_501 : i32
      %dma_start3A_503 = arith.constant 0 : i32
      %dma_start3A_504 = tpu.memref_slice %arg10[%add3A_502, %dma_start3A_503] : memref<256x64xf32, #tpu.memory_space<vmem>> -> memref<1x64xf32, #tpu.memory_space<vmem>>
      %dma_start3A_505 = arith.constant 0 : i32
      %dma_start3A_506 = tpu.memref_slice %arg4[%reduce_max3A_484, %dma_start3A_505] : memref<1000000x64xf32, #tpu.memory_space<hbm>> -> memref<1x64xf32, #tpu.memory_space<hbm>>
      %dma_start3A_507 = arith.constant 0 : i32
      %dma_start3A_508 = tpu.memref_slice %arg10[%add3A_502, %dma_start3A_507] : memref<256x64xf32, #tpu.memory_space<vmem>> -> memref<1x64xf32, #tpu.memory_space<vmem>>
      %dma_start3A_509 = arith.constant 0 : i32
      %dma_start3A_510 = tpu.memref_slice %arg4[%reduce_max3A_484, %dma_start3A_509] : memref<1000000x64xf32, #tpu.memory_space<hbm>> -> memref<1x64xf32, #tpu.memory_space<hbm>>
      tpu.enqueue_dma source(%dma_start3A_510 : memref<1x64xf32, #tpu.memory_space<hbm>>) target(%dma_start3A_508 : memref<1x64xf32, #tpu.memory_space<vmem>>) target_semaphore(%arg12 : memref<!tpu.dma_semaphore, #tpu.memory_space<semaphore_mem>>)
      %dma_start3A_511 = arith.constant 0 : i32
      %dma_start3A_512 = tpu.memref_slice %arg11[%add3A_502, %dma_start3A_511] : memref<256x64xf32, #tpu.memory_space<vmem>> -> memref<1x64xf32, #tpu.memory_space<vmem>>
      %dma_start3A_513 = arith.constant 0 : i32
      %dma_start3A_514 = tpu.memref_slice %arg5[%reduce_max3A_498, %dma_start3A_513] : memref<1000000x64xf32, #tpu.memory_space<hbm>> -> memref<1x64xf32, #tpu.memory_space<hbm>>
      %dma_start3A_515 = arith.constant 0 : i32
      %dma_start3A_516 = tpu.memref_slice %arg11[%add3A_502, %dma_start3A_515] : memref<256x64xf32, #tpu.memory_space<vmem>> -> memref<1x64xf32, #tpu.memory_space<vmem>>
      %dma_start3A_517 = arith.constant 0 : i32
      %dma_start3A_518 = tpu.memref_slice %arg5[%reduce_max3A_498, %dma_start3A_517] : memref<1000000x64xf32, #tpu.memory_space<hbm>> -> memref<1x64xf32, #tpu.memory_space<hbm>>
      tpu.enqueue_dma source(%dma_start3A_518 : memref<1x64xf32, #tpu.memory_space<hbm>>) target(%dma_start3A_516 : memref<1x64xf32, #tpu.memory_space<vmem>>) target_semaphore(%arg12 : memref<!tpu.dma_semaphore, #tpu.memory_space<semaphore_mem>>)
      %eq3A_519 = arith.constant 10 : i32
      %eq3A_520 = vector.broadcast %eq3A_519 : i32 to vector<16xi32>
      %eq3A_521 = arith.cmpi eq, %iota3A, %eq3A_520 : vector<16xi32>
      %jit3A_522 = arith.constant 0 : i32
      %broadcast_in_dim3A_523 = vector.broadcast %jit3A_522 : i32 to vector<16xi32>
      %select_n3A_524 = arith.select %eq3A_521, %get3A_42, %broadcast_in_dim3A_523 : vector<16xi1>, vector<16xi32>
      %reduce_max3A_525 = arith.constant true
      %reduce_max3A_526 = vector.broadcast %reduce_max3A_525 : i1 to vector<16xi1>
      %reduce_max3A_527 = arith.constant -2147483648 : i32
      %reduce_max3A_528 = vector.broadcast %reduce_max3A_527 : i32 to vector<16xi32>
      %reduce_max3A_529 = arith.xori %select_n3A_524, %reduce_max3A_528 : vector<16xi32>
      %reduce_max3A_530 = tpu.scan <max>, %reduce_max3A_529 masked %reduce_max3A_526 : vector<16xi32>, vector<16xi1> -> vector<16xi32>
      %reduce_max3A_531 = arith.xori %reduce_max3A_530, %reduce_max3A_528 : vector<16xi32>
      %reduce_max3A_532 = vector.extract %reduce_max3A_531[15] : i32 from vector<16xi32>
      %eq3A_533 = arith.constant 10 : i32
      %eq3A_534 = vector.broadcast %eq3A_533 : i32 to vector<16xi32>
      %eq3A_535 = arith.cmpi eq, %iota3A, %eq3A_534 : vector<16xi32>
      %jit3A_536 = arith.constant 0 : i32
      %broadcast_in_dim3A_537 = vector.broadcast %jit3A_536 : i32 to vector<16xi32>
      %select_n3A_538 = arith.select %eq3A_535, %get3A_44, %broadcast_in_dim3A_537 : vector<16xi1>, vector<16xi32>
      %reduce_max3A_539 = arith.constant true
      %reduce_max3A_540 = vector.broadcast %reduce_max3A_539 : i1 to vector<16xi1>
      %reduce_max3A_541 = arith.constant -2147483648 : i32
      %reduce_max3A_542 = vector.broadcast %reduce_max3A_541 : i32 to vector<16xi32>
      %reduce_max3A_543 = arith.xori %select_n3A_538, %reduce_max3A_542 : vector<16xi32>
      %reduce_max3A_544 = tpu.scan <max>, %reduce_max3A_543 masked %reduce_max3A_540 : vector<16xi32>, vector<16xi1> -> vector<16xi32>
      %reduce_max3A_545 = arith.xori %reduce_max3A_544, %reduce_max3A_542 : vector<16xi32>
      %reduce_max3A_546 = vector.extract %reduce_max3A_545[15] : i32 from vector<16xi32>
      %mul3A_547 = arith.constant 16 : i32
      %mul3A_548 = arith.muli %scan3A_37, %mul3A_547 : i32
      %add3A_549 = arith.constant 10 : i32
      %add3A_550 = arith.addi %mul3A_548, %add3A_549 : i32
      %dma_start3A_551 = arith.constant 0 : i32
      %dma_start3A_552 = tpu.memref_slice %arg10[%add3A_550, %dma_start3A_551] : memref<256x64xf32, #tpu.memory_space<vmem>> -> memref<1x64xf32, #tpu.memory_space<vmem>>
      %dma_start3A_553 = arith.constant 0 : i32
      %dma_start3A_554 = tpu.memref_slice %arg4[%reduce_max3A_532, %dma_start3A_553] : memref<1000000x64xf32, #tpu.memory_space<hbm>> -> memref<1x64xf32, #tpu.memory_space<hbm>>
      %dma_start3A_555 = arith.constant 0 : i32
      %dma_start3A_556 = tpu.memref_slice %arg10[%add3A_550, %dma_start3A_555] : memref<256x64xf32, #tpu.memory_space<vmem>> -> memref<1x64xf32, #tpu.memory_space<vmem>>
      %dma_start3A_557 = arith.constant 0 : i32
      %dma_start3A_558 = tpu.memref_slice %arg4[%reduce_max3A_532, %dma_start3A_557] : memref<1000000x64xf32, #tpu.memory_space<hbm>> -> memref<1x64xf32, #tpu.memory_space<hbm>>
      tpu.enqueue_dma source(%dma_start3A_558 : memref<1x64xf32, #tpu.memory_space<hbm>>) target(%dma_start3A_556 : memref<1x64xf32, #tpu.memory_space<vmem>>) target_semaphore(%arg12 : memref<!tpu.dma_semaphore, #tpu.memory_space<semaphore_mem>>)
      %dma_start3A_559 = arith.constant 0 : i32
      %dma_start3A_560 = tpu.memref_slice %arg11[%add3A_550, %dma_start3A_559] : memref<256x64xf32, #tpu.memory_space<vmem>> -> memref<1x64xf32, #tpu.memory_space<vmem>>
      %dma_start3A_561 = arith.constant 0 : i32
      %dma_start3A_562 = tpu.memref_slice %arg5[%reduce_max3A_546, %dma_start3A_561] : memref<1000000x64xf32, #tpu.memory_space<hbm>> -> memref<1x64xf32, #tpu.memory_space<hbm>>
      %dma_start3A_563 = arith.constant 0 : i32
      %dma_start3A_564 = tpu.memref_slice %arg11[%add3A_550, %dma_start3A_563] : memref<256x64xf32, #tpu.memory_space<vmem>> -> memref<1x64xf32, #tpu.memory_space<vmem>>
      %dma_start3A_565 = arith.constant 0 : i32
      %dma_start3A_566 = tpu.memref_slice %arg5[%reduce_max3A_546, %dma_start3A_565] : memref<1000000x64xf32, #tpu.memory_space<hbm>> -> memref<1x64xf32, #tpu.memory_space<hbm>>
      tpu.enqueue_dma source(%dma_start3A_566 : memref<1x64xf32, #tpu.memory_space<hbm>>) target(%dma_start3A_564 : memref<1x64xf32, #tpu.memory_space<vmem>>) target_semaphore(%arg12 : memref<!tpu.dma_semaphore, #tpu.memory_space<semaphore_mem>>)
      %eq3A_567 = arith.constant 11 : i32
      %eq3A_568 = vector.broadcast %eq3A_567 : i32 to vector<16xi32>
      %eq3A_569 = arith.cmpi eq, %iota3A, %eq3A_568 : vector<16xi32>
      %jit3A_570 = arith.constant 0 : i32
      %broadcast_in_dim3A_571 = vector.broadcast %jit3A_570 : i32 to vector<16xi32>
      %select_n3A_572 = arith.select %eq3A_569, %get3A_42, %broadcast_in_dim3A_571 : vector<16xi1>, vector<16xi32>
      %reduce_max3A_573 = arith.constant true
      %reduce_max3A_574 = vector.broadcast %reduce_max3A_573 : i1 to vector<16xi1>
      %reduce_max3A_575 = arith.constant -2147483648 : i32
      %reduce_max3A_576 = vector.broadcast %reduce_max3A_575 : i32 to vector<16xi32>
      %reduce_max3A_577 = arith.xori %select_n3A_572, %reduce_max3A_576 : vector<16xi32>
      %reduce_max3A_578 = tpu.scan <max>, %reduce_max3A_577 masked %reduce_max3A_574 : vector<16xi32>, vector<16xi1> -> vector<16xi32>
      %reduce_max3A_579 = arith.xori %reduce_max3A_578, %reduce_max3A_576 : vector<16xi32>
      %reduce_max3A_580 = vector.extract %reduce_max3A_579[15] : i32 from vector<16xi32>
      %eq3A_581 = arith.constant 11 : i32
      %eq3A_582 = vector.broadcast %eq3A_581 : i32 to vector<16xi32>
      %eq3A_583 = arith.cmpi eq, %iota3A, %eq3A_582 : vector<16xi32>
      %jit3A_584 = arith.constant 0 : i32
      %broadcast_in_dim3A_585 = vector.broadcast %jit3A_584 : i32 to vector<16xi32>
      %select_n3A_586 = arith.select %eq3A_583, %get3A_44, %broadcast_in_dim3A_585 : vector<16xi1>, vector<16xi32>
      %reduce_max3A_587 = arith.constant true
      %reduce_max3A_588 = vector.broadcast %reduce_max3A_587 : i1 to vector<16xi1>
      %reduce_max3A_589 = arith.constant -2147483648 : i32
      %reduce_max3A_590 = vector.broadcast %reduce_max3A_589 : i32 to vector<16xi32>
      %reduce_max3A_591 = arith.xori %select_n3A_586, %reduce_max3A_590 : vector<16xi32>
      %reduce_max3A_592 = tpu.scan <max>, %reduce_max3A_591 masked %reduce_max3A_588 : vector<16xi32>, vector<16xi1> -> vector<16xi32>
      %reduce_max3A_593 = arith.xori %reduce_max3A_592, %reduce_max3A_590 : vector<16xi32>
      %reduce_max3A_594 = vector.extract %reduce_max3A_593[15] : i32 from vector<16xi32>
      %mul3A_595 = arith.constant 16 : i32
      %mul3A_596 = arith.muli %scan3A_37, %mul3A_595 : i32
      %add3A_597 = arith.constant 11 : i32
      %add3A_598 = arith.addi %mul3A_596, %add3A_597 : i32
      %dma_start3A_599 = arith.constant 0 : i32
      %dma_start3A_600 = tpu.memref_slice %arg10[%add3A_598, %dma_start3A_599] : memref<256x64xf32, #tpu.memory_space<vmem>> -> memref<1x64xf32, #tpu.memory_space<vmem>>
      %dma_start3A_601 = arith.constant 0 : i32
      %dma_start3A_602 = tpu.memref_slice %arg4[%reduce_max3A_580, %dma_start3A_601] : memref<1000000x64xf32, #tpu.memory_space<hbm>> -> memref<1x64xf32, #tpu.memory_space<hbm>>
      %dma_start3A_603 = arith.constant 0 : i32
      %dma_start3A_604 = tpu.memref_slice %arg10[%add3A_598, %dma_start3A_603] : memref<256x64xf32, #tpu.memory_space<vmem>> -> memref<1x64xf32, #tpu.memory_space<vmem>>
      %dma_start3A_605 = arith.constant 0 : i32
      %dma_start3A_606 = tpu.memref_slice %arg4[%reduce_max3A_580, %dma_start3A_605] : memref<1000000x64xf32, #tpu.memory_space<hbm>> -> memref<1x64xf32, #tpu.memory_space<hbm>>
      tpu.enqueue_dma source(%dma_start3A_606 : memref<1x64xf32, #tpu.memory_space<hbm>>) target(%dma_start3A_604 : memref<1x64xf32, #tpu.memory_space<vmem>>) target_semaphore(%arg12 : memref<!tpu.dma_semaphore, #tpu.memory_space<semaphore_mem>>)
      %dma_start3A_607 = arith.constant 0 : i32
      %dma_start3A_608 = tpu.memref_slice %arg11[%add3A_598, %dma_start3A_607] : memref<256x64xf32, #tpu.memory_space<vmem>> -> memref<1x64xf32, #tpu.memory_space<vmem>>
      %dma_start3A_609 = arith.constant 0 : i32
      %dma_start3A_610 = tpu.memref_slice %arg5[%reduce_max3A_594, %dma_start3A_609] : memref<1000000x64xf32, #tpu.memory_space<hbm>> -> memref<1x64xf32, #tpu.memory_space<hbm>>
      %dma_start3A_611 = arith.constant 0 : i32
      %dma_start3A_612 = tpu.memref_slice %arg11[%add3A_598, %dma_start3A_611] : memref<256x64xf32, #tpu.memory_space<vmem>> -> memref<1x64xf32, #tpu.memory_space<vmem>>
      %dma_start3A_613 = arith.constant 0 : i32
      %dma_start3A_614 = tpu.memref_slice %arg5[%reduce_max3A_594, %dma_start3A_613] : memref<1000000x64xf32, #tpu.memory_space<hbm>> -> memref<1x64xf32, #tpu.memory_space<hbm>>
      tpu.enqueue_dma source(%dma_start3A_614 : memref<1x64xf32, #tpu.memory_space<hbm>>) target(%dma_start3A_612 : memref<1x64xf32, #tpu.memory_space<vmem>>) target_semaphore(%arg12 : memref<!tpu.dma_semaphore, #tpu.memory_space<semaphore_mem>>)
      %eq3A_615 = arith.constant 12 : i32
      %eq3A_616 = vector.broadcast %eq3A_615 : i32 to vector<16xi32>
      %eq3A_617 = arith.cmpi eq, %iota3A, %eq3A_616 : vector<16xi32>
      %jit3A_618 = arith.constant 0 : i32
      %broadcast_in_dim3A_619 = vector.broadcast %jit3A_618 : i32 to vector<16xi32>
      %select_n3A_620 = arith.select %eq3A_617, %get3A_42, %broadcast_in_dim3A_619 : vector<16xi1>, vector<16xi32>
      %reduce_max3A_621 = arith.constant true
      %reduce_max3A_622 = vector.broadcast %reduce_max3A_621 : i1 to vector<16xi1>
      %reduce_max3A_623 = arith.constant -2147483648 : i32
      %reduce_max3A_624 = vector.broadcast %reduce_max3A_623 : i32 to vector<16xi32>
      %reduce_max3A_625 = arith.xori %select_n3A_620, %reduce_max3A_624 : vector<16xi32>
      %reduce_max3A_626 = tpu.scan <max>, %reduce_max3A_625 masked %reduce_max3A_622 : vector<16xi32>, vector<16xi1> -> vector<16xi32>
      %reduce_max3A_627 = arith.xori %reduce_max3A_626, %reduce_max3A_624 : vector<16xi32>
      %reduce_max3A_628 = vector.extract %reduce_max3A_627[15] : i32 from vector<16xi32>
      %eq3A_629 = arith.constant 12 : i32
      %eq3A_630 = vector.broadcast %eq3A_629 : i32 to vector<16xi32>
      %eq3A_631 = arith.cmpi eq, %iota3A, %eq3A_630 : vector<16xi32>
      %jit3A_632 = arith.constant 0 : i32
      %broadcast_in_dim3A_633 = vector.broadcast %jit3A_632 : i32 to vector<16xi32>
      %select_n3A_634 = arith.select %eq3A_631, %get3A_44, %broadcast_in_dim3A_633 : vector<16xi1>, vector<16xi32>
      %reduce_max3A_635 = arith.constant true
      %reduce_max3A_636 = vector.broadcast %reduce_max3A_635 : i1 to vector<16xi1>
      %reduce_max3A_637 = arith.constant -2147483648 : i32
      %reduce_max3A_638 = vector.broadcast %reduce_max3A_637 : i32 to vector<16xi32>
      %reduce_max3A_639 = arith.xori %select_n3A_634, %reduce_max3A_638 : vector<16xi32>
      %reduce_max3A_640 = tpu.scan <max>, %reduce_max3A_639 masked %reduce_max3A_636 : vector<16xi32>, vector<16xi1> -> vector<16xi32>
      %reduce_max3A_641 = arith.xori %reduce_max3A_640, %reduce_max3A_638 : vector<16xi32>
      %reduce_max3A_642 = vector.extract %reduce_max3A_641[15] : i32 from vector<16xi32>
      %mul3A_643 = arith.constant 16 : i32
      %mul3A_644 = arith.muli %scan3A_37, %mul3A_643 : i32
      %add3A_645 = arith.constant 12 : i32
      %add3A_646 = arith.addi %mul3A_644, %add3A_645 : i32
      %dma_start3A_647 = arith.constant 0 : i32
      %dma_start3A_648 = tpu.memref_slice %arg10[%add3A_646, %dma_start3A_647] : memref<256x64xf32, #tpu.memory_space<vmem>> -> memref<1x64xf32, #tpu.memory_space<vmem>>
      %dma_start3A_649 = arith.constant 0 : i32
      %dma_start3A_650 = tpu.memref_slice %arg4[%reduce_max3A_628, %dma_start3A_649] : memref<1000000x64xf32, #tpu.memory_space<hbm>> -> memref<1x64xf32, #tpu.memory_space<hbm>>
      %dma_start3A_651 = arith.constant 0 : i32
      %dma_start3A_652 = tpu.memref_slice %arg10[%add3A_646, %dma_start3A_651] : memref<256x64xf32, #tpu.memory_space<vmem>> -> memref<1x64xf32, #tpu.memory_space<vmem>>
      %dma_start3A_653 = arith.constant 0 : i32
      %dma_start3A_654 = tpu.memref_slice %arg4[%reduce_max3A_628, %dma_start3A_653] : memref<1000000x64xf32, #tpu.memory_space<hbm>> -> memref<1x64xf32, #tpu.memory_space<hbm>>
      tpu.enqueue_dma source(%dma_start3A_654 : memref<1x64xf32, #tpu.memory_space<hbm>>) target(%dma_start3A_652 : memref<1x64xf32, #tpu.memory_space<vmem>>) target_semaphore(%arg12 : memref<!tpu.dma_semaphore, #tpu.memory_space<semaphore_mem>>)
      %dma_start3A_655 = arith.constant 0 : i32
      %dma_start3A_656 = tpu.memref_slice %arg11[%add3A_646, %dma_start3A_655] : memref<256x64xf32, #tpu.memory_space<vmem>> -> memref<1x64xf32, #tpu.memory_space<vmem>>
      %dma_start3A_657 = arith.constant 0 : i32
      %dma_start3A_658 = tpu.memref_slice %arg5[%reduce_max3A_642, %dma_start3A_657] : memref<1000000x64xf32, #tpu.memory_space<hbm>> -> memref<1x64xf32, #tpu.memory_space<hbm>>
      %dma_start3A_659 = arith.constant 0 : i32
      %dma_start3A_660 = tpu.memref_slice %arg11[%add3A_646, %dma_start3A_659] : memref<256x64xf32, #tpu.memory_space<vmem>> -> memref<1x64xf32, #tpu.memory_space<vmem>>
      %dma_start3A_661 = arith.constant 0 : i32
      %dma_start3A_662 = tpu.memref_slice %arg5[%reduce_max3A_642, %dma_start3A_661] : memref<1000000x64xf32, #tpu.memory_space<hbm>> -> memref<1x64xf32, #tpu.memory_space<hbm>>
      tpu.enqueue_dma source(%dma_start3A_662 : memref<1x64xf32, #tpu.memory_space<hbm>>) target(%dma_start3A_660 : memref<1x64xf32, #tpu.memory_space<vmem>>) target_semaphore(%arg12 : memref<!tpu.dma_semaphore, #tpu.memory_space<semaphore_mem>>)
      %eq3A_663 = arith.constant 13 : i32
      %eq3A_664 = vector.broadcast %eq3A_663 : i32 to vector<16xi32>
      %eq3A_665 = arith.cmpi eq, %iota3A, %eq3A_664 : vector<16xi32>
      %jit3A_666 = arith.constant 0 : i32
      %broadcast_in_dim3A_667 = vector.broadcast %jit3A_666 : i32 to vector<16xi32>
      %select_n3A_668 = arith.select %eq3A_665, %get3A_42, %broadcast_in_dim3A_667 : vector<16xi1>, vector<16xi32>
      %reduce_max3A_669 = arith.constant true
      %reduce_max3A_670 = vector.broadcast %reduce_max3A_669 : i1 to vector<16xi1>
      %reduce_max3A_671 = arith.constant -2147483648 : i32
      %reduce_max3A_672 = vector.broadcast %reduce_max3A_671 : i32 to vector<16xi32>
      %reduce_max3A_673 = arith.xori %select_n3A_668, %reduce_max3A_672 : vector<16xi32>
      %reduce_max3A_674 = tpu.scan <max>, %reduce_max3A_673 masked %reduce_max3A_670 : vector<16xi32>, vector<16xi1> -> vector<16xi32>
      %reduce_max3A_675 = arith.xori %reduce_max3A_674, %reduce_max3A_672 : vector<16xi32>
      %reduce_max3A_676 = vector.extract %reduce_max3A_675[15] : i32 from vector<16xi32>
      %eq3A_677 = arith.constant 13 : i32
      %eq3A_678 = vector.broadcast %eq3A_677 : i32 to vector<16xi32>
      %eq3A_679 = arith.cmpi eq, %iota3A, %eq3A_678 : vector<16xi32>
      %jit3A_680 = arith.constant 0 : i32
      %broadcast_in_dim3A_681 = vector.broadcast %jit3A_680 : i32 to vector<16xi32>
      %select_n3A_682 = arith.select %eq3A_679, %get3A_44, %broadcast_in_dim3A_681 : vector<16xi1>, vector<16xi32>
      %reduce_max3A_683 = arith.constant true
      %reduce_max3A_684 = vector.broadcast %reduce_max3A_683 : i1 to vector<16xi1>
      %reduce_max3A_685 = arith.constant -2147483648 : i32
      %reduce_max3A_686 = vector.broadcast %reduce_max3A_685 : i32 to vector<16xi32>
      %reduce_max3A_687 = arith.xori %select_n3A_682, %reduce_max3A_686 : vector<16xi32>
      %reduce_max3A_688 = tpu.scan <max>, %reduce_max3A_687 masked %reduce_max3A_684 : vector<16xi32>, vector<16xi1> -> vector<16xi32>
      %reduce_max3A_689 = arith.xori %reduce_max3A_688, %reduce_max3A_686 : vector<16xi32>
      %reduce_max3A_690 = vector.extract %reduce_max3A_689[15] : i32 from vector<16xi32>
      %mul3A_691 = arith.constant 16 : i32
      %mul3A_692 = arith.muli %scan3A_37, %mul3A_691 : i32
      %add3A_693 = arith.constant 13 : i32
      %add3A_694 = arith.addi %mul3A_692, %add3A_693 : i32
      %dma_start3A_695 = arith.constant 0 : i32
      %dma_start3A_696 = tpu.memref_slice %arg10[%add3A_694, %dma_start3A_695] : memref<256x64xf32, #tpu.memory_space<vmem>> -> memref<1x64xf32, #tpu.memory_space<vmem>>
      %dma_start3A_697 = arith.constant 0 : i32
      %dma_start3A_698 = tpu.memref_slice %arg4[%reduce_max3A_676, %dma_start3A_697] : memref<1000000x64xf32, #tpu.memory_space<hbm>> -> memref<1x64xf32, #tpu.memory_space<hbm>>
      %dma_start3A_699 = arith.constant 0 : i32
      %dma_start3A_700 = tpu.memref_slice %arg10[%add3A_694, %dma_start3A_699] : memref<256x64xf32, #tpu.memory_space<vmem>> -> memref<1x64xf32, #tpu.memory_space<vmem>>
      %dma_start3A_701 = arith.constant 0 : i32
      %dma_start3A_702 = tpu.memref_slice %arg4[%reduce_max3A_676, %dma_start3A_701] : memref<1000000x64xf32, #tpu.memory_space<hbm>> -> memref<1x64xf32, #tpu.memory_space<hbm>>
      tpu.enqueue_dma source(%dma_start3A_702 : memref<1x64xf32, #tpu.memory_space<hbm>>) target(%dma_start3A_700 : memref<1x64xf32, #tpu.memory_space<vmem>>) target_semaphore(%arg12 : memref<!tpu.dma_semaphore, #tpu.memory_space<semaphore_mem>>)
      %dma_start3A_703 = arith.constant 0 : i32
      %dma_start3A_704 = tpu.memref_slice %arg11[%add3A_694, %dma_start3A_703] : memref<256x64xf32, #tpu.memory_space<vmem>> -> memref<1x64xf32, #tpu.memory_space<vmem>>
      %dma_start3A_705 = arith.constant 0 : i32
      %dma_start3A_706 = tpu.memref_slice %arg5[%reduce_max3A_690, %dma_start3A_705] : memref<1000000x64xf32, #tpu.memory_space<hbm>> -> memref<1x64xf32, #tpu.memory_space<hbm>>
      %dma_start3A_707 = arith.constant 0 : i32
      %dma_start3A_708 = tpu.memref_slice %arg11[%add3A_694, %dma_start3A_707] : memref<256x64xf32, #tpu.memory_space<vmem>> -> memref<1x64xf32, #tpu.memory_space<vmem>>
      %dma_start3A_709 = arith.constant 0 : i32
      %dma_start3A_710 = tpu.memref_slice %arg5[%reduce_max3A_690, %dma_start3A_709] : memref<1000000x64xf32, #tpu.memory_space<hbm>> -> memref<1x64xf32, #tpu.memory_space<hbm>>
      tpu.enqueue_dma source(%dma_start3A_710 : memref<1x64xf32, #tpu.memory_space<hbm>>) target(%dma_start3A_708 : memref<1x64xf32, #tpu.memory_space<vmem>>) target_semaphore(%arg12 : memref<!tpu.dma_semaphore, #tpu.memory_space<semaphore_mem>>)
      %eq3A_711 = arith.constant 14 : i32
      %eq3A_712 = vector.broadcast %eq3A_711 : i32 to vector<16xi32>
      %eq3A_713 = arith.cmpi eq, %iota3A, %eq3A_712 : vector<16xi32>
      %jit3A_714 = arith.constant 0 : i32
      %broadcast_in_dim3A_715 = vector.broadcast %jit3A_714 : i32 to vector<16xi32>
      %select_n3A_716 = arith.select %eq3A_713, %get3A_42, %broadcast_in_dim3A_715 : vector<16xi1>, vector<16xi32>
      %reduce_max3A_717 = arith.constant true
      %reduce_max3A_718 = vector.broadcast %reduce_max3A_717 : i1 to vector<16xi1>
      %reduce_max3A_719 = arith.constant -2147483648 : i32
      %reduce_max3A_720 = vector.broadcast %reduce_max3A_719 : i32 to vector<16xi32>
      %reduce_max3A_721 = arith.xori %select_n3A_716, %reduce_max3A_720 : vector<16xi32>
      %reduce_max3A_722 = tpu.scan <max>, %reduce_max3A_721 masked %reduce_max3A_718 : vector<16xi32>, vector<16xi1> -> vector<16xi32>
      %reduce_max3A_723 = arith.xori %reduce_max3A_722, %reduce_max3A_720 : vector<16xi32>
      %reduce_max3A_724 = vector.extract %reduce_max3A_723[15] : i32 from vector<16xi32>
      %eq3A_725 = arith.constant 14 : i32
      %eq3A_726 = vector.broadcast %eq3A_725 : i32 to vector<16xi32>
      %eq3A_727 = arith.cmpi eq, %iota3A, %eq3A_726 : vector<16xi32>
      %jit3A_728 = arith.constant 0 : i32
      %broadcast_in_dim3A_729 = vector.broadcast %jit3A_728 : i32 to vector<16xi32>
      %select_n3A_730 = arith.select %eq3A_727, %get3A_44, %broadcast_in_dim3A_729 : vector<16xi1>, vector<16xi32>
      %reduce_max3A_731 = arith.constant true
      %reduce_max3A_732 = vector.broadcast %reduce_max3A_731 : i1 to vector<16xi1>
      %reduce_max3A_733 = arith.constant -2147483648 : i32
      %reduce_max3A_734 = vector.broadcast %reduce_max3A_733 : i32 to vector<16xi32>
      %reduce_max3A_735 = arith.xori %select_n3A_730, %reduce_max3A_734 : vector<16xi32>
      %reduce_max3A_736 = tpu.scan <max>, %reduce_max3A_735 masked %reduce_max3A_732 : vector<16xi32>, vector<16xi1> -> vector<16xi32>
      %reduce_max3A_737 = arith.xori %reduce_max3A_736, %reduce_max3A_734 : vector<16xi32>
      %reduce_max3A_738 = vector.extract %reduce_max3A_737[15] : i32 from vector<16xi32>
      %mul3A_739 = arith.constant 16 : i32
      %mul3A_740 = arith.muli %scan3A_37, %mul3A_739 : i32
      %add3A_741 = arith.constant 14 : i32
      %add3A_742 = arith.addi %mul3A_740, %add3A_741 : i32
      %dma_start3A_743 = arith.constant 0 : i32
      %dma_start3A_744 = tpu.memref_slice %arg10[%add3A_742, %dma_start3A_743] : memref<256x64xf32, #tpu.memory_space<vmem>> -> memref<1x64xf32, #tpu.memory_space<vmem>>
      %dma_start3A_745 = arith.constant 0 : i32
      %dma_start3A_746 = tpu.memref_slice %arg4[%reduce_max3A_724, %dma_start3A_745] : memref<1000000x64xf32, #tpu.memory_space<hbm>> -> memref<1x64xf32, #tpu.memory_space<hbm>>
      %dma_start3A_747 = arith.constant 0 : i32
      %dma_start3A_748 = tpu.memref_slice %arg10[%add3A_742, %dma_start3A_747] : memref<256x64xf32, #tpu.memory_space<vmem>> -> memref<1x64xf32, #tpu.memory_space<vmem>>
      %dma_start3A_749 = arith.constant 0 : i32
      %dma_start3A_750 = tpu.memref_slice %arg4[%reduce_max3A_724, %dma_start3A_749] : memref<1000000x64xf32, #tpu.memory_space<hbm>> -> memref<1x64xf32, #tpu.memory_space<hbm>>
      tpu.enqueue_dma source(%dma_start3A_750 : memref<1x64xf32, #tpu.memory_space<hbm>>) target(%dma_start3A_748 : memref<1x64xf32, #tpu.memory_space<vmem>>) target_semaphore(%arg12 : memref<!tpu.dma_semaphore, #tpu.memory_space<semaphore_mem>>)
      %dma_start3A_751 = arith.constant 0 : i32
      %dma_start3A_752 = tpu.memref_slice %arg11[%add3A_742, %dma_start3A_751] : memref<256x64xf32, #tpu.memory_space<vmem>> -> memref<1x64xf32, #tpu.memory_space<vmem>>
      %dma_start3A_753 = arith.constant 0 : i32
      %dma_start3A_754 = tpu.memref_slice %arg5[%reduce_max3A_738, %dma_start3A_753] : memref<1000000x64xf32, #tpu.memory_space<hbm>> -> memref<1x64xf32, #tpu.memory_space<hbm>>
      %dma_start3A_755 = arith.constant 0 : i32
      %dma_start3A_756 = tpu.memref_slice %arg11[%add3A_742, %dma_start3A_755] : memref<256x64xf32, #tpu.memory_space<vmem>> -> memref<1x64xf32, #tpu.memory_space<vmem>>
      %dma_start3A_757 = arith.constant 0 : i32
      %dma_start3A_758 = tpu.memref_slice %arg5[%reduce_max3A_738, %dma_start3A_757] : memref<1000000x64xf32, #tpu.memory_space<hbm>> -> memref<1x64xf32, #tpu.memory_space<hbm>>
      tpu.enqueue_dma source(%dma_start3A_758 : memref<1x64xf32, #tpu.memory_space<hbm>>) target(%dma_start3A_756 : memref<1x64xf32, #tpu.memory_space<vmem>>) target_semaphore(%arg12 : memref<!tpu.dma_semaphore, #tpu.memory_space<semaphore_mem>>)
      %eq3A_759 = arith.constant 15 : i32
      %eq3A_760 = vector.broadcast %eq3A_759 : i32 to vector<16xi32>
      %eq3A_761 = arith.cmpi eq, %iota3A, %eq3A_760 : vector<16xi32>
      %jit3A_762 = arith.constant 0 : i32
      %broadcast_in_dim3A_763 = vector.broadcast %jit3A_762 : i32 to vector<16xi32>
      %select_n3A_764 = arith.select %eq3A_761, %get3A_42, %broadcast_in_dim3A_763 : vector<16xi1>, vector<16xi32>
      %reduce_max3A_765 = arith.constant true
      %reduce_max3A_766 = vector.broadcast %reduce_max3A_765 : i1 to vector<16xi1>
      %reduce_max3A_767 = arith.constant -2147483648 : i32
      %reduce_max3A_768 = vector.broadcast %reduce_max3A_767 : i32 to vector<16xi32>
      %reduce_max3A_769 = arith.xori %select_n3A_764, %reduce_max3A_768 : vector<16xi32>
      %reduce_max3A_770 = tpu.scan <max>, %reduce_max3A_769 masked %reduce_max3A_766 : vector<16xi32>, vector<16xi1> -> vector<16xi32>
      %reduce_max3A_771 = arith.xori %reduce_max3A_770, %reduce_max3A_768 : vector<16xi32>
      %reduce_max3A_772 = vector.extract %reduce_max3A_771[15] : i32 from vector<16xi32>
      %eq3A_773 = arith.constant 15 : i32
      %eq3A_774 = vector.broadcast %eq3A_773 : i32 to vector<16xi32>
      %eq3A_775 = arith.cmpi eq, %iota3A, %eq3A_774 : vector<16xi32>
      %jit3A_776 = arith.constant 0 : i32
      %broadcast_in_dim3A_777 = vector.broadcast %jit3A_776 : i32 to vector<16xi32>
      %select_n3A_778 = arith.select %eq3A_775, %get3A_44, %broadcast_in_dim3A_777 : vector<16xi1>, vector<16xi32>
      %reduce_max3A_779 = arith.constant true
      %reduce_max3A_780 = vector.broadcast %reduce_max3A_779 : i1 to vector<16xi1>
      %reduce_max3A_781 = arith.constant -2147483648 : i32
      %reduce_max3A_782 = vector.broadcast %reduce_max3A_781 : i32 to vector<16xi32>
      %reduce_max3A_783 = arith.xori %select_n3A_778, %reduce_max3A_782 : vector<16xi32>
      %reduce_max3A_784 = tpu.scan <max>, %reduce_max3A_783 masked %reduce_max3A_780 : vector<16xi32>, vector<16xi1> -> vector<16xi32>
      %reduce_max3A_785 = arith.xori %reduce_max3A_784, %reduce_max3A_782 : vector<16xi32>
      %reduce_max3A_786 = vector.extract %reduce_max3A_785[15] : i32 from vector<16xi32>
      %mul3A_787 = arith.constant 16 : i32
      %mul3A_788 = arith.muli %scan3A_37, %mul3A_787 : i32
      %add3A_789 = arith.constant 15 : i32
      %add3A_790 = arith.addi %mul3A_788, %add3A_789 : i32
      %dma_start3A_791 = arith.constant 0 : i32
      %dma_start3A_792 = tpu.memref_slice %arg10[%add3A_790, %dma_start3A_791] : memref<256x64xf32, #tpu.memory_space<vmem>> -> memref<1x64xf32, #tpu.memory_space<vmem>>
      %dma_start3A_793 = arith.constant 0 : i32
      %dma_start3A_794 = tpu.memref_slice %arg4[%reduce_max3A_772, %dma_start3A_793] : memref<1000000x64xf32, #tpu.memory_space<hbm>> -> memref<1x64xf32, #tpu.memory_space<hbm>>
      %dma_start3A_795 = arith.constant 0 : i32
      %dma_start3A_796 = tpu.memref_slice %arg10[%add3A_790, %dma_start3A_795] : memref<256x64xf32, #tpu.memory_space<vmem>> -> memref<1x64xf32, #tpu.memory_space<vmem>>
      %dma_start3A_797 = arith.constant 0 : i32
      %dma_start3A_798 = tpu.memref_slice %arg4[%reduce_max3A_772, %dma_start3A_797] : memref<1000000x64xf32, #tpu.memory_space<hbm>> -> memref<1x64xf32, #tpu.memory_space<hbm>>
      tpu.enqueue_dma source(%dma_start3A_798 : memref<1x64xf32, #tpu.memory_space<hbm>>) target(%dma_start3A_796 : memref<1x64xf32, #tpu.memory_space<vmem>>) target_semaphore(%arg12 : memref<!tpu.dma_semaphore, #tpu.memory_space<semaphore_mem>>)
      %dma_start3A_799 = arith.constant 0 : i32
      %dma_start3A_800 = tpu.memref_slice %arg11[%add3A_790, %dma_start3A_799] : memref<256x64xf32, #tpu.memory_space<vmem>> -> memref<1x64xf32, #tpu.memory_space<vmem>>
      %dma_start3A_801 = arith.constant 0 : i32
      %dma_start3A_802 = tpu.memref_slice %arg5[%reduce_max3A_786, %dma_start3A_801] : memref<1000000x64xf32, #tpu.memory_space<hbm>> -> memref<1x64xf32, #tpu.memory_space<hbm>>
      %dma_start3A_803 = arith.constant 0 : i32
      %dma_start3A_804 = tpu.memref_slice %arg11[%add3A_790, %dma_start3A_803] : memref<256x64xf32, #tpu.memory_space<vmem>> -> memref<1x64xf32, #tpu.memory_space<vmem>>
      %dma_start3A_805 = arith.constant 0 : i32
      %dma_start3A_806 = tpu.memref_slice %arg5[%reduce_max3A_786, %dma_start3A_805] : memref<1000000x64xf32, #tpu.memory_space<hbm>> -> memref<1x64xf32, #tpu.memory_space<hbm>>
      tpu.enqueue_dma source(%dma_start3A_806 : memref<1x64xf32, #tpu.memory_space<hbm>>) target(%dma_start3A_804 : memref<1x64xf32, #tpu.memory_space<vmem>>) target_semaphore(%arg12 : memref<!tpu.dma_semaphore, #tpu.memory_space<semaphore_mem>>)
    }
    %scan3A_24 = arith.constant 16 : i32
    %dma_wait3A_25 = arith.constant 0 : i32
    %dma_wait3A_26 = tpu.memref_slice %arg6[%mul3A_2, %dma_wait3A_25] : memref<16384x64xf32, #tpu.memory_space<hbm>> -> memref<256x64xf32, #tpu.memory_space<hbm>>
    %dma_wait3A_27 = arith.constant 0 : i32
    %dma_wait3A_28 = tpu.memref_slice %arg6[%mul3A_2, %dma_wait3A_27] : memref<16384x64xf32, #tpu.memory_space<hbm>> -> memref<256x64xf32, #tpu.memory_space<hbm>>
    tpu.wait_dma2 semaphore(%arg12 : memref<!tpu.dma_semaphore, #tpu.memory_space<semaphore_mem>>) src(%dma_wait3A_28 : memref<256x64xf32, #tpu.memory_space<hbm>>) dst(%arg10 : memref<256x64xf32, #tpu.memory_space<vmem>>)
    %dma_wait3A_29 = arith.constant 0 : i32
    %dma_wait3A_30 = tpu.memref_slice %arg7[%mul3A_2, %dma_wait3A_29] : memref<16384x64xf32, #tpu.memory_space<hbm>> -> memref<256x64xf32, #tpu.memory_space<hbm>>
    %dma_wait3A_31 = arith.constant 0 : i32
    %dma_wait3A_32 = tpu.memref_slice %arg7[%mul3A_2, %dma_wait3A_31] : memref<16384x64xf32, #tpu.memory_space<hbm>> -> memref<256x64xf32, #tpu.memory_space<hbm>>
    tpu.wait_dma2 semaphore(%arg12 : memref<!tpu.dma_semaphore, #tpu.memory_space<semaphore_mem>>) src(%dma_wait3A_32 : memref<256x64xf32, #tpu.memory_space<hbm>>) dst(%arg11 : memref<256x64xf32, #tpu.memory_space<vmem>>)
    %add3A_33 = arith.constant 256 : i32
    %add3A_34 = arith.addi %mul3A_2, %add3A_33 : i32
    "tpu.region"() ({
      %run_scoped3A = tpu.sem_alloc : memref<!tpu.dma_semaphore, #tpu.memory_space<semaphore_mem>>
      %dma_start3A = arith.constant 0 : i32
      %dma_start3A_37 = tpu.memref_slice %arg6[%add3A_34, %dma_start3A] : memref<16384x64xf32, #tpu.memory_space<hbm>> -> memref<256x64xf32, #tpu.memory_space<hbm>>
      %dma_start3A_38 = arith.constant 0 : i32
      %dma_start3A_39 = tpu.memref_slice %arg6[%add3A_34, %dma_start3A_38] : memref<16384x64xf32, #tpu.memory_space<hbm>> -> memref<256x64xf32, #tpu.memory_space<hbm>>
      tpu.enqueue_dma source(%arg10 : memref<256x64xf32, #tpu.memory_space<vmem>>) target(%dma_start3A_39 : memref<256x64xf32, #tpu.memory_space<hbm>>) target_semaphore(%run_scoped3A : memref<!tpu.dma_semaphore, #tpu.memory_space<semaphore_mem>>)
      %dma_wait3A_40 = arith.constant 0 : i32
      %dma_wait3A_41 = tpu.memref_slice %arg6[%add3A_34, %dma_wait3A_40] : memref<16384x64xf32, #tpu.memory_space<hbm>> -> memref<256x64xf32, #tpu.memory_space<hbm>>
      %dma_wait3A_42 = arith.constant 0 : i32
      %dma_wait3A_43 = tpu.memref_slice %arg6[%add3A_34, %dma_wait3A_42] : memref<16384x64xf32, #tpu.memory_space<hbm>> -> memref<256x64xf32, #tpu.memory_space<hbm>>
      tpu.wait_dma2 semaphore(%run_scoped3A : memref<!tpu.dma_semaphore, #tpu.memory_space<semaphore_mem>>) src(%arg10 : memref<256x64xf32, #tpu.memory_space<vmem>>) dst(%dma_wait3A_43 : memref<256x64xf32, #tpu.memory_space<hbm>>)
      tpu.yield
    }) : () -> ()
    %add3A_35 = arith.constant 256 : i32
    %add3A_36 = arith.addi %mul3A_2, %add3A_35 : i32
    "tpu.region"() ({
      %run_scoped3A = tpu.sem_alloc : memref<!tpu.dma_semaphore, #tpu.memory_space<semaphore_mem>>
      %dma_start3A = arith.constant 0 : i32
      %dma_start3A_37 = tpu.memref_slice %arg7[%add3A_36, %dma_start3A] : memref<16384x64xf32, #tpu.memory_space<hbm>> -> memref<256x64xf32, #tpu.memory_space<hbm>>
      %dma_start3A_38 = arith.constant 0 : i32
      %dma_start3A_39 = tpu.memref_slice %arg7[%add3A_36, %dma_start3A_38] : memref<16384x64xf32, #tpu.memory_space<hbm>> -> memref<256x64xf32, #tpu.memory_space<hbm>>
      tpu.enqueue_dma source(%arg11 : memref<256x64xf32, #tpu.memory_space<vmem>>) target(%dma_start3A_39 : memref<256x64xf32, #tpu.memory_space<hbm>>) target_semaphore(%run_scoped3A : memref<!tpu.dma_semaphore, #tpu.memory_space<semaphore_mem>>)
      %dma_wait3A_40 = arith.constant 0 : i32
      %dma_wait3A_41 = tpu.memref_slice %arg7[%add3A_36, %dma_wait3A_40] : memref<16384x64xf32, #tpu.memory_space<hbm>> -> memref<256x64xf32, #tpu.memory_space<hbm>>
      %dma_wait3A_42 = arith.constant 0 : i32
      %dma_wait3A_43 = tpu.memref_slice %arg7[%add3A_36, %dma_wait3A_42] : memref<16384x64xf32, #tpu.memory_space<hbm>> -> memref<256x64xf32, #tpu.memory_space<hbm>>
      tpu.wait_dma2 semaphore(%run_scoped3A : memref<!tpu.dma_semaphore, #tpu.memory_space<semaphore_mem>>) src(%arg11 : memref<256x64xf32, #tpu.memory_space<vmem>>) dst(%dma_wait3A_43 : memref<256x64xf32, #tpu.memory_space<hbm>>)
      tpu.yield
    }) : () -> ()
    return
  }
}

module attributes {stable_mosaic.version = 14 : i64} {
  func.func @_mlp_body(%arg0: memref<16384x64xf32, #tpu.memory_space<vmem>>, %arg1: memref<16384x64xf32, #tpu.memory_space<vmem>>, %arg2: memref<16384x19xf32, #tpu.memory_space<vmem>>, %arg3: memref<64x64xf32, #tpu.memory_space<vmem>>, %arg4: memref<64x64xf32, #tpu.memory_space<vmem>>, %arg5: memref<19x64xf32, #tpu.memory_space<vmem>>, %arg6: memref<1x64xf32, #tpu.memory_space<vmem>>, %arg7: memref<1x64xf32, #tpu.memory_space<vmem>>, %arg8: memref<1x64xf32, #tpu.memory_space<vmem>>, %arg9: memref<1x64xf32, #tpu.memory_space<vmem>>, %arg10: memref<1x1xf32, #tpu.memory_space<vmem>>, %arg11: memref<16384x1xf32, #tpu.memory_space<vmem>>) attributes {dimension_semantics = [], scalar_prefetch = 0 : i64, scratch_operands = 0 : i64, tpu.core_type = #tpu.core_type<tc>} {
    %get3A = arith.constant 0 : index
    %get3A_0 = arith.constant 0 : index
    %get3A_1 = vector.load %arg0[%get3A, %get3A_0] : memref<16384x64xf32, #tpu.memory_space<vmem>>, vector<16384x64xf32>
    %get3A_2 = arith.constant 0 : index
    %get3A_3 = arith.constant 0 : index
    %get3A_4 = vector.load %arg3[%get3A_2, %get3A_3] : memref<64x64xf32, #tpu.memory_space<vmem>>, vector<64x64xf32>
    %dot_general3A = arith.constant dense<0.000000e+00> : vector<16384x64xf32>
    %dot_general3A_5 = tpu.matmul %get3A_1, %get3A_4, %dot_general3A {dimension_numbers = #tpu.dot_dimension_numbers<[1], [0], [0], [1], [0, 0, 1, 1], [], []>, transpose_lhs_hint = false} : vector<16384x64xf32>, vector<64x64xf32>, vector<16384x64xf32> -> vector<16384x64xf32>
    %get3A_6 = arith.constant 0 : index
    %get3A_7 = arith.constant 0 : index
    %get3A_8 = vector.load %arg1[%get3A_6, %get3A_7] : memref<16384x64xf32, #tpu.memory_space<vmem>>, vector<16384x64xf32>
    %get3A_9 = arith.constant 0 : index
    %get3A_10 = arith.constant 0 : index
    %get3A_11 = vector.load %arg4[%get3A_9, %get3A_10] : memref<64x64xf32, #tpu.memory_space<vmem>>, vector<64x64xf32>
    %dot_general3A_12 = arith.constant dense<0.000000e+00> : vector<16384x64xf32>
    %dot_general3A_13 = tpu.matmul %get3A_8, %get3A_11, %dot_general3A_12 {dimension_numbers = #tpu.dot_dimension_numbers<[1], [0], [0], [1], [0, 0, 1, 1], [], []>, transpose_lhs_hint = false} : vector<16384x64xf32>, vector<64x64xf32>, vector<16384x64xf32> -> vector<16384x64xf32>
    %add3A = arith.addf %dot_general3A_5, %dot_general3A_13 : vector<16384x64xf32>
    %get3A_14 = arith.constant 0 : index
    %get3A_15 = arith.constant 0 : index
    %get3A_16 = vector.load %arg2[%get3A_14, %get3A_15] : memref<16384x19xf32, #tpu.memory_space<vmem>>, vector<16384x19xf32>
    %get3A_17 = arith.constant 0 : index
    %get3A_18 = arith.constant 0 : index
    %get3A_19 = vector.load %arg5[%get3A_17, %get3A_18] : memref<19x64xf32, #tpu.memory_space<vmem>>, vector<19x64xf32>
    %dot_general3A_20 = arith.constant dense<0.000000e+00> : vector<16384x64xf32>
    %dot_general3A_21 = tpu.matmul %get3A_16, %get3A_19, %dot_general3A_20 {dimension_numbers = #tpu.dot_dimension_numbers<[1], [0], [0], [1], [0, 0, 1, 1], [], []>, transpose_lhs_hint = false} : vector<16384x19xf32>, vector<19x64xf32>, vector<16384x64xf32> -> vector<16384x64xf32>
    %add3A_22 = arith.addf %add3A, %dot_general3A_21 : vector<16384x64xf32>
    %get3A_23 = arith.constant 0 : index
    %get3A_24 = arith.constant 0 : index
    %get3A_25 = vector.load %arg6[%get3A_23, %get3A_24] : memref<1x64xf32, #tpu.memory_space<vmem>>, vector<1x64xf32>
    %add3A_26 = vector.broadcast %get3A_25 : vector<1x64xf32> to vector<16384x64xf32>
    %add3A_27 = arith.addf %add3A_22, %add3A_26 : vector<16384x64xf32>
    %reduce_sum3A = arith.constant dense<0.000000e+00> : vector<64xf32>
    %reduce_sum3A_28 = vector.multi_reduction <add>, %add3A_27, %reduce_sum3A [0] : vector<16384x64xf32> to vector<64xf32>
    %broadcast_in_dim3A = vector.shape_cast %reduce_sum3A_28 : vector<64xf32> to vector<1x64xf32>
    %div3A = arith.constant 1.638400e+04 : f32
    %div3A_29 = vector.broadcast %div3A : f32 to vector<1x64xf32>
    %div3A_30 = arith.divf %broadcast_in_dim3A, %div3A_29 : vector<1x64xf32>
    %sub3A = vector.broadcast %div3A_30 : vector<1x64xf32> to vector<16384x64xf32>
    %sub3A_31 = arith.subf %add3A_27, %sub3A : vector<16384x64xf32>
    %mul3A = arith.mulf %sub3A_31, %sub3A_31 : vector<16384x64xf32>
    %reduce_sum3A_32 = arith.constant dense<0.000000e+00> : vector<64xf32>
    %reduce_sum3A_33 = vector.multi_reduction <add>, %mul3A, %reduce_sum3A_32 [0] : vector<16384x64xf32> to vector<64xf32>
    %broadcast_in_dim3A_34 = vector.shape_cast %reduce_sum3A_33 : vector<64xf32> to vector<1x64xf32>
    %div3A_35 = arith.constant 1.638400e+04 : f32
    %div3A_36 = vector.broadcast %div3A_35 : f32 to vector<1x64xf32>
    %div3A_37 = arith.divf %broadcast_in_dim3A_34, %div3A_36 : vector<1x64xf32>
    %add3A_38 = arith.constant 9.99999974E-6 : f32
    %add3A_39 = vector.broadcast %add3A_38 : f32 to vector<1x64xf32>
    %add3A_40 = arith.addf %div3A_37, %add3A_39 : vector<1x64xf32>
    %rsqrt3A = math.rsqrt %add3A_40 : vector<1x64xf32>
    %mul3A_41 = vector.broadcast %rsqrt3A : vector<1x64xf32> to vector<16384x64xf32>
    %mul3A_42 = arith.mulf %sub3A_31, %mul3A_41 : vector<16384x64xf32>
    %get3A_43 = arith.constant 0 : index
    %get3A_44 = arith.constant 0 : index
    %get3A_45 = vector.load %arg7[%get3A_43, %get3A_44] : memref<1x64xf32, #tpu.memory_space<vmem>>, vector<1x64xf32>
    %mul3A_46 = vector.broadcast %get3A_45 : vector<1x64xf32> to vector<16384x64xf32>
    %mul3A_47 = arith.mulf %mul3A_42, %mul3A_46 : vector<16384x64xf32>
    %get3A_48 = arith.constant 0 : index
    %get3A_49 = arith.constant 0 : index
    %get3A_50 = vector.load %arg8[%get3A_48, %get3A_49] : memref<1x64xf32, #tpu.memory_space<vmem>>, vector<1x64xf32>
    %add3A_51 = vector.broadcast %get3A_50 : vector<1x64xf32> to vector<16384x64xf32>
    %add3A_52 = arith.addf %mul3A_47, %add3A_51 : vector<16384x64xf32>
    %max3A = arith.constant 0.000000e+00 : f32
    %max3A_53 = vector.broadcast %max3A : f32 to vector<16384x64xf32>
    %max3A_54 = arith.maximumf %add3A_52, %max3A_53 : vector<16384x64xf32>
    %get3A_55 = arith.constant 0 : index
    %get3A_56 = arith.constant 0 : index
    %get3A_57 = vector.load %arg9[%get3A_55, %get3A_56] : memref<1x64xf32, #tpu.memory_space<vmem>>, vector<1x64xf32>
    %mul3A_58 = vector.broadcast %get3A_57 : vector<1x64xf32> to vector<16384x64xf32>
    %mul3A_59 = arith.mulf %max3A_54, %mul3A_58 : vector<16384x64xf32>
    %reduce_sum3A_60 = arith.constant dense<0.000000e+00> : vector<16384xf32>
    %reduce_sum3A_61 = vector.multi_reduction <add>, %mul3A_59, %reduce_sum3A_60 [1] : vector<16384x64xf32> to vector<16384xf32>
    %broadcast_in_dim3A_62 = vector.shape_cast %reduce_sum3A_61 : vector<16384xf32> to vector<16384x1xf32>
    %get3A_63 = arith.constant 0 : index
    %get3A_64 = arith.constant 0 : index
    %get3A_65 = vector.load %arg10[%get3A_63, %get3A_64] : memref<1x1xf32, #tpu.memory_space<vmem>>, vector<1x1xf32>
    %add3A_66 = vector.broadcast %get3A_65 : vector<1x1xf32> to vector<16384x1xf32>
    %add3A_67 = arith.addf %broadcast_in_dim3A_62, %add3A_66 : vector<16384x1xf32>
    %swap3A = arith.constant 0 : index
    %swap3A_68 = arith.constant 0 : index
    %swap3A_69 = vector.load %arg11[%swap3A, %swap3A_68] : memref<16384x1xf32, #tpu.memory_space<vmem>>, vector<16384x1xf32>
    tpu.vector_store %arg11[%swap3A, %swap3A_68], %add3A_67 {strides = array<i32>} : memref<16384x1xf32, #tpu.memory_space<vmem>>, vector<16384x1xf32>,
    return
  }
}

</mosaic_0001>

<sc_bundles>
// kernel: kernel.4.cloned.1.call-start
scs
__scs_entry_jumppad:
0x0: {  	(pc) =	sbr.rel $0x88, $3  }
0x1: {  	(tag) =	ssettag $0x0;
	lr =	simm.s32 $0x1  }
0x2: {  	[smem:$0x3F95] =	sst lr;
	_ =	strace $0xD0000000  }
0x3: {  	_ = 	snop  }
0x4: {  	_ = 	snop  }
0x5: {  	_ = 	snop  }
0x6: {  	_ = 	snop  }
0x7: {  	_ = 	snop  }
__scs_overlays_trampoline_lowered:
0x8: {  	[smem:$0x3FA4] =	sst s0  }
0x9: {  	[smem:$0x3FA5] =	sst s1  }
0xa: {  	[smem:$0x3FA6] =	sst s2  }
0xb: {  	[smem:$0x3FA7] =	sst s3  }
0xc: {  	[smem:$0x3FA8] =	sst s4  }
0xd: {  	[smem:$0x3FA9] =	sst s5  }
0xe: {  	[smem:$0x3FAA] =	sst s6  }
0xf: {  	[smem:$0x3FAB] =	sst s7  }
0x10: {  	[smem:$0x3FAC] =	sst s8  }
0x11: {  	[smem:$0x3FAD] =	sst s9;
	s0 =	simm.s32 @!p0 $0x0  }
0x12: {  	s1 =	sld [smem:$0x3F93];
	s0 =	simm.s32 @p0 $0x1  }
0x13: {  	[smem:$0x3FAE] =	sst s0;
	s0 =	simm.s32 @!p1 $0x0  }
0x14: {  	s2 =	sld [smem:$0x3F92];
	s0 =	simm.s32 @p1 $0x1  }
0x15: {  	[smem:$0x3FAF] =	sst s0;
	s0 =	simm.s32 @!p2 $0x0  }
0x16: {  	s3 =	sld [smem:$0x3FDB];
	s0 =	simm.s32 @p2 $0x1  }
0x17: {  	s4 =	simm.s32 $0x1BF5;
	[smem:$0x3FB1] =	sst s0  }
0x18: {  	s0 =	sld [smem:$0x3F94];
	_ =	swait.ge [sflag:s4], $0x0  }
0x19: {  	s7 =	sld [smem:$0x3F95]  }
0x1a: {  	s8 =	sadd.s32 $0xFFFFE003, lr  }
0x1b: {  	s9 =	sadd.s32 $0xFFFFFEF7, lr;
	s5 =	simm.s32 $0xFFFFFFFF;
	p2 =	slt.u32 s8, $0xFFFFF086  }
0x1c: {  	p1 =	slt.u32 s9, $0xF7A;
	s5 =	simm.s32 @!p2 $0x0  }
0x1d: {  	s5 =	simm.s32 @p1 $0x1;
	p0 =	seq.s32 s7, s2  }
0x1e: {  	s7 =	smul.u32 @!p0 $0xF7A, s2;
	p2 =	seq.s32 @!p0 s5, $0x0  }
0x1f: {  	s9 =	smul.u32 $0xF7A, s1;
	s8 =	simm.s32 @!p0 $0x1BF5;
	p2 =	por !p2, p0  }
0x20: {  	[sflag:s8] =	ssyncset.s32 @!p0 $0xFFFFF086;
	s6 =	sadd.s32 @!p0 s3, s7;
	s7 =	simm.s32 @!p0 $0x108  }
0x21: {  	s3 =	sadd.s32 s3, s9;
	s6 =	sadd.s32 @!p0 $0x88, s6;
	s7 =	simm.s32 @p2 $0x1082  }
0x22: {  	[simem:s7], [sflag:s8] =	dma.local @!p0 [hbm:s6], $0xF7A  }
0x23: {  	s9 =	sor.u32 $0xD0000000, s2;
	s6 =	simm.s32 $0x108;
	_ =	swait.ge @!p0 [sflag:s8], $0x0  }
0x24: {  	s3 =	sadd.s32 $0x88, s3;
	s6 =	simm.s32 @!p1 $0x1082;
	[sflag:s4] =	ssyncset.s32 $0xFFFFF086  }
0x25: {  	[simem:s6], [sflag:s4] =	dma.local [hbm:s3], $0xF7A  }
0x26: {  	[smem:$0x3F95] =	sst s1;
	(tag) =	ssettag s2;
	_ =	strace s9  }
0x27: {  	s1 =	sld [smem:$0x3FA5]  }
0x28: {  	s2 =	sld [smem:$0x3FA6]  }
0x29: {  	s4 =	sld [smem:$0x3FA8]  }
0x2a: {  	p0 =	seq.s32 s5, $0x0;
	s5 =	sld [smem:$0x3FA9]  }
0x2b: {  	s6 =	sld [smem:$0x3FAA]  }
0x2c: {  	s7 =	sld [smem:$0x3FAB]  }
0x2d: {  	s3 =	simm.s32 $0x108;
	s8 =	sld [smem:$0x3FAC]  }
0x2e: {  	s3 =	simm.s32 @!p0 $0x1082;
	s9 =	sld [smem:$0x3FAD]  }
0x2f: {  	lr =	sadd.s32 s0, s3;
	s0 =	sld [smem:$0x3FA4]  }
0x30: {  	s3 =	sld [smem:$0x3FA7]  }
0x31: {  	[smem:$0x3FB0] =	sst s10  }
0x32: {  	s10 =	sld [smem:$0x3FAE];
	_ =	sdelay $0x3  }
0x33: {  	p0 =	seq.s32 s10, $0x1;
	s10 =	sld [smem:$0x3FB0];
	_ =	sdelay $0x3  }
0x34: {  	[smem:$0x3FB0] =	sst s10  }
0x35: {  	s10 =	sld [smem:$0x3FAF];
	_ =	sdelay $0x3  }
0x36: {  	p1 =	seq.s32 s10, $0x1;
	s10 =	sld [smem:$0x3FB0];
	_ =	sdelay $0x3  }
0x37: {  	[smem:$0x3FB0] =	sst s10  }
0x38: {  	s10 =	sld [smem:$0x3FB1]  }
0x39: {  	_ = 	snop;
	(pc) =	sbr.ind lr, $3  }
0x3a: {  	_ = 	snop  }
0x3b: {  	_ = 	snop  }
0x3c: {  	p2 =	seq.s32 s10, $0x1;
	s10 =	sld [smem:$0x3FB0]  }
0x3d: {  	_ =	shalt  }
0x3e: {  	_ =	shalt  }
0x3f: {  	_ =	shalt  }
0x40: {  	_ =	shalt  }
0x41: {  	_ =	shalt  }
0x42: {  	_ =	shalt  }
0x43: {  	_ =	shalt  }
0x44: {  	_ =	shalt  }
0x45: {  	_ =	shalt  }
0x46: {  	_ =	shalt  }
0x47: {  	_ =	shalt  }
0x48: {  	_ =	shalt  }
0x49: {  	_ =	shalt  }
0x4a: {  	_ =	shalt  }
0x4b: {  	_ =	shalt  }
0x4c: {  	_ =	shalt  }
0x4d: {  	_ =	shalt  }
0x4e: {  	_ =	shalt  }
0x4f: {  	_ =	shalt  }
0x50: {  	_ =	shalt  }
0x51: {  	_ =	shalt  }
0x52: {  	_ =	shalt  }
0x53: {  	_ =	shalt  }
0x54: {  	_ =	shalt  }
0x55: {  	_ =	shalt  }
0x56: {  	_ =	shalt  }
0x57: {  	_ =	shalt  }
0x58: {  	_ =	shalt  }
0x59: {  	_ =	shalt  }
0x5a: {  	_ =	shalt  }
0x5b: {  	_ =	shalt  }
0x5c: {  	_ =	shalt  }
0x5d: {  	_ =	shalt  }
0x5e: {  	_ =	shalt  }
0x5f: {  	_ =	shalt  }
0x60: {  	_ =	shalt  }
0x61: {  	_ =	shalt  }
0x62: {  	_ =	shalt  }
0x63: {  	_ =	shalt  }
0x64: {  	_ =	shalt  }
0x65: {  	_ =	shalt  }
0x66: {  	_ =	shalt  }
0x67: {  	_ =	shalt  }
0x68: {  	_ =	shalt  }
0x69: {  	_ =	shalt  }
0x6a: {  	_ =	shalt  }
0x6b: {  	_ =	shalt  }
0x6c: {  	_ =	shalt  }
0x6d: {  	_ =	shalt  }
0x6e: {  	_ =	shalt  }
0x6f: {  	_ =	shalt  }
0x70: {  	_ =	shalt  }
0x71: {  	_ =	shalt  }
0x72: {  	_ =	shalt  }
0x73: {  	_ =	shalt  }
0x74: {  	_ =	shalt  }
0x75: {  	_ =	shalt  }
0x76: {  	_ =	shalt  }
0x77: {  	_ =	shalt  }
0x78: {  	_ =	shalt  }
0x79: {  	_ =	shalt  }
0x7a: {  	_ =	shalt  }
0x7b: {  	_ =	shalt  }
0x7c: {  	_ =	shalt  }
0x7d: {  	_ =	shalt  }
0x7e: {  	_ =	shalt  }
0x7f: {  	_ =	shalt  }
0x80: {  	_ =	shalt  }
0x81: {  	_ =	shalt  }
0x82: {  	_ =	shalt  }
0x83: {  	_ =	shalt  }
0x84: {  	_ =	shalt  }
0x85: {  	_ =	shalt  }
0x86: {  	_ =	shalt  }
0x87: {  	_ =	shalt  }
.Lfunc_end0:
.L_simem_size_0:
called_computation_lowered:
.L_overlay_start_0:
0x88: {  	s2 =	sld [smem:$0x3FD9]  }
0x89: {  	s3 =	sld [smem:$0x3FFE];
	_ =	sdelay $0x1  }
0x8a: {  	s1 =	srdreg.scid  }
0x8b: {  	s0 =	sand.u32 $0x1, s1  }
0x8c: {  	s17 =	sshll.u32 s0, $0xA;
	s2 =	sadd.s32 s3, s2  }
0x8d: {  	s2 =	sadd.s32 s2, s17  }
0x8e: {  	[smem:$0x3FBC] =	sst s2  }
0x8f: {  	_ = 	snop  }
0x90: {  	s2 =	sld [smem:$0x3FC9]  }
0x91: {  	s18 =	sld [smem:$0x3FC8];
	(tm) =	ssettm $0x1  }
0x92: {  	s4 =	sld [smem:$0x3FFB];
	_ =	sdelay $0x3  }
0x93: {  	_ =	strace s4  }
0x94: {  	s4 =	sld [smem:$0x3FFC];
	_ =	sdelay $0x3  }
0x95: {  	_ =	strace s4  }
0x96: {  	s4 =	sld [smem:$0x3FFD];
	_ =	sdelay $0x3  }
0x97: {  	_ =	strace s4  }
0x98: {  	_ =	strace $0x8FFFFFFF  }
0x99: {  	s19 =	sld [smem:$0x3FDB];
	_ =	sdelay $0x1  }
0x9a: {  	s5 =	simm.s32 $_scs_section_size  }
0x9b: {  	s6 =	simm.s32 $_size__tile_overlayer_lowered;
	s7 =	simm.s32 $_tile_overlayer_lowered  }
0x9c: {  	s22 =	simm.s32 $0x1BFF;
	s21 =	sshll.u32 s7, $0x1;
	s4 =	sadd.s32 s5, s19  }
0x9d: {  	s8 =	simm.s32 $0x0;
	s20 =	sshll.u32 s6, $0x1;
	s6 =	sadd.s32 s21, s4  }
0x9e: {  	[timem:s8], [sflag:s22] =	dma.local [hbm:s6], s20  }
0x9f: {  	_ =	swait.ge [sflag:s22], s20  }
0xa0: {  	s5 =	ssub.s32 $0x0, s20;
	[sflag:s22] =	ssyncset.done $0x0  }
0xa1: {  	[sflag:s22] =	ssyncadd.s32 s5;
	_ =	sdelay $0x1  }
0xa2: {  	s23 =	simm.s32 $0x1B8B  }
0xa3: {  	_ =	swait.ge [sflag:s23], $0x1  }
0xa4: {  	[sflag:s23] =	ssyncset.done $0x0  }
0xa5: {  	s25 =	simm.s32 $0x1B8E;
	s24 =	sld [smem:$0x3FFE];
	[sflag:s23] =	ssyncadd.s32 $0xFFFFFFFF  }
0xa6: {  	s26 =	simm.s32 $execute0_lowered;
	[smem:$0x3FD2] =	sst s25  }
0xa7: {  	s6 =	sshll.u32 s26, $0x1;
	_ =	strace $0x80000046;
	[dreg:$0x1] =	wrdreg $0xFFFFFFFF  }
0xa8: {  	s28 =	simm.s32 $_size_execute0_lowered;
	s4 =	sadd.s32 s4, s6;
	[dreg:$0x0] =	wrdreg $0x0  }
0xa9: {  	s6 =	sshll.u32 s28, $0x1;
	[dreg:$0x2] =	wrdreg s4  }
0xaa: {  	[dreg:$0x3] =	wrdreg s6  }
0xab: {  	[dreg:$0x4] =	wrdreg $0xC0  }
0xac: {  	_ =	task [dreg:s8], $0x5FFFF  }
0xad: {  	[dreg:$0x1] =	wrdreg $0xFFFFFFFF  }
0xae: {  	[dreg:$0x0] =	wrdreg $0x60  }
0xaf: {  	[dreg:$0x2] =	wrdreg s2  }
0xb0: {  	[dreg:$0x3] =	wrdreg s18  }
0xb1: {  	[dreg:$0x4] =	wrdreg s24  }
0xb2: {  	[dreg:$0x5] =	wrdreg $0x9  }
0xb3: {  	_ =	task.clear_ibuf [dreg:s8], $0x6FFFF;
	_ =	strace $0x90000046  }
0xb4: {  	s29 =	simm.s32 $0x9;
	_ =	strace $0x80000048  }
0xb5: {  	_ =	swait.ge [sflag:s29], $0x1  }
0xb6: {  	[sflag:s29] =	ssyncadd.s32 $0xFFFFFFFF  }
0xb7: {  	_ =	strace $0x90000048  }
0xb8: {  	_ =	sfence  }
0xb9: {  	s30 =	sld [smem:$0x0];
	_ =	sdelay $0x2  }
0xba: {  	s31 =	sshll.u32 s1, $0xD;
	s1 =	sshrl.u32 s1, $0x2  }
0xbb: {  	s3 =	sand.u32 $0x4000, s31;
	s1 =	sadd.s32 s1, s30  }
0xbc: {  	s0 =	sor.u32 s3, s0;
	s1 =	sshll.u32 s1, $0x11  }
0xbd: {  	s0 =	sor.u32 s1, s0  }
0xbe: {  	s0 =	sadd.s32 $0x8F2B, s0  }
0xbf: {  	[sflag:s0] =	ssyncadd.remote.s32 $0x1  }
0xc0: {  	_ =	sfence.sel $0xFFFF  }
0xc1: {  	[dreg:$0x0] =	wrdreg $0xFFFFFFFF;
	(pc) =	sbr.abs _section_cstart, $3  }
0xc2: {  	[dreg:$0x1] =	wrdreg $0xFFFFFFFF  }
0xc3: {  	_ =	task.clear_ibuf [dreg:s8], $0x2FFFF;
	_ =	strace $0x9FFFFFFF  }
0xc4: {  	(tm) =	ssettm $0x7FFFFFFF  }
0xc5: {  	_ =	shalt  }
tec
execute0_lowered:
.L_overlay_start_1:
0x0: {  	(tag) =	ssettag $0x1  }
0x1: {  	s0 =	rddreg [dreg:$0x0]  }
0x2: {  	s2 =	rddreg [dreg:$0x1]  }
0x3: {  	s5 =	rddreg [dreg:$0x2];
	s4 =	srdreg.scid  }
0x4: {  	s1 =	simm.s32 $0x0;
	s7 =	stileid.u32;
	s6 =	sand.u32 $0x1, s4  }
0x5: {  	[smem:$0x7FF] =	sst s1;
	s7 =	sshll.u32 s7, $0xA;
	s8 =	sshll.u32 s6, $0x9  }
0x6: {  	s3 =	sadd.s32 $0x1E00, s5;
	s4 =	sadd.s32 $0xF44200, s5;
	s7 =	sor.u32 s8, s7  }
0x7: {  	s9 =	sadd.s32 $0x1E86600, s5;
	s6 =	ssub.s32 $0x2, s6;
	s10 =	sshrl.u32 s7, $0x3  }
0x8: {  	_ =	strace $0x80000047;
	s24 =	sshrl.u32 s6, $0x1;
	s0 =	sadd.s32 s0, s10  }
0x9: {  	s25 =	sshll.u32 s7, $0x4;
	s2 =	sadd.s32 s2, s10;
	[dreg:$0x12] =	wrdreg s0  }
0xa: {  	vm0 =	vmmov $0x1;
	s6 =	ssub.s32 s6, s24;
	s26 =	sadd.s32 s9, s25;
	[dreg:$0x13] =	wrdreg s2  }
0xb: {  	vm1 =	vcmask $0x308;
	vm2 =	vcmask $0x70C;
	vm3 =	vcmask $0xB10;
	s5 =	sadd.s32 $0x1EC6600, s5;
	s31 =	smax.u32 s6, $0x1;
	[dreg:$0x14] =	wrdreg s26  }
0xc: {  	vm4 =	vcmask $0xF14;
	vm5 =	vcmask $0x1318;
	vm6 =	vcmask $0x171C;
	s28 =	sor.u32 $0x1000, s25;
	s0 =	sadd.s32 s5, s25;
	[dreg:$0x18] =	wrdreg s31  }
0xd: {  	vm7 =	vcmask $0x1B20;
	vm8 =	vcmask $0x1F24;
	vm9 =	vcmask $0x2328;
	s29 =	sadd.s32 s9, s28;
	[dreg:$0x15] =	wrdreg s0  }
0xe: {  	vm10 =	vcmask $0x272C;
	vm11 =	vcmask $0x2B30;
	vm12 =	vcmask $0x2F34;
	s30 =	sadd.s32 s5, s28;
	[dreg:$0x16] =	wrdreg s29  }
0xf: {  	vm13 =	vcmask $0x3338;
	vm14 =	vcmask $0x373C;
	vm15 =	vmmov $0x7fff;
	s5 =	simm.s32 $0x2;
	s2 =	simm.s32 $0x0;
	[dreg:$0x17] =	wrdreg s30  }
.LBB2_1:
0x10: {  	[dreg:$0x19] =	wrdreg s2  }
0x11: {  	s0 =	rddreg [dreg:$0x12]  }
0x12: {  	[tilespmem:s1], [sflag:$0x2] =	stream.linear.gather [hbm4b:s0+s1], $0x200, $0x38;
	[tilespmem:$0x10400] =	vst v63  }
0x13: {  	_ =	swait.ge [sflag:s5], $0x200  }
0x14: {  	[sflag:s5] =	ssyncset.done $0x0  }
0x15: {  	s17 =	simm.s32 $0x200;
	s18 =	rddreg [dreg:$0x13];
	[sflag:s5] =	ssyncadd.s32 $0xFFFFFE00  }
0x16: {  	[tilespmem:s17], [sflag:$0x2] =	stream.linear.gather [hbm4b:s18+s1], $0x200, $0x38;
	[tilespmem:$0x10400] =	vst v63  }
0x17: {  	_ =	swait.ge [sflag:s5], $0x200  }
0x18: {  	[sflag:s5] =	ssyncset.done $0x0  }
0x19: {  	[sflag:s5] =	ssyncadd.s32 $0xFFFFFE00  }
0x1a: {  	v1 =	vld [tilespmem:s1+$0x0];
	_ =	sdelay $0x1  }
0x1b: {  	v0 =	vld [tilespmem:s17+$0x0];
	_ =	sdelay $0x2  }
0x1c: {  	v2 =	vnsel vm0, $0x0, v1  }
0x1d: {  	v3 =	vsel vm1, $0x0, v1;
	v2 =	vxor.u32 $0x80000000, v2  }
0x1e: {  	v4 =	vnsel vm0, $0x0, v0;
	v3 =	vxor.u32 $0x80000000, v3;
	(xrf0) =	vmax.scan.msk.u32 $0xffff, v2  }
0x1f: {  	v44 =	vsel vm1, $0x0, v0;
	v2 =	vxor.u32 $0x80000000, v4;
	(xrf0) =	vmax.scan.msk.u32 $0xffff, v3  }
0x20: {  	v45 =	vsel vm2, $0x0, v0;
	v3 =	vxor.u32 $0x80000000, v44;
	(xrf0) =	vmax.scan.msk.u32 $0xffff, v2  }
0x21: {  	v4 =	vxor.u32 $0x80000000, v45;
	v2 =	vsel vm4, $0x0, v1;
	(xrf0) =	vmax.scan.msk.u32 $0xffff, v3  }
0x22: {  	v2 =	vxor.u32 $0x80000000, v2;
	v3 =	vsel vm3, $0x0, v0;
	(xrf0) =	vmax.scan.msk.u32 $0xffff, v4  }
0x23: {  	v46 =	vsel vm4, $0x0, v0;
	v3 =	vxor.u32 $0x80000000, v3;
	(xrf0) =	vmax.scan.msk.u32 $0xffff, v2  }
0x24: {  	v4 =	vxor.u32 $0x80000000, v46;
	v2 =	vsel vm3, $0x0, v1;
	v5, _, _ =	vpop (xrf0);
	(xrf0) =	vmax.scan.msk.u32 $0xffff, v3  }
0x25: {  	v47 =	vsel vm5, $0x0, v0;
	v2 =	vxor.u32 $0x80000000, v2;
	v6, _, _ =	vpop (xrf0);
	(xrf0) =	vmax.scan.msk.u32 $0xffff, v4;
	(v2sf) =	vpush v5, $0xF  }
0x26: {  	v3 =	vsel vm5, $0x0, v1;
	v48, _, _ =	vpop (xrf0);
	(xrf0) =	vmax.scan.msk.u32 $0xffff, v2;
	v2 =	vsel vm6, $0x0, v1;
	(v2sf) =	vpush v6, $0xF  }
0x27: {  	v3 =	vxor.u32 $0x80000000, v3;
	v49, _, _ =	vpop (xrf0);
	v2 =	vxor.u32 $0x80000000, v2;
	(v2sf) =	vpush v48, $0xF  }
0x28: {  	v4 =	vxor.u32 $0x80000000, v47;
	(xrf0) =	vmax.scan.msk.u32 $0xffff, v3;
	v50, _, _ =	vpop (xrf0);
	(v2sf) =	vpush v49, $0xF  }
0x29: {  	(xrf0) =	vmax.scan.msk.u32 $0xffff, v4;
	v51, _, _ =	vpop (xrf0)  }
0x2a: {  	v3 =	vsel vm6, $0x0, v0;
	(xrf0) =	vmax.scan.msk.u32 $0xffff, v2;
	(v2sf) =	vpush v50, $0xF;
	v2, _, _ =	vpop (xrf0)  }
0x2b: {  	v52 =	vsel vm7, $0x0, v0;
	v3 =	vxor.u32 $0x80000000, v3;
	(v2sf) =	vpush v2, $0xF  }
0x2c: {  	v53 =	vsel vm2, $0x0, v1;
	v6 =	vxor.u32 $0x80000000, v52;
	(xrf0) =	vmax.scan.msk.u32 $0xffff, v3;
	v2, _, _ =	vpop (xrf0)  }
0x2d: {  	v3 =	vxor.u32 $0x80000000, v53;
	(xrf0) =	vmax.scan.msk.u32 $0xffff, v6;
	(v2sf) =	vpush v2, $0xF  }
0x2e: {  	v54, _, _ =	vpop (xrf0);
	(xrf0) =	vmax.scan.msk.u32 $0xffff, v3  }
0x2f: {  	(v2sf) =	vpush v54, $0xF;
	v2, _, _ =	vpop (xrf0)  }
0x30: {  	v3, _, _ =	vpop (xrf0);
	(v2sf) =	vpush v2, $0xF  }
0x31: {  	v2, _, _ =	vpop (xrf0)  }
0x32: {  	s11 =	simm.s32 $0x8480;
	s12 =	simm.s32 $0x800;
	s21 =	simm.s32 $0x980;
	(v2sf) =	vpush v2, $0xF;
	v2, _, _ =	vpop (xrf0)  }
0x33: {  	s6 =	simm.s32 $0x8580;
	s14 =	simm.s32 $0x400;
	s15 =	simm.s32 $0x8400;
	v55, _, _ =	vpop (xrf0)  }
0x34: {  	s22 =	simm.s32 $0x480;
	s28 =	simm.s32 $0x580;
	(v2sf) =	vpush v3, $0xF;
	v3 =	vsel vm9, $0x0, v1;
	v56, _, _ =	vpop (xrf0);
	s19 =	spop (v2sf)  }
0x35: {  	s29 =	simm.s32 $0xB00;
	v57 =	vsel vm10, $0x0, v1;
	v3 =	vxor.u32 $0x80000000, v3;
	(v2sf) =	vpush v56, $0xF;
	s20 =	spop (v2sf);
	s2 =	sshll.u32 s19, $0x4  }
0x36: {  	s30 =	simm.s32 $0x8A80;
	v6 =	vxor.u32 $0x80000000, v57;
	(xrf0) =	vmax.scan.msk.u32 $0xffff, v3;
	s8 =	spop (v2sf);
	s2 =	sand.u32 $0x1FFFFFF0, s2  }
0x37: {  	(xrf0) =	vmax.scan.msk.u32 $0xffff, v6;
	s9 =	spop (v2sf);
	s2 =	sadd.s32 s3, s2;
	s8 =	sshll.u32 s8, $0x4  }
0x38: {  	[tilespmem:s14], [sflag:$0x1] =	stream.linear.gather [hbm4b:s2+s1], $0x80, $0x38;
	[tilespmem:$0x10400] =	vst v63  }
0x39: {  	s19 =	sshll.u32 s20, $0x4;
	s13 =	spop (v2sf);
	s23 =	sand.u32 $0x1FFFFFF0, s8  }
0x3a: {  	s24 =	sand.u32 $0x1FFFFFF0, s19;
	s14 =	sadd.s32 s4, s23;
	s10 =	spop (v2sf);
	(v2sf) =	vpush v2, $0xF;
	v2 =	vsel vm11, $0x0, v1  }
0x3b: {  	[tilespmem:s15], [sflag:$0x1] =	stream.linear.gather [hbm4b:s14+s1], $0x80, $0x38;
	v2 =	vxor.u32 $0x80000000, v2;
	[tilespmem:$0x10400] =	vst v63  }
0x3c: {  	v7 =	vsel vm12, $0x0, v1;
	s25 =	sshll.u32 s9, $0x4;
	v3, _, _ =	vpop (xrf0);
	s14 =	sadd.s32 s3, s24;
	s7 =	spop (v2sf);
	(xrf0) =	vmax.scan.msk.u32 $0xffff, v2  }
0x3d: {  	v58 =	vxor.u32 $0x80000000, v7;
	v6, _, _ =	vpop (xrf0);
	v2 =	vsel vm8, $0x0, v0;
	[tilespmem:s22], [sflag:$0x1] =	stream.linear.gather [hbm4b:s14+s1], $0x80, $0x38;
	[tilespmem:$0x10400] =	vst v63  }
0x3e: {  	s31 =	simm.s32 $0xA80;
	s15 =	sand.u32 $0x1FFFFFF0, s25;
	s16 =	spop (v2sf);
	(v2sf) =	vpush v6, $0xF;
	(xrf0) =	vmax.scan.msk.u32 $0xffff, v58;
	v2 =	vxor.u32 $0x80000000, v2  }
0x3f: {  	s0 =	simm.s32 $0x780;
	v59 =	vsel vm13, $0x0, v1;
	s15 =	sadd.s32 s4, s15;
	s8 =	spop (v2sf);
	(v2sf) =	vpush v51, $0xF;
	(xrf0) =	vmax.scan.msk.u32 $0xffff, v2  }
0x40: {  	v4 =	vxor.u32 $0x80000000, v59;
	v2 =	vsel vm7, $0x0, v1;
	[tilespmem:s11], [sflag:$0x1] =	stream.linear.gather [hbm4b:s15+s1], $0x80, $0x38;
	[tilespmem:$0x10400] =	vst v63  }
0x41: {  	s18 =	simm.s32 $0x0;
	s17 =	simm.s32 $0x2000;
	v60 =	vsel vm8, $0x0, v1;
	s20 =	simm.s32 $0x500;
	(xrf0) =	vmax.scan.msk.u32 $0xffff, v4;
	v2 =	vxor.u32 $0x80000000, v2  }
0x42: {  	s2 =	simm.s32 $0x8800;
	s13 =	sshll.u32 s13, $0x4;
	s5 =	spop (v2sf);
	(xrf0) =	vmax.scan.msk.u32 $0xffff, v2;
	v2 =	vxor.u32 $0x80000000, v60  }
0x43: {  	s23 =	simm.s32 $0x8500;
	s25 =	sshll.u32 s10, $0x4;
	(v2sf) =	vpush v3, $0xF;
	s9 =	spop (v2sf)  }
0x44: {  	s22 =	sand.u32 $0x1FFFFFF0, s13;
	s7 =	sshll.u32 s7, $0x4;
	(xrf0) =	vmax.scan.msk.u32 $0xffff, v2;
	s26 =	spop (v2sf)  }
0x45: {  	s24 =	sshll.u32 s16, $0x4;
	s11 =	simm.s32 $0x8680;
	s19 =	sshll.u32 s26, $0x4;
	v2, _, _ =	vpop (xrf0)  }
0x46: {  	s16 =	sand.u32 $0x1FFFFFF0, s24;
	s15 =	sadd.s32 s4, s22;
	s19 =	sand.u32 $0x1FFFFFF0, s19;
	v61, _, _ =	vpop (xrf0)  }
0x47: {  	s8 =	sshll.u32 s8, $0x4;
	s5 =	sshll.u32 s5, $0x4;
	s19 =	sadd.s32 s3, s19;
	v62, _, _ =	vpop (xrf0)  }
0x48: {  	[tilespmem:s20], [sflag:$0x1] =	stream.linear.gather [hbm4b:s19+s1], $0x80, $0x38;
	v63, _, _ =	vpop (xrf0);
	[tilespmem:$0x10400] =	vst v63  }
0x49: {  	s22 =	simm.s32 $0x680;
	s16 =	sadd.s32 s3, s16;
	s5 =	sand.u32 $0x1FFFFFF0, s5;
	v8, _, _ =	vpop (xrf0)  }
0x4a: {  	[tilespmem:s23], [sflag:$0x1] =	stream.linear.gather [hbm4b:s15+s1], $0x80, $0x38;
	v3, _, _ =	vpop (xrf0);
	[tilespmem:$0x10400] =	vst v63  }
0x4b: {  	s24 =	sshll.u32 s9, $0x4;
	s5 =	sadd.s32 s3, s5;
	s13 =	spop (v2sf);
	(v2sf) =	vpush v3, $0xF  }
0x4c: {  	[tilespmem:s28], [sflag:$0x1] =	stream.linear.gather [hbm4b:s16+s1], $0x80, $0x38;
	[tilespmem:$0x10400] =	vst v63  }
0x4d: {  	s26 =	sand.u32 $0x1FFFFFF0, s25;
	s25 =	simm.s32 $0x8700;
	s10 =	spop (v2sf);
	(v2sf) =	vpush v8, $0xF  }
0x4e: {  	s14 =	sadd.s32 s4, s26;
	s26 =	sand.u32 $0x1FFFFFF0, s24;
	s28 =	spop (v2sf)  }
0x4f: {  	[tilespmem:s6], [sflag:$0x1] =	stream.linear.gather [hbm4b:s14+s1], $0x80, $0x38;
	(v2sf) =	vpush v55, $0xF;
	[tilespmem:$0x10400] =	vst v63  }
0x50: {  	s19 =	simm.s32 $0x210;
	s20 =	simm.s32 $0x10;
	v3 =	vsel vm9, $0x0, v0;
	s15 =	sshll.u32 s28, $0x4;
	(v2sf) =	vpush v2, $0xF  }
0x51: {  	s23 =	sand.u32 $0x1FFFFFF0, s8;
	s6 =	sand.u32 $0x1FFFFFF0, s7;
	v2 =	vxor.u32 $0x80000000, v3;
	s14 =	sand.u32 $0x1FFFFFF0, s15  }
0x52: {  	s28 =	spop (v2sf);
	s15 =	simm.s32 $0x600;
	(xrf0) =	vmax.scan.msk.u32 $0xffff, v2;
	v2 =	vsel vm10, $0x0, v0;
	s7 =	sadd.s32 s3, s14  }
0x53: {  	(v2sf) =	vpush v61, $0xF;
	v2 =	vxor.u32 $0x80000000, v2;
	[tilespmem:s15], [sflag:$0x1] =	stream.linear.gather [hbm4b:s7+s1], $0x80, $0x38;
	[tilespmem:$0x10400] =	vst v63  }
0x54: {  	s16 =	simm.s32 $0x8600;
	s6 =	sadd.s32 s4, s6;
	v3 =	vsel vm11, $0x0, v0;
	s8 =	sshll.u32 s28, $0x4;
	(v2sf) =	vpush v62, $0xF;
	(xrf0) =	vmax.scan.msk.u32 $0xffff, v2  }
0x55: {  	v3 =	vxor.u32 $0x80000000, v3;
	[tilespmem:s16], [sflag:$0x1] =	stream.linear.gather [hbm4b:s6+s1], $0x80, $0x38;
	[tilespmem:$0x10400] =	vst v63  }
0x56: {  	s14 =	simm.s32 $0x700;
	s8 =	sand.u32 $0x1FFFFFF0, s8;
	s7 =	sadd.s32 s3, s23;
	(xrf0) =	vmax.scan.msk.u32 $0xffff, v3  }
0x57: {  	[tilespmem:s22], [sflag:$0x1] =	stream.linear.gather [hbm4b:s7+s1], $0x80, $0x38;
	[tilespmem:$0x10400] =	vst v63  }
0x58: {  	s8 =	sadd.s32 s3, s8;
	s7 =	sadd.s32 s4, s26;
	s22 =	sshll.u32 s13, $0x4  }
0x59: {  	(v2sf) =	vpush v63, $0xF;
	[tilespmem:s11], [sflag:$0x1] =	stream.linear.gather [hbm4b:s7+s1], $0x80, $0x38;
	[tilespmem:$0x10400] =	vst v63  }
0x5a: {  	s16 =	simm.s32 $0x8780;
	v2, _, _ =	vpop (xrf0);
	s7 =	sand.u32 $0x1FFFFFF0, s22;
	s15 =	spop (v2sf)  }
0x5b: {  	(v2sf) =	vpush v2, $0xF;
	[tilespmem:s14], [sflag:$0x1] =	stream.linear.gather [hbm4b:s5+s1], $0x80, $0x38;
	[tilespmem:$0x10400] =	vst v63  }
0x5c: {  	v2, _, _ =	vpop (xrf0);
	s7 =	sadd.s32 s4, s7;
	s9 =	sshll.u32 s15, $0x4;
	s23 =	spop (v2sf)  }
0x5d: {  	(v2sf) =	vpush v2, $0xF;
	v2, _, _ =	vpop (xrf0);
	[tilespmem:s25], [sflag:$0x1] =	stream.linear.gather [hbm4b:s7+s1], $0x80, $0x38;
	[tilespmem:$0x10400] =	vst v63  }
0x5e: {  	s9 =	sand.u32 $0x1FFFFFF0, s9;
	s11 =	sshll.u32 s23, $0x4;
	s26 =	spop (v2sf);
	(v2sf) =	vpush v2, $0xF;
	v2 =	vsel vm12, $0x0, v0  }
0x5f: {  	s25 =	sshll.u32 s10, $0x4;
	s24 =	sand.u32 $0x1FFFFFF0, s11;
	s28 =	spop (v2sf);
	v2 =	vxor.u32 $0x80000000, v2  }
0x60: {  	v3 =	vsel vm13, $0x0, v0;
	s10 =	sshll.u32 s26, $0x4;
	s7 =	sshll.u32 s28, $0x4;
	s6 =	sadd.s32 s3, s24;
	(xrf0) =	vmax.scan.msk.u32 $0xffff, v2  }
0x61: {  	v3 =	vxor.u32 $0x80000000, v3;
	v2 =	vsel vm14, $0x0, v1;
	[tilespmem:s0], [sflag:$0x1] =	stream.linear.gather [hbm4b:s6+s1], $0x80, $0x38;
	[tilespmem:$0x10400] =	vst v63  }
0x62: {  	s6 =	sand.u32 $0x1FFFFFF0, s10;
	s14 =	sand.u32 $0x1FFFFFF0, s7;
	s7 =	spop (v2sf);
	(xrf0) =	vmax.scan.msk.u32 $0xffff, v3;
	v2 =	vxor.u32 $0x80000000, v2  }
0x63: {  	s9 =	sadd.s32 s3, s9;
	v3 =	vsel vm14, $0x0, v0;
	s0 =	sadd.s32 s4, s6;
	s10 =	spop (v2sf);
	(xrf0) =	vmax.scan.msk.u32 $0xffff, v2  }
0x64: {  	v1 =	vsel vm15, $0x0, v1;
	v3 =	vxor.u32 $0x80000000, v3;
	[tilespmem:s16], [sflag:$0x1] =	stream.linear.gather [hbm4b:s0+s1], $0x80, $0x38;
	[tilespmem:$0x10400] =	vst v63  }
0x65: {  	s11 =	sand.u32 $0x1FFFFFF0, s25;
	s24 =	simm.s32 $0x880;
	v1 =	vxor.u32 $0x80000000, v1;
	s13 =	sshll.u32 s10, $0x4;
	(xrf0) =	vmax.scan.msk.u32 $0xffff, v3  }
0x66: {  	v0 =	vsel vm15, $0x0, v0;
	s6 =	sshll.u32 s7, $0x4;
	s7 =	simm.s32 $0xA00;
	s15 =	sand.u32 $0x1FFFFFF0, s13;
	(xrf0) =	vmax.scan.msk.u32 $0xffff, v1  }
0x67: {  	v0 =	vxor.u32 $0x80000000, v0;
	[tilespmem:s12], [sflag:$0x1] =	stream.linear.gather [hbm4b:s9+s1], $0x80, $0x38;
	[tilespmem:$0x10400] =	vst v63  }
0x68: {  	s5 =	sand.u32 $0x1FFFFFF0, s6;
	s16 =	spop (v2sf);
	(xrf0) =	vmax.scan.msk.u32 $0xffff, v0;
	s10 =	sadd.s32 s4, s15  }
0x69: {  	[tilespmem:s2], [sflag:$0x1] =	stream.linear.gather [hbm4b:s10+s1], $0x80, $0x38;
	[tilespmem:$0x10400] =	vst v63  }
0x6a: {  	s0 =	simm.s32 $0x8A00;
	s6 =	sshll.u32 s16, $0x4;
	v0, _, _ =	vpop (xrf0);
	s22 =	spop (v2sf)  }
0x6b: {  	v1, _, _ =	vpop (xrf0);
	(v2sf) =	vpush v0, $0xF;
	[tilespmem:s24], [sflag:$0x1] =	stream.linear.gather [hbm4b:s8+s1], $0x80, $0x38;
	[tilespmem:$0x10400] =	vst v63  }
0x6c: {  	s6 =	sand.u32 $0x1FFFFFF0, s6;
	s9 =	sshll.u32 s22, $0x4;
	v0, _, _ =	vpop (xrf0);
	(v2sf) =	vpush v1, $0xF;
	s23 =	spop (v2sf)  }
0x6d: {  	s10 =	simm.s32 $0x8880;
	v1, _, _ =	vpop (xrf0);
	(v2sf) =	vpush v0, $0xF;
	s25 =	sand.u32 $0x1FFFFFF0, s9;
	s26 =	spop (v2sf)  }
0x6e: {  	s9 =	sadd.s32 s3, s11;
	v2, _, _ =	vpop (xrf0);
	(v2sf) =	vpush v1, $0xF;
	s2 =	sshll.u32 s23, $0x4;
	s28 =	sshll.u32 s26, $0x4  }
0x6f: {  	s11 =	sadd.s32 s4, s25;
	v0, _, _ =	vpop (xrf0);
	(v2sf) =	vpush v2, $0xF;
	s2 =	sand.u32 $0x1FFFFFF0, s2;
	s8 =	sand.u32 $0x1FFFFFF0, s28  }
.LBB2_2:
0x70: {  	_ = 	snop  }
0x71: {  	[tilespmem:s10], [sflag:$0x1] =	stream.linear.gather [hbm4b:s11+s1], $0x80, $0x38;
	[tilespmem:$0x10400] =	vst v63  }
0x72: {  	s11 =	sadd.s32 $0x900, s18  }
0x73: {  	[tilespmem:s11], [sflag:$0x1] =	stream.linear.gather [hbm4b:s9+s1], $0x80, $0x38;
	[tilespmem:$0x10400] =	vst v63  }
0x74: {  	s15 =	sadd.s32 $0x8900, s18;
	s2 =	sadd.s32 s4, s2  }
0x75: {  	[tilespmem:s15], [sflag:$0x1] =	stream.linear.gather [hbm4b:s2+s1], $0x80, $0x38;
	[tilespmem:$0x10400] =	vst v63  }
0x76: {  	s22 =	sadd.s32 s3, s14  }
0x77: {  	[tilespmem:s21], [sflag:$0x1] =	stream.linear.gather [hbm4b:s22+s1], $0x80, $0x38;
	[tilespmem:$0x10400] =	vst v63  }
0x78: {  	s13 =	sadd.s32 $0x8980, s18;
	s25 =	sadd.s32 s4, s8  }
0x79: {  	[tilespmem:s13], [sflag:$0x1] =	stream.linear.gather [hbm4b:s25+s1], $0x80, $0x38;
	[tilespmem:$0x10400] =	vst v63  }
0x7a: {  	s5 =	sadd.s32 s3, s5;
	s12 =	spop (v2sf)  }
0x7b: {  	(v2sf) =	vpush v0, $0xF;
	[tilespmem:s7], [sflag:$0x1] =	stream.linear.gather [hbm4b:s5+s1], $0x80, $0x38;
	[tilespmem:$0x10400] =	vst v63  }
0x7c: {  	s16 =	sshll.u32 s12, $0x4;
	s24 =	spop (v2sf)  }
0x7d: {  	s23 =	sand.u32 $0x1FFFFFF0, s16;
	s26 =	sshll.u32 s24, $0x4;
	s28 =	spop (v2sf)  }
0x7e: {  	s16 =	sadd.s32 s3, s6;
	s12 =	sshll.u32 s28, $0x4;
	s13 =	sadd.s32 s4, s23  }
0x7f: {  	[tilespmem:s0], [sflag:$0x1] =	stream.linear.gather [hbm4b:s13+s1], $0x80, $0x38;
	[tilespmem:$0x10400] =	vst v63  }
0x80: {  	s11 =	sand.u32 $0x1FFFFFF0, s26;
	s15 =	spop (v2sf);
	s14 =	sand.u32 $0x1FFFFFF0, s12  }
0x81: {  	[tilespmem:s31], [sflag:$0x1] =	stream.linear.gather [hbm4b:s16+s1], $0x80, $0x38;
	[tilespmem:$0x10400] =	vst v63  }
0x82: {  	s21 =	sshll.u32 s15, $0x4;
	s22 =	spop (v2sf);
	s23 =	sadd.s32 s4, s11  }
0x83: {  	[tilespmem:s30], [sflag:$0x1] =	stream.linear.gather [hbm4b:s23+s1], $0x80, $0x38;
	[tilespmem:$0x10400] =	vst v63  }
0x84: {  	s2 =	sand.u32 $0x1FFFFFF0, s21;
	s24 =	sshll.u32 s22, $0x4;
	s25 =	sadd.s32 s3, s14  }
0x85: {  	[tilespmem:s29], [sflag:$0x1] =	stream.linear.gather [hbm4b:s25+s1], $0x80, $0x38;
	[tilespmem:$0x10400] =	vst v63  }
0x86: {  	s28 =	sadd.s32 $0x8B00, s18;
	s5 =	sand.u32 $0x1FFFFFF0, s24;
	s2 =	sadd.s32 s4, s2  }
0x87: {  	[tilespmem:s28], [sflag:$0x1] =	stream.linear.gather [hbm4b:s2+s1], $0x80, $0x38;
	[tilespmem:$0x10400] =	vst v63  }
0x88: {  	s7 =	sadd.s32 $0xB80, s18;
	s8 =	sadd.s32 s3, s5  }
0x89: {  	[tilespmem:s7], [sflag:$0x1] =	stream.linear.gather [hbm4b:s8+s1], $0x80, $0x38;
	[tilespmem:$0x10400] =	vst v63  }
0x8a: {  	s26 =	spop (v2sf)  }
0x8b: {  	s6 =	sshll.u32 s26, $0x4  }
0x8c: {  	s9 =	sand.u32 $0x1FFFFFF0, s6  }
0x8d: {  	s10 =	sadd.s32 $0x8B80, s18;
	s11 =	sadd.s32 s4, s9  }
0x8e: {  	[tilespmem:s10], [sflag:$0x1] =	stream.linear.gather [hbm4b:s11+s1], $0x80, $0x38;
	[tilespmem:$0x10400] =	vst v63  }
0x8f: {  	v0 =	vld [tilespmem:s20+$0x0];
	_ =	sdelay $0x2  }
0x90: {  	v1 =	vld [tilespmem:s19+$0x0];
	_ =	sdelay $0x1  }
0x91: {  	v2 =	vnsel vm0, $0x0, v0  }
0x92: {  	v2 =	vxor.u32 $0x80000000, v2  }
0x93: {  	v3 =	vsel vm1, $0x0, v0;
	(xrf0) =	vmax.scan.msk.u32 $0xffff, v2  }
0x94: {  	v5 =	vnsel vm0, $0x0, v1;
	v3 =	vxor.u32 $0x80000000, v3  }
0x95: {  	v5 =	vxor.u32 $0x80000000, v5;
	v2 =	vsel vm1, $0x0, v1;
	(xrf0) =	vmax.scan.msk.u32 $0xffff, v3  }
0x96: {  	v2 =	vxor.u32 $0x80000000, v2;
	v3 =	vsel vm2, $0x0, v1;
	(xrf0) =	vmax.scan.msk.u32 $0xffff, v5  }
0x97: {  	v7 =	vsel vm4, $0x0, v0;
	v3 =	vxor.u32 $0x80000000, v3;
	(xrf0) =	vmax.scan.msk.u32 $0xffff, v2  }
0x98: {  	v7 =	vxor.u32 $0x80000000, v7;
	v2 =	vsel vm3, $0x0, v1;
	(xrf0) =	vmax.scan.msk.u32 $0xffff, v3  }
0x99: {  	v9 =	vsel vm4, $0x0, v1;
	v2 =	vxor.u32 $0x80000000, v2;
	(xrf0) =	vmax.scan.msk.u32 $0xffff, v7;
	v11, _, _ =	vpop (xrf0)  }
0x9a: {  	v6 =	vsel vm3, $0x0, v0;
	v3 =	vxor.u32 $0x80000000, v9;
	(xrf0) =	vmax.scan.msk.u32 $0xffff, v2;
	(v2sf) =	vpush v11, $0xF  }
0x9b: {  	v6 =	vxor.u32 $0x80000000, v6;
	v26, _, _ =	vpop (xrf0);
	(xrf0) =	vmax.scan.msk.u32 $0xffff, v3  }
0x9c: {  	v12, _, _ =	vpop (xrf0);
	(v2sf) =	vpush v26, $0xF;
	(xrf0) =	vmax.scan.msk.u32 $0xffff, v6  }
0x9d: {  	v8 =	vsel vm5, $0x0, v0;
	(v2sf) =	vpush v12, $0xF;
	v29, _, _ =	vpop (xrf0)  }
0x9e: {  	s12 =	smov.u32 s17;
	v25 =	vsel vm5, $0x0, v1;
	v22 =	vxor.u32 $0x80000000, v8;
	v30, _, _ =	vpop (xrf0);
	(v2sf) =	vpush v29, $0xF  }
0x9f: {  	s18 =	sshra.s32 s12, $0x2;
	v23 =	vsel vm6, $0x0, v0;
	v7 =	vxor.u32 $0x80000000, v25;
	v31, _, _ =	vpop (xrf0);
	(xrf0) =	vmax.scan.msk.u32 $0xffff, v22;
	(v2sf) =	vpush v30, $0xF  }
0xa0: {  	s13 =	sadd.s32 $0x800, s18;
	v10 =	vsel vm6, $0x0, v1;
	v8 =	vxor.u32 $0x80000000, v23;
	v34, _, _ =	vpop (xrf0);
	(xrf0) =	vmax.scan.msk.u32 $0xffff, v7  }
0xa1: {  	s14 =	sadd.s32 $0x980, s18;
	[dreg:$0x4] =	wrdreg s13;
	v35 =	vsel vm7, $0x0, v1;
	v10 =	vxor.u32 $0x80000000, v10;
	(v2sf) =	vpush v34, $0xF;
	v36, _, _ =	vpop (xrf0);
	(xrf0) =	vmax.scan.msk.u32 $0xffff, v8  }
0xa2: {  	p0 =	sne.s32 s17, $0x1E000;
	s15 =	sadd.s32 $0x8580, s18;
	[dreg:$0x8] =	wrdreg s14;
	v37 =	vsel vm2, $0x0, v0;
	v7 =	vxor.u32 $0x80000000, v35;
	v16, _, _ =	vpop (xrf0);
	(xrf0) =	vmax.scan.msk.u32 $0xffff, v10  }
0xa3: {  	s17 =	sadd.s32 $0x2000, s17;
	s16 =	sadd.s32 $0x780, s18;
	[dreg:$0xd] =	wrdreg s15;
	v13 =	vsel vm9, $0x0, v0;
	v8 =	vxor.u32 $0x80000000, v37;
	(v2sf) =	vpush v36, $0xF;
	(xrf0) =	vmax.scan.msk.u32 $0xffff, v7  }
0xa4: {  	s0 =	sadd.s32 $0x8480, s18;
	s21 =	sadd.s32 $0x580, s18;
	[dreg:$0x9] =	wrdreg s16;
	v27 =	vsel vm10, $0x0, v0;
	v3 =	vxor.u32 $0x80000000, v13;
	(xrf0) =	vmax.scan.msk.u32 $0xffff, v8  }
0xa5: {  	s22 =	sadd.s32 $0x8800, s18;
	s31 =	sadd.s32 $0xA80, s18;
	[dreg:$0x11] =	wrdreg s21;
	v28 =	vsel vm11, $0x0, v0;
	v6 =	vxor.u32 $0x80000000, v27;
	(v2sf) =	vpush v16, $0xF;
	v42, _, _ =	vpop (xrf0);
	(xrf0) =	vmax.scan.msk.u32 $0xffff, v3  }
0xa6: {  	[dreg:$0x6] =	wrdreg s22;
	s14 =	sadd.s32 $0x8600, s18;
	s23 =	sadd.s32 $0x8680, s18;
	v14 =	vsel vm12, $0x0, v0;
	v11 =	vxor.u32 $0x80000000, v28;
	v17, _, _ =	vpop (xrf0);
	(xrf0) =	vmax.scan.msk.u32 $0xffff, v6  }
0xa7: {  	s15 =	sadd.s32 $0x680, s18;
	s30 =	sadd.s32 $0x8A80, s18;
	[dreg:$0xf] =	wrdreg s23;
	v15 =	vsel vm8, $0x0, v1;
	v32 =	vxor.u32 $0x80000000, v14;
	v47, _, _ =	vpop (xrf0);
	(xrf0) =	vmax.scan.msk.u32 $0xffff, v11  }
0xa8: {  	s29 =	sadd.s32 $0xB00, s18;
	s2 =	sadd.s32 $0x500, s18;
	s8 =	sadd.s32 $0x8400, s18;
	v24 =	vsel vm7, $0x0, v0;
	v33 =	vsel vm13, $0x0, v0;
	v38 =	vxor.u32 $0x80000000, v15;
	v49, _, _ =	vpop (xrf0);
	(xrf0) =	vmax.scan.msk.u32 $0xffff, v32  }
0xa9: {  	s6 =	sadd.s32 $0x480, s18;
	s9 =	sadd.s32 $0x600, s18;
	v14 =	vxor.u32 $0x80000000, v33;
	v2 =	vsel vm8, $0x0, v0;
	(v2sf) =	vpush v42, $0xF;
	v51, _, _ =	vpop (xrf0);
	(xrf0) =	vmax.scan.msk.u32 $0xffff, v38;
	s24 =	spop (v2sf)  }
0xaa: {  	s10 =	sadd.s32 $0x400, s18;
	s19 =	sadd.s32 $0x10, s19;
	v9 =	vxor.u32 $0x80000000, v24;
	v2 =	vxor.u32 $0x80000000, v2;
	(v2sf) =	vpush v47, $0xF;
	v52, _, _ =	vpop (xrf0);
	(xrf0) =	vmax.scan.msk.u32 $0xffff, v14;
	s5 =	sshll.u32 s24, $0x4  }
0xab: {  	s20 =	sadd.s32 $0x10, s20;
	v39 =	vsel vm9, $0x0, v1;
	(v2sf) =	vpush v17, $0xF;
	s25 =	spop (v2sf);
	(xrf0) =	vmax.scan.msk.u32 $0xffff, v9;
	s5 =	sand.u32 $0x1FFFFFF0, s5  }
0xac: {  	v18 =	vsel vm10, $0x0, v1;
	v7 =	vxor.u32 $0x80000000, v39;
	(v2sf) =	vpush v52, $0xF;
	v53, _, _ =	vpop (xrf0);
	s28 =	spop (v2sf);
	(xrf0) =	vmax.scan.msk.u32 $0xffff, v2;
	s7 =	sshll.u32 s25, $0x4;
	s26 =	sadd.s32 s3, s5  }
0xad: {  	v40 =	vsel vm11, $0x0, v1;
	v41 =	vxor.u32 $0x80000000, v18;
	v2, _, _ =	vpop (xrf0);
	s11 =	sshll.u32 s28, $0x4;
	(xrf0) =	vmax.scan.msk.u32 $0xffff, v7;
	s16 =	sand.u32 $0x1FFFFFF0, s7;
	s12 =	spop (v2sf)  }
0xae: {  	v3 =	vxor.u32 $0x80000000, v40;
	(v2sf) =	vpush v49, $0xF;
	v54, _, _ =	vpop (xrf0);
	s7 =	sadd.s32 $0x8700, s18;
	s22 =	sand.u32 $0x1FFFFFF0, s11;
	(xrf0) =	vmax.scan.msk.u32 $0xffff, v41;
	s13 =	spop (v2sf)  }
0xaf: {  	v55, _, _ =	vpop (xrf0);
	(v2sf) =	vpush v2, $0xF;
	[tilespmem:s10], [sflag:$0x1] =	stream.linear.gather [hbm4b:s26+s1], $0x80, $0x38;
	[tilespmem:$0x10400] =	vst v63  }
0xb0: {  	s5 =	sshll.u32 s12, $0x4;
	v56, _, _ =	vpop (xrf0);
	(xrf0) =	vmax.scan.msk.u32 $0xffff, v3;
	s22 =	sadd.s32 s4, s22;
	s23 =	spop (v2sf)  }
0xb1: {  	v3, _, _ =	vpop (xrf0);
	(v2sf) =	vpush v31, $0xF;
	[tilespmem:s8], [sflag:$0x1] =	stream.linear.gather [hbm4b:s22+s1], $0x80, $0x38;
	[tilespmem:$0x10400] =	vst v63  }
0xb2: {  	s10 =	sadd.s32 $0x700, s18;
	s16 =	sadd.s32 s3, s16;
	v2, _, _ =	vpop (xrf0);
	s25 =	spop (v2sf);
	(v2sf) =	vpush v53, $0xF  }
0xb3: {  	s12 =	sand.u32 $0x1FFFFFF0, s5;
	s21 =	sshll.u32 s13, $0x4;
	v57, _, _ =	vpop (xrf0);
	s28 =	sshll.u32 s25, $0x4  }
0xb4: {  	s5 =	sadd.s32 $0x8780, s18;
	s11 =	sand.u32 $0x1FFFFFF0, s28;
	s28 =	spop (v2sf);
	(v2sf) =	vpush v57, $0xF  }
0xb5: {  	[tilespmem:s6], [sflag:$0x1] =	stream.linear.gather [hbm4b:s16+s1], $0x80, $0x38;
	[tilespmem:$0x10400] =	vst v63  }
0xb6: {  	s13 =	sand.u32 $0x1FFFFFF0, s21;
	s24 =	sshll.u32 s23, $0x4;
	s6 =	sadd.s32 s4, s12  }
0xb7: {  	[tilespmem:s0], [sflag:$0x1] =	stream.linear.gather [hbm4b:s6+s1], $0x80, $0x38;
	[tilespmem:$0x10400] =	vst v63  }
0xb8: {  	s21 =	sand.u32 $0x1FFFFFF0, s24;
	s23 =	sshll.u32 s28, $0x4;
	s28 =	spop (v2sf)  }
0xb9: {  	s25 =	sadd.s32 $0x8500, s18;
	s6 =	sadd.s32 s4, s21;
	s24 =	spop (v2sf)  }
0xba: {  	s22 =	sshll.u32 s28, $0x4;
	(v2sf) =	vpush v2, $0xF;
	s24 =	sshll.u32 s24, $0x4;
	s28 =	spop (v2sf)  }
0xbb: {  	s11 =	sadd.s32 s4, s11;
	s8 =	sand.u32 $0x1FFFFFF0, s24;
	s24 =	spop (v2sf)  }
0xbc: {  	s23 =	sand.u32 $0x1FFFFFF0, s23;
	s26 =	sand.u32 $0x1FFFFFF0, s22;
	s22 =	sshll.u32 s24, $0x4  }
0xbd: {  	s28 =	sshll.u32 s28, $0x4;
	s24 =	spop (v2sf);
	s22 =	sand.u32 $0x1FFFFFF0, s22  }
0xbe: {  	s28 =	sand.u32 $0x1FFFFFF0, s28;
	s16 =	spop (v2sf);
	s22 =	sadd.s32 s3, s22  }
0xbf: {  	[tilespmem:s2], [sflag:$0x1] =	stream.linear.gather [hbm4b:s22+s1], $0x80, $0x38;
	[tilespmem:$0x10400] =	vst v63  }
0xc0: {  	s12 =	sshll.u32 s24, $0x4;
	(v2sf) =	vpush v51, $0xF;
	s2 =	sadd.s32 s4, s13;
	s24 =	spop (v2sf)  }
0xc1: {  	s22 =	sadd.s32 s3, s23;
	s21 =	sshll.u32 s24, $0x4;
	s13 =	spop (v2sf)  }
0xc2: {  	(v2sf) =	vpush v54, $0xF;
	[tilespmem:s25], [sflag:$0x1] =	stream.linear.gather [hbm4b:s2+s1], $0x80, $0x38;
	[tilespmem:$0x10400] =	vst v63  }
0xc3: {  	s24 =	rddreg [dreg:$0x11];
	s2 =	sand.u32 $0x1FFFFFF0, s21;
	s23 =	spop (v2sf)  }
0xc4: {  	[tilespmem:s24], [sflag:$0x1] =	stream.linear.gather [hbm4b:s22+s1], $0x80, $0x38;
	[tilespmem:$0x10400] =	vst v63  }
0xc5: {  	s0 =	sadd.s32 s3, s2;
	s2 =	sshll.u32 s23, $0x4;
	s23 =	rddreg [dreg:$0xd]  }
0xc6: {  	[tilespmem:s23], [sflag:$0x1] =	stream.linear.gather [hbm4b:s6+s1], $0x80, $0x38;
	[tilespmem:$0x10400] =	vst v63  }
0xc7: {  	s16 =	sshll.u32 s16, $0x4;
	s22 =	sadd.s32 s4, s28;
	s21 =	sand.u32 $0x1FFFFFF0, s2  }
0xc8: {  	(v2sf) =	vpush v55, $0xF;
	[tilespmem:s9], [sflag:$0x1] =	stream.linear.gather [hbm4b:s0+s1], $0x80, $0x38;
	[tilespmem:$0x10400] =	vst v63  }
0xc9: {  	s25 =	spop (v2sf);
	s9 =	sand.u32 $0x1FFFFFF0, s16;
	s0 =	sadd.s32 $0x8A00, s18  }
0xca: {  	(v2sf) =	vpush v56, $0xF;
	s24 =	sshll.u32 s25, $0x4;
	s25 =	sshll.u32 s13, $0x4;
	s13 =	sadd.s32 s3, s26  }
0xcb: {  	s9 =	sadd.s32 s3, s9;
	s6 =	sand.u32 $0x1FFFFFF0, s24;
	s2 =	sand.u32 $0x1FFFFFF0, s25  }
0xcc: {  	[tilespmem:s14], [sflag:$0x1] =	stream.linear.gather [hbm4b:s11+s1], $0x80, $0x38;
	[tilespmem:$0x10400] =	vst v63  }
0xcd: {  	v58, _, _ =	vpop (xrf0);
	(v2sf) =	vpush v3, $0xF;
	s14 =	sand.u32 $0x1FFFFFF0, s12;
	s24 =	rddreg [dreg:$0xf];
	s25 =	sadd.s32 s3, s8  }
0xce: {  	(v2sf) =	vpush v58, $0xF;
	[tilespmem:s15], [sflag:$0x1] =	stream.linear.gather [hbm4b:s13+s1], $0x80, $0x38;
	[tilespmem:$0x10400] =	vst v63  }
0xcf: {  	v59, _, _ =	vpop (xrf0);
	s13 =	sadd.s32 s4, s14;
	s15 =	sadd.s32 s3, s6;
	s23 =	spop (v2sf)  }
0xd0: {  	v60, _, _ =	vpop (xrf0);
	(v2sf) =	vpush v59, $0xF;
	[tilespmem:s24], [sflag:$0x1] =	stream.linear.gather [hbm4b:s22+s1], $0x80, $0x38;
	[tilespmem:$0x10400] =	vst v63  }
0xd1: {  	(v2sf) =	vpush v60, $0xF;
	s22 =	rddreg [dreg:$0x9];
	s26 =	sshll.u32 s23, $0x4;
	s28 =	spop (v2sf)  }
0xd2: {  	[tilespmem:s10], [sflag:$0x1] =	stream.linear.gather [hbm4b:s25+s1], $0x80, $0x38;
	[tilespmem:$0x10400] =	vst v63  }
0xd3: {  	v43 =	vsel vm12, $0x0, v1;
	s8 =	sand.u32 $0x1FFFFFF0, s26;
	s25 =	sadd.s32 s3, s21;
	s21 =	rddreg [dreg:$0x8]  }
0xd4: {  	v45 =	vxor.u32 $0x80000000, v43;
	[tilespmem:s7], [sflag:$0x1] =	stream.linear.gather [hbm4b:s13+s1], $0x80, $0x38;
	[tilespmem:$0x10400] =	vst v63  }
0xd5: {  	v44 =	vsel vm13, $0x0, v1;
	(xrf0) =	vmax.scan.msk.u32 $0xffff, v45;
	s10 =	sadd.s32 $0x8880, s18;
	s14 =	sshll.u32 s28, $0x4;
	s23 =	sadd.s32 s4, s8  }
0xd6: {  	v46 =	vxor.u32 $0x80000000, v44;
	[tilespmem:s22], [sflag:$0x1] =	stream.linear.gather [hbm4b:s15+s1], $0x80, $0x38;
	[tilespmem:$0x10400] =	vst v63  }
0xd7: {  	v4 =	vsel vm14, $0x0, v0;
	(xrf0) =	vmax.scan.msk.u32 $0xffff, v46;
	s14 =	sand.u32 $0x1FFFFFF0, s14;
	s7 =	sadd.s32 $0xA00, s18;
	s16 =	spop (v2sf)  }
0xd8: {  	v48 =	vsel vm14, $0x0, v1;
	v4 =	vxor.u32 $0x80000000, v4;
	[tilespmem:s5], [sflag:$0x1] =	stream.linear.gather [hbm4b:s23+s1], $0x80, $0x38;
	[tilespmem:$0x10400] =	vst v63  }
0xd9: {  	v50 =	vxor.u32 $0x80000000, v48;
	(xrf0) =	vmax.scan.msk.u32 $0xffff, v4;
	s6 =	sshll.u32 s16, $0x4;
	s15 =	sadd.s32 s3, s2;
	s24 =	spop (v2sf)  }
0xda: {  	v0 =	vsel vm15, $0x0, v0;
	(xrf0) =	vmax.scan.msk.u32 $0xffff, v50;
	s22 =	rddreg [dreg:$0x4];
	s5 =	sand.u32 $0x1FFFFFF0, s6;
	s26 =	sshll.u32 s24, $0x4  }
0xdb: {  	v1 =	vsel vm15, $0x0, v1;
	v0 =	vxor.u32 $0x80000000, v0;
	[tilespmem:s22], [sflag:$0x1] =	stream.linear.gather [hbm4b:s25+s1], $0x80, $0x38;
	[tilespmem:$0x10400] =	vst v63  }
0xdc: {  	v1 =	vxor.u32 $0x80000000, v1;
	(xrf0) =	vmax.scan.msk.u32 $0xffff, v0;
	s11 =	spop (v2sf);
	s25 =	rddreg [dreg:$0x6];
	s28 =	sand.u32 $0x1FFFFFF0, s26  }
0xdd: {  	(xrf0) =	vmax.scan.msk.u32 $0xffff, v1;
	s6 =	sshll.u32 s11, $0x4;
	s12 =	spop (v2sf);
	s23 =	sadd.s32 s4, s28  }
0xde: {  	v61, _, _ =	vpop (xrf0);
	[tilespmem:s25], [sflag:$0x1] =	stream.linear.gather [hbm4b:s23+s1], $0x80, $0x38;
	[tilespmem:$0x10400] =	vst v63  }
.Ltmp0:
0xdf: {  	v62, _, _ =	vpop (xrf0);
	(v2sf) =	vpush v61, $0xF;
	s26 =	sadd.s32 $0x880, s18;
	s13 =	spop (v2sf);
	(pc) =	sbr.rel @p0 .LBB2_2-.Ltmp0, $4  }
0xe0: {  	v63, _, _ =	vpop (xrf0);
	(v2sf) =	vpush v62, $0xF;
	s11 =	sshll.u32 s12, $0x4;
	s6 =	sand.u32 $0x1FFFFFF0, s6;
	s24 =	spop (v2sf)  }
0xe1: {  	v2, _, _ =	vpop (xrf0);
	(v2sf) =	vpush v63, $0xF;
	[tilespmem:s26], [sflag:$0x1] =	stream.linear.gather [hbm4b:s15+s1], $0x80, $0x38;
	[tilespmem:$0x10400] =	vst v63  }
0xe2: {  	v1, _, _ =	vpop (xrf0);
	s11 =	sand.u32 $0x1FFFFFF0, s11;
	s16 =	sshll.u32 s13, $0x4;
	(v2sf) =	vpush v2, $0xF;
	s28 =	sshll.u32 s24, $0x4  }
0xe3: {  	v0, _, _ =	vpop (xrf0);
	s2 =	sand.u32 $0x1FFFFFF0, s16;
	s11 =	sadd.s32 s4, s11;
	(v2sf) =	vpush v1, $0xF;
	s8 =	sand.u32 $0x1FFFFFF0, s28  }
0xe4: {  	_ = 	snop  }
0xe5: {  	[tilespmem:s10], [sflag:$0x1] =	stream.linear.gather [hbm4b:s11+s1], $0x80, $0x38;
	[tilespmem:$0x10400] =	vst v63  }
0xe6: {  	s20 =	sadd.s32 $0x900, s18  }
0xe7: {  	[tilespmem:s20], [sflag:$0x1] =	stream.linear.gather [hbm4b:s9+s1], $0x80, $0x38;
	[tilespmem:$0x10400] =	vst v63  }
0xe8: {  	s23 =	sadd.s32 $0x8900, s18;
	s2 =	sadd.s32 s4, s2  }
0xe9: {  	[tilespmem:s23], [sflag:$0x1] =	stream.linear.gather [hbm4b:s2+s1], $0x80, $0x38;
	[tilespmem:$0x10400] =	vst v63  }
0xea: {  	(v2sf) =	vpush v0, $0xF;
	s25 =	sadd.s32 s3, s14  }
0xeb: {  	[tilespmem:s21], [sflag:$0x1] =	stream.linear.gather [hbm4b:s25+s1], $0x80, $0x38;
	[tilespmem:$0x10400] =	vst v63  }
0xec: {  	s22 =	sadd.s32 $0x8980, s18;
	s8 =	sadd.s32 s4, s8  }
0xed: {  	[tilespmem:s22], [sflag:$0x1] =	stream.linear.gather [hbm4b:s8+s1], $0x80, $0x38;
	[tilespmem:$0x10400] =	vst v63  }
0xee: {  	s14 =	sadd.s32 s3, s5;
	s12 =	spop (v2sf)  }
0xef: {  	[tilespmem:s7], [sflag:$0x1] =	stream.linear.gather [hbm4b:s14+s1], $0x80, $0x38;
	[tilespmem:$0x10400] =	vst v63  }
0xf0: {  	s28 =	spop (v2sf)  }
0xf1: {  	s21 =	sadd.s32 s3, s6;
	s24 =	sshll.u32 s12, $0x4;
	s12 =	sshll.u32 s28, $0x4  }
0xf2: {  	s26 =	sand.u32 $0x1FFFFFF0, s24;
	s13 =	spop (v2sf);
	s15 =	sand.u32 $0x1FFFFFF0, s12  }
0xf3: {  	s16 =	sshll.u32 s13, $0x4;
	s17 =	sadd.s32 s4, s26;
	s20 =	spop (v2sf)  }
0xf4: {  	[tilespmem:s0], [sflag:$0x1] =	stream.linear.gather [hbm4b:s17+s1], $0x80, $0x38;
	[tilespmem:$0x10400] =	vst v63  }
0xf5: {  	s19 =	sand.u32 $0x1FFFFFF0, s16;
	s22 =	sshll.u32 s20, $0x4;
	s23 =	spop (v2sf)  }
0xf6: {  	[tilespmem:s31], [sflag:$0x1] =	stream.linear.gather [hbm4b:s21+s1], $0x80, $0x38;
	[tilespmem:$0x10400] =	vst v63  }
0xf7: {  	s24 =	sadd.s32 s4, s15;
	s2 =	sand.u32 $0x1FFFFFF0, s22;
	s25 =	sshll.u32 s23, $0x4  }
0xf8: {  	[tilespmem:s30], [sflag:$0x1] =	stream.linear.gather [hbm4b:s24+s1], $0x80, $0x38;
	[tilespmem:$0x10400] =	vst v63  }
0xf9: {  	s26 =	sadd.s32 s3, s19;
	s28 =	spop (v2sf);
	s5 =	sand.u32 $0x1FFFFFF0, s25  }
0xfa: {  	[tilespmem:s29], [sflag:$0x1] =	stream.linear.gather [hbm4b:s26+s1], $0x80, $0x38;
	[tilespmem:$0x10400] =	vst v63  }
0xfb: {  	s31 =	sadd.s32 $0x8B00, s18;
	s2 =	sadd.s32 s4, s2;
	s6 =	sshll.u32 s28, $0x4  }
0xfc: {  	[tilespmem:s31], [sflag:$0x1] =	stream.linear.gather [hbm4b:s2+s1], $0x80, $0x38;
	[tilespmem:$0x10400] =	vst v63  }
0xfd: {  	s5 =	sadd.s32 s3, s5;
	s7 =	sand.u32 $0x1FFFFFF0, s6;
	s2 =	sadd.s32 $0xB80, s18  }
0xfe: {  	[tilespmem:s2], [sflag:$0x1] =	stream.linear.gather [hbm4b:s5+s1], $0x80, $0x38;
	[tilespmem:$0x10400] =	vst v63  }
0xff: {  	s10 =	simm.s32 $0x1;
	s8 =	sadd.s32 $0x8B80, s18;
	s9 =	sadd.s32 s4, s7  }
0x100: {  	[tilespmem:s8], [sflag:$0x1] =	stream.linear.gather [hbm4b:s9+s1], $0x80, $0x38;
	[tilespmem:$0x10400] =	vst v63  }
0x101: {  	_ =	swait.ge [sflag:s10], $0x8000  }
0x102: {  	[sflag:s10] =	ssyncset.done $0x0  }
0x103: {  	[sflag:s10] =	ssyncadd.s32 $0xFFFF8000  }
0x104: {  	_ =	swait.ge [sflag:s10], $0x8000  }
0x105: {  	s11 =	simm.s32 $0x0;
	s14 =	simm.s32 $0x2;
	[sflag:s10] =	ssyncset.done $0x0  }
0x106: {  	s13 =	simm.s32 $0x400;
	s12 =	rddreg [dreg:$0x14];
	[sflag:s10] =	ssyncadd.s32 $0xFFFF8000  }
0x107: {  	[hbm4b:s12+s11] =	stream.linear.scatter [tilespmem:s13], [sflag:$0x2], $0x8000, $0x38;
	[tilespmem:$0x10400] =	vst v63  }
0x108: {  	_ =	swait.ge [sflag:s14], $0x8000  }
0x109: {  	[sflag:s14] =	ssyncset.done $0x0  }
0x10a: {  	s16 =	simm.s32 $0x8400;
	s15 =	rddreg [dreg:$0x15];
	[sflag:s14] =	ssyncadd.s32 $0xFFFF8000  }
0x10b: {  	[hbm4b:s15+s11] =	stream.linear.scatter [tilespmem:s16], [sflag:$0x2], $0x8000, $0x38;
	[tilespmem:$0x10400] =	vst v63  }
0x10c: {  	_ =	swait.ge [sflag:s14], $0x8000  }
0x10d: {  	[sflag:s14] =	ssyncset.done $0x0  }
0x10e: {  	s17 =	simm.s32 $0x100;
	[sflag:s14] =	ssyncadd.s32 $0xFFFF8000  }
0x10f: {  	v1 =	vld [tilespmem:s17+$0x0]  }
0x110: {  	s18 =	simm.s32 $0x300  }
0x111: {  	v0 =	vld [tilespmem:s18+$0x0];
	_ =	sdelay $0x2  }
0x112: {  	v2 =	vnsel vm0, $0x0, v1  }
0x113: {  	v3 =	vsel vm1, $0x0, v1;
	v2 =	vxor.u32 $0x80000000, v2  }
0x114: {  	v4 =	vnsel vm0, $0x0, v0;
	v3 =	vxor.u32 $0x80000000, v3;
	(xrf0) =	vmax.scan.msk.u32 $0xffff, v2  }
0x115: {  	v44 =	vsel vm1, $0x0, v0;
	v2 =	vxor.u32 $0x80000000, v4;
	(xrf0) =	vmax.scan.msk.u32 $0xffff, v3  }
0x116: {  	v45 =	vsel vm2, $0x0, v0;
	v3 =	vxor.u32 $0x80000000, v44;
	(xrf0) =	vmax.scan.msk.u32 $0xffff, v2  }
0x117: {  	v4 =	vxor.u32 $0x80000000, v45;
	(xrf0) =	vmax.scan.msk.u32 $0xffff, v3  }
0x118: {  	(xrf0) =	vmax.scan.msk.u32 $0xffff, v4  }
0x119: {  	v2 =	vsel vm4, $0x0, v1  }
0x11a: {  	v46 =	vsel vm4, $0x0, v0;
	v2 =	vxor.u32 $0x80000000, v2;
	v3 =	vsel vm3, $0x0, v0;
	v5, _, _ =	vpop (xrf0)  }
0x11b: {  	v47 =	vsel vm5, $0x0, v0;
	v3 =	vxor.u32 $0x80000000, v3;
	(xrf0) =	vmax.scan.msk.u32 $0xffff, v2;
	v6, _, _ =	vpop (xrf0);
	(v2sf) =	vpush v5, $0xF  }
0x11c: {  	v4 =	vxor.u32 $0x80000000, v46;
	v2 =	vsel vm3, $0x0, v1;
	(xrf0) =	vmax.scan.msk.u32 $0xffff, v3;
	v48, _, _ =	vpop (xrf0);
	(v2sf) =	vpush v6, $0xF  }
0x11d: {  	v2 =	vxor.u32 $0x80000000, v2;
	v3 =	vsel vm5, $0x0, v1;
	(xrf0) =	vmax.scan.msk.u32 $0xffff, v4;
	v49, _, _ =	vpop (xrf0);
	(v2sf) =	vpush v48, $0xF  }
0x11e: {  	v3 =	vxor.u32 $0x80000000, v3;
	(xrf0) =	vmax.scan.msk.u32 $0xffff, v2;
	v2 =	vsel vm6, $0x0, v1;
	v50, _, _ =	vpop (xrf0);
	(v2sf) =	vpush v49, $0xF  }
0x11f: {  	v4 =	vxor.u32 $0x80000000, v47;
	(xrf0) =	vmax.scan.msk.u32 $0xffff, v3;
	v2 =	vxor.u32 $0x80000000, v2;
	(v2sf) =	vpush v50, $0xF  }
0x120: {  	(xrf0) =	vmax.scan.msk.u32 $0xffff, v4  }
0x121: {  	v3 =	vsel vm6, $0x0, v0;
	v51, _, _ =	vpop (xrf0);
	(xrf0) =	vmax.scan.msk.u32 $0xffff, v2  }
0x122: {  	v52 =	vsel vm7, $0x0, v0;
	v53 =	vsel vm2, $0x0, v1;
	v3 =	vxor.u32 $0x80000000, v3;
	v2, _, _ =	vpop (xrf0)  }
0x123: {  	v6 =	vxor.u32 $0x80000000, v52;
	(xrf0) =	vmax.scan.msk.u32 $0xffff, v3;
	v3 =	vxor.u32 $0x80000000, v53;
	(v2sf) =	vpush v2, $0xF;
	v2, _, _ =	vpop (xrf0)  }
0x124: {  	(xrf0) =	vmax.scan.msk.u32 $0xffff, v6;
	v54, _, _ =	vpop (xrf0)  }
0x125: {  	(v2sf) =	vpush v2, $0xF;
	(xrf0) =	vmax.scan.msk.u32 $0xffff, v3;
	v2, _, _ =	vpop (xrf0)  }
0x126: {  	(v2sf) =	vpush v54, $0xF;
	v3, _, _ =	vpop (xrf0)  }
0x127: {  	(v2sf) =	vpush v2, $0xF;
	v2, _, _ =	vpop (xrf0)  }
0x128: {  	s0 =	simm.s32 $0x780;
	s21 =	simm.s32 $0x980;
	s25 =	simm.s32 $0x480;
	(v2sf) =	vpush v2, $0xF  }
0x129: {  	s6 =	simm.s32 $0x8580;
	s24 =	simm.s32 $0x400;
	s30 =	simm.s32 $0xA80;
	v2, _, _ =	vpop (xrf0);
	(v2sf) =	vpush v3, $0xF;
	v3 =	vsel vm9, $0x0, v1  }
0x12a: {  	s12 =	simm.s32 $0x800;
	s11 =	simm.s32 $0x8480;
	v57 =	vsel vm10, $0x0, v1;
	v55, _, _ =	vpop (xrf0);
	v3 =	vxor.u32 $0x80000000, v3;
	s19 =	spop (v2sf)  }
0x12b: {  	s15 =	simm.s32 $0x8400;
	s17 =	simm.s32 $0x2000;
	v6 =	vxor.u32 $0x80000000, v57;
	v56, _, _ =	vpop (xrf0);
	(xrf0) =	vmax.scan.msk.u32 $0xffff, v3;
	s20 =	spop (v2sf)  }
0x12c: {  	s18 =	simm.s32 $0x0;
	(v2sf) =	vpush v56, $0xF;
	(xrf0) =	vmax.scan.msk.u32 $0xffff, v6;
	s2 =	sshll.u32 s19, $0x4;
	s22 =	spop (v2sf)  }
0x12d: {  	s2 =	sand.u32 $0x1FFFFFF0, s2;
	s19 =	sshll.u32 s20, $0x4;
	s23 =	spop (v2sf)  }
0x12e: {  	s2 =	sadd.s32 s3, s2;
	s8 =	sshll.u32 s22, $0x4;
	s13 =	spop (v2sf)  }
0x12f: {  	(v2sf) =	vpush v2, $0xF;
	v2 =	vsel vm11, $0x0, v1;
	[tilespmem:s24], [sflag:$0x1] =	stream.linear.gather [hbm4b:s2+s1], $0x80, $0x38;
	[tilespmem:$0x10400] =	vst v63  }
0x130: {  	s20 =	simm.s32 $0x580;
	s28 =	sand.u32 $0x1FFFFFF0, s19;
	s26 =	sand.u32 $0x1FFFFFF0, s8;
	v2 =	vxor.u32 $0x80000000, v2  }
0x131: {  	v7 =	vsel vm12, $0x0, v1;
	s29 =	sshll.u32 s23, $0x4;
	s2 =	simm.s32 $0x8800;
	v3, _, _ =	vpop (xrf0);
	s14 =	sadd.s32 s4, s26;
	(xrf0) =	vmax.scan.msk.u32 $0xffff, v2  }
0x132: {  	v58 =	vxor.u32 $0x80000000, v7;
	v6, _, _ =	vpop (xrf0);
	v2 =	vsel vm8, $0x0, v0;
	[tilespmem:s15], [sflag:$0x1] =	stream.linear.gather [hbm4b:s14+s1], $0x80, $0x38;
	[tilespmem:$0x10400] =	vst v63  }
0x133: {  	s23 =	simm.s32 $0x500;
	s13 =	sshll.u32 s13, $0x4;
	s10 =	spop (v2sf);
	(v2sf) =	vpush v6, $0xF;
	(xrf0) =	vmax.scan.msk.u32 $0xffff, v58;
	v2 =	vxor.u32 $0x80000000, v2  }
0x134: {  	v59 =	vsel vm13, $0x0, v1;
	s15 =	sand.u32 $0x1FFFFFF0, s29;
	s14 =	sadd.s32 s3, s28;
	s7 =	spop (v2sf);
	(xrf0) =	vmax.scan.msk.u32 $0xffff, v2  }
0x135: {  	v4 =	vxor.u32 $0x80000000, v59;
	(v2sf) =	vpush v51, $0xF;
	v2 =	vsel vm7, $0x0, v1;
	[tilespmem:s25], [sflag:$0x1] =	stream.linear.gather [hbm4b:s14+s1], $0x80, $0x38;
	[tilespmem:$0x10400] =	vst v63  }
0x136: {  	s24 =	sand.u32 $0x1FFFFFF0, s13;
	s22 =	sadd.s32 s4, s15;
	s16 =	spop (v2sf);
	(xrf0) =	vmax.scan.msk.u32 $0xffff, v4;
	v2 =	vxor.u32 $0x80000000, v2  }
0x137: {  	v60 =	vsel vm8, $0x0, v1;
	s15 =	sadd.s32 s4, s24;
	s28 =	sshll.u32 s10, $0x4;
	s8 =	spop (v2sf);
	(xrf0) =	vmax.scan.msk.u32 $0xffff, v2  }
0x138: {  	v2 =	vxor.u32 $0x80000000, v60;
	[tilespmem:s11], [sflag:$0x1] =	stream.linear.gather [hbm4b:s22+s1], $0x80, $0x38;
	[tilespmem:$0x10400] =	vst v63  }
0x139: {  	s24 =	simm.s32 $0xB00;
	s25 =	simm.s32 $0x8500;
	(v2sf) =	vpush v3, $0xF;
	s5 =	spop (v2sf)  }
0x13a: {  	s29 =	sand.u32 $0x1FFFFFF0, s28;
	s28 =	simm.s32 $0x8700;
	(xrf0) =	vmax.scan.msk.u32 $0xffff, v2;
	s9 =	spop (v2sf)  }
0x13b: {  	s26 =	sshll.u32 s16, $0x4;
	s14 =	sadd.s32 s4, s29;
	v2, _, _ =	vpop (xrf0);
	s31 =	spop (v2sf)  }
0x13c: {  	s11 =	simm.s32 $0x8680;
	s16 =	sand.u32 $0x1FFFFFF0, s26;
	v61, _, _ =	vpop (xrf0);
	s19 =	sshll.u32 s31, $0x4  }
0x13d: {  	s22 =	simm.s32 $0x8600;
	s8 =	sshll.u32 s8, $0x4;
	v62, _, _ =	vpop (xrf0);
	s19 =	sand.u32 $0x1FFFFFF0, s19  }
0x13e: {  	s16 =	sadd.s32 s3, s16;
	s5 =	sshll.u32 s5, $0x4;
	v63, _, _ =	vpop (xrf0);
	s19 =	sadd.s32 s3, s19  }
0x13f: {  	v8, _, _ =	vpop (xrf0);
	[tilespmem:s23], [sflag:$0x1] =	stream.linear.gather [hbm4b:s19+s1], $0x80, $0x38;
	[tilespmem:$0x10400] =	vst v63  }
0x140: {  	s26 =	sshll.u32 s9, $0x4;
	s5 =	sand.u32 $0x1FFFFFF0, s5;
	v3, _, _ =	vpop (xrf0);
	s13 =	spop (v2sf)  }
0x141: {  	(v2sf) =	vpush v3, $0xF;
	[tilespmem:s25], [sflag:$0x1] =	stream.linear.gather [hbm4b:s15+s1], $0x80, $0x38;
	[tilespmem:$0x10400] =	vst v63  }
0x142: {  	s9 =	simm.s32 $0x700;
	s29 =	sand.u32 $0x1FFFFFF0, s26;
	s10 =	spop (v2sf)  }
0x143: {  	(v2sf) =	vpush v8, $0xF;
	[tilespmem:s20], [sflag:$0x1] =	stream.linear.gather [hbm4b:s16+s1], $0x80, $0x38;
	[tilespmem:$0x10400] =	vst v63  }
0x144: {  	s5 =	sadd.s32 s3, s5;
	s19 =	simm.s32 $0x310;
	(v2sf) =	vpush v55, $0xF;
	s31 =	spop (v2sf)  }
0x145: {  	s23 =	simm.s32 $0x680;
	s25 =	sand.u32 $0x1FFFFFF0, s8;
	s15 =	sshll.u32 s31, $0x4  }
0x146: {  	v3 =	vsel vm9, $0x0, v0;
	(v2sf) =	vpush v2, $0xF;
	[tilespmem:s6], [sflag:$0x1] =	stream.linear.gather [hbm4b:s14+s1], $0x80, $0x38;
	[tilespmem:$0x10400] =	vst v63  }
0x147: {  	s16 =	simm.s32 $0x600;
	v2 =	vxor.u32 $0x80000000, v3;
	(v2sf) =	vpush v61, $0xF;
	s14 =	sshll.u32 s7, $0x4;
	s15 =	sand.u32 $0x1FFFFFF0, s15  }
0x148: {  	(xrf0) =	vmax.scan.msk.u32 $0xffff, v2;
	v2 =	vsel vm10, $0x0, v0;
	s31 =	spop (v2sf);
	s6 =	sand.u32 $0x1FFFFFF0, s14;
	s7 =	sadd.s32 s3, s15  }
0x149: {  	v2 =	vxor.u32 $0x80000000, v2;
	(v2sf) =	vpush v62, $0xF;
	[tilespmem:s16], [sflag:$0x1] =	stream.linear.gather [hbm4b:s7+s1], $0x80, $0x38;
	[tilespmem:$0x10400] =	vst v63  }
0x14a: {  	s20 =	simm.s32 $0x110;
	v3 =	vsel vm11, $0x0, v0;
	(xrf0) =	vmax.scan.msk.u32 $0xffff, v2;
	s8 =	sshll.u32 s31, $0x4;
	s6 =	sadd.s32 s4, s6  }
0x14b: {  	v3 =	vxor.u32 $0x80000000, v3;
	[tilespmem:s22], [sflag:$0x1] =	stream.linear.gather [hbm4b:s6+s1], $0x80, $0x38;
	[tilespmem:$0x10400] =	vst v63  }
0x14c: {  	s14 =	simm.s32 $0x8A80;
	(xrf0) =	vmax.scan.msk.u32 $0xffff, v3;
	s26 =	sand.u32 $0x1FFFFFF0, s8;
	s7 =	sadd.s32 s3, s25  }
0x14d: {  	[tilespmem:s23], [sflag:$0x1] =	stream.linear.gather [hbm4b:s7+s1], $0x80, $0x38;
	[tilespmem:$0x10400] =	vst v63  }
0x14e: {  	s15 =	sshll.u32 s13, $0x4;
	s26 =	sadd.s32 s3, s26;
	s7 =	sadd.s32 s4, s29  }
0x14f: {  	[tilespmem:s11], [sflag:$0x1] =	stream.linear.gather [hbm4b:s7+s1], $0x80, $0x38;
	[tilespmem:$0x10400] =	vst v63  }
0x150: {  	(v2sf) =	vpush v63, $0xF;
	s23 =	sshll.u32 s10, $0x4;
	s7 =	sand.u32 $0x1FFFFFF0, s15;
	s11 =	spop (v2sf)  }
0x151: {  	v2, _, _ =	vpop (xrf0);
	[tilespmem:s9], [sflag:$0x1] =	stream.linear.gather [hbm4b:s5+s1], $0x80, $0x38;
	[tilespmem:$0x10400] =	vst v63  }
0x152: {  	s13 =	sand.u32 $0x1FFFFFF0, s23;
	(v2sf) =	vpush v2, $0xF;
	v2, _, _ =	vpop (xrf0);
	s7 =	sadd.s32 s4, s7;
	s16 =	spop (v2sf)  }
0x153: {  	s9 =	sshll.u32 s11, $0x4;
	(v2sf) =	vpush v2, $0xF;
	v2, _, _ =	vpop (xrf0);
	s11 =	sshll.u32 s16, $0x4;
	s25 =	spop (v2sf)  }
0x154: {  	(v2sf) =	vpush v2, $0xF;
	v2 =	vsel vm12, $0x0, v0;
	[tilespmem:s28], [sflag:$0x1] =	stream.linear.gather [hbm4b:s7+s1], $0x80, $0x38;
	[tilespmem:$0x10400] =	vst v63  }
0x155: {  	s5 =	simm.s32 $0x8780;
	s22 =	sand.u32 $0x1FFFFFF0, s11;
	s28 =	spop (v2sf);
	v2 =	vxor.u32 $0x80000000, v2  }
0x156: {  	v3 =	vsel vm13, $0x0, v0;
	s29 =	sshll.u32 s25, $0x4;
	s6 =	sadd.s32 s3, s22;
	(xrf0) =	vmax.scan.msk.u32 $0xffff, v2;
	s8 =	spop (v2sf)  }
0x157: {  	v3 =	vxor.u32 $0x80000000, v3;
	v2 =	vsel vm14, $0x0, v1;
	[tilespmem:s0], [sflag:$0x1] =	stream.linear.gather [hbm4b:s6+s1], $0x80, $0x38;
	[tilespmem:$0x10400] =	vst v63  }
0x158: {  	s9 =	sand.u32 $0x1FFFFFF0, s9;
	s31 =	sand.u32 $0x1FFFFFF0, s29;
	(xrf0) =	vmax.scan.msk.u32 $0xffff, v3;
	s10 =	spop (v2sf);
	v2 =	vxor.u32 $0x80000000, v2  }
0x159: {  	s9 =	sadd.s32 s3, s9;
	s6 =	sadd.s32 s4, s31;
	v3 =	vsel vm14, $0x0, v0;
	(xrf0) =	vmax.scan.msk.u32 $0xffff, v2;
	s15 =	sshll.u32 s10, $0x4  }
0x15a: {  	v3 =	vxor.u32 $0x80000000, v3;
	[tilespmem:s5], [sflag:$0x1] =	stream.linear.gather [hbm4b:s6+s1], $0x80, $0x38;
	[tilespmem:$0x10400] =	vst v63  }
0x15b: {  	s11 =	simm.s32 $0x8880;
	s7 =	sshll.u32 s28, $0x4;
	v1 =	vsel vm15, $0x0, v1;
	(xrf0) =	vmax.scan.msk.u32 $0xffff, v3;
	s16 =	sand.u32 $0x1FFFFFF0, s15  }
0x15c: {  	v0 =	vsel vm15, $0x0, v0;
	v1 =	vxor.u32 $0x80000000, v1;
	[tilespmem:s12], [sflag:$0x1] =	stream.linear.gather [hbm4b:s9+s1], $0x80, $0x38;
	[tilespmem:$0x10400] =	vst v63  }
0x15d: {  	s28 =	simm.s32 $0x880;
	s0 =	sand.u32 $0x1FFFFFF0, s7;
	v0 =	vxor.u32 $0x80000000, v0;
	(xrf0) =	vmax.scan.msk.u32 $0xffff, v1;
	s10 =	sadd.s32 s4, s16  }
0x15e: {  	[tilespmem:s2], [sflag:$0x1] =	stream.linear.gather [hbm4b:s10+s1], $0x80, $0x38;
	[tilespmem:$0x10400] =	vst v63  }
0x15f: {  	s7 =	sshll.u32 s8, $0x4;
	s8 =	simm.s32 $0xA00;
	s22 =	spop (v2sf);
	(xrf0) =	vmax.scan.msk.u32 $0xffff, v0  }
0x160: {  	v0, _, _ =	vpop (xrf0);
	[tilespmem:s28], [sflag:$0x1] =	stream.linear.gather [hbm4b:s26+s1], $0x80, $0x38;
	[tilespmem:$0x10400] =	vst v63  }
0x161: {  	s6 =	sand.u32 $0x1FFFFFF0, s7;
	s7 =	sshll.u32 s22, $0x4;
	v1, _, _ =	vpop (xrf0);
	(v2sf) =	vpush v0, $0xF;
	s23 =	spop (v2sf)  }
0x162: {  	s5 =	simm.s32 $0x8A00;
	s7 =	sand.u32 $0x1FFFFFF0, s7;
	v0, _, _ =	vpop (xrf0);
	(v2sf) =	vpush v1, $0xF;
	s25 =	spop (v2sf)  }
0x163: {  	s10 =	sadd.s32 s3, s13;
	v1, _, _ =	vpop (xrf0);
	s9 =	sshll.u32 s23, $0x4;
	(v2sf) =	vpush v0, $0xF;
	s29 =	spop (v2sf)  }
0x164: {  	v2, _, _ =	vpop (xrf0);
	s9 =	sand.u32 $0x1FFFFFF0, s9;
	s2 =	sshll.u32 s25, $0x4;
	(v2sf) =	vpush v1, $0xF;
	s31 =	sshll.u32 s29, $0x4  }
0x165: {  	v0, _, _ =	vpop (xrf0);
	s2 =	sand.u32 $0x1FFFFFF0, s2;
	(v2sf) =	vpush v2, $0xF;
	s12 =	sadd.s32 s4, s9;
	s9 =	sand.u32 $0x1FFFFFF0, s31  }
.LBB2_4:
0x166: {  	_ = 	snop  }
0x167: {  	[tilespmem:s11], [sflag:$0x1] =	stream.linear.gather [hbm4b:s12+s1], $0x80, $0x38;
	[tilespmem:$0x10400] =	vst v63  }
0x168: {  	s23 =	sadd.s32 $0x900, s18  }
0x169: {  	[tilespmem:s23], [sflag:$0x1] =	stream.linear.gather [hbm4b:s10+s1], $0x80, $0x38;
	[tilespmem:$0x10400] =	vst v63  }
0x16a: {  	s26 =	sadd.s32 $0x8900, s18;
	s2 =	sadd.s32 s4, s2  }
0x16b: {  	[tilespmem:s26], [sflag:$0x1] =	stream.linear.gather [hbm4b:s2+s1], $0x80, $0x38;
	[tilespmem:$0x10400] =	vst v63  }
0x16c: {  	s0 =	sadd.s32 s3, s0  }
0x16d: {  	[tilespmem:s21], [sflag:$0x1] =	stream.linear.gather [hbm4b:s0+s1], $0x80, $0x38;
	[tilespmem:$0x10400] =	vst v63  }
0x16e: {  	s25 =	sadd.s32 $0x8980, s18;
	s9 =	sadd.s32 s4, s9  }
0x16f: {  	[tilespmem:s25], [sflag:$0x1] =	stream.linear.gather [hbm4b:s9+s1], $0x80, $0x38;
	[tilespmem:$0x10400] =	vst v63  }
0x170: {  	s13 =	spop (v2sf)  }
0x171: {  	s25 =	sadd.s32 s3, s7;
	(v2sf) =	vpush v0, $0xF;
	s28 =	sshll.u32 s13, $0x4;
	s31 =	spop (v2sf)  }
0x172: {  	s13 =	sadd.s32 s3, s6;
	s29 =	sand.u32 $0x1FFFFFF0, s28;
	s11 =	spop (v2sf)  }
0x173: {  	[tilespmem:s8], [sflag:$0x1] =	stream.linear.gather [hbm4b:s13+s1], $0x80, $0x38;
	[tilespmem:$0x10400] =	vst v63  }
0x174: {  	s10 =	sshll.u32 s31, $0x4;
	s16 =	sshll.u32 s11, $0x4;
	s21 =	sadd.s32 s4, s29  }
0x175: {  	[tilespmem:s5], [sflag:$0x1] =	stream.linear.gather [hbm4b:s21+s1], $0x80, $0x38;
	[tilespmem:$0x10400] =	vst v63  }
0x176: {  	s15 =	sand.u32 $0x1FFFFFF0, s10;
	s23 =	spop (v2sf);
	s22 =	sand.u32 $0x1FFFFFF0, s16  }
0x177: {  	[tilespmem:s30], [sflag:$0x1] =	stream.linear.gather [hbm4b:s25+s1], $0x80, $0x38;
	[tilespmem:$0x10400] =	vst v63  }
0x178: {  	s26 =	sshll.u32 s23, $0x4;
	s28 =	spop (v2sf);
	s29 =	sadd.s32 s4, s15  }
0x179: {  	[tilespmem:s14], [sflag:$0x1] =	stream.linear.gather [hbm4b:s29+s1], $0x80, $0x38;
	[tilespmem:$0x10400] =	vst v63  }
0x17a: {  	s5 =	sand.u32 $0x1FFFFFF0, s26;
	s31 =	sshll.u32 s28, $0x4;
	s7 =	sadd.s32 s3, s22  }
0x17b: {  	[tilespmem:s24], [sflag:$0x1] =	stream.linear.gather [hbm4b:s7+s1], $0x80, $0x38;
	[tilespmem:$0x10400] =	vst v63  }
0x17c: {  	s10 =	sadd.s32 $0x8B00, s18;
	s8 =	sand.u32 $0x1FFFFFF0, s31;
	s5 =	sadd.s32 s4, s5  }
0x17d: {  	[tilespmem:s10], [sflag:$0x1] =	stream.linear.gather [hbm4b:s5+s1], $0x80, $0x38;
	[tilespmem:$0x10400] =	vst v63  }
0x17e: {  	s11 =	sadd.s32 $0xB80, s18;
	s2 =	sadd.s32 s3, s8  }
0x17f: {  	[tilespmem:s11], [sflag:$0x1] =	stream.linear.gather [hbm4b:s2+s1], $0x80, $0x38;
	[tilespmem:$0x10400] =	vst v63  }
0x180: {  	s9 =	spop (v2sf)  }
0x181: {  	s6 =	sshll.u32 s9, $0x4  }
0x182: {  	s12 =	sand.u32 $0x1FFFFFF0, s6  }
0x183: {  	s13 =	sadd.s32 $0x8B80, s18;
	s14 =	sadd.s32 s4, s12  }
0x184: {  	[tilespmem:s13], [sflag:$0x1] =	stream.linear.gather [hbm4b:s14+s1], $0x80, $0x38;
	[tilespmem:$0x10400] =	vst v63  }
0x185: {  	v0 =	vld [tilespmem:s20+$0x0];
	_ =	sdelay $0x2  }
0x186: {  	v1 =	vld [tilespmem:s19+$0x0];
	_ =	sdelay $0x1  }
0x187: {  	v2 =	vnsel vm0, $0x0, v0  }
0x188: {  	v2 =	vxor.u32 $0x80000000, v2  }
0x189: {  	v3 =	vsel vm1, $0x0, v0;
	(xrf0) =	vmax.scan.msk.u32 $0xffff, v2  }
0x18a: {  	v5 =	vnsel vm0, $0x0, v1;
	v3 =	vxor.u32 $0x80000000, v3  }
0x18b: {  	v5 =	vxor.u32 $0x80000000, v5;
	v2 =	vsel vm1, $0x0, v1;
	(xrf0) =	vmax.scan.msk.u32 $0xffff, v3  }
0x18c: {  	v2 =	vxor.u32 $0x80000000, v2;
	(xrf0) =	vmax.scan.msk.u32 $0xffff, v5  }
0x18d: {  	v3 =	vsel vm2, $0x0, v1;
	(xrf0) =	vmax.scan.msk.u32 $0xffff, v2  }
0x18e: {  	v7 =	vsel vm4, $0x0, v0;
	v3 =	vxor.u32 $0x80000000, v3  }
0x18f: {  	v7 =	vxor.u32 $0x80000000, v7;
	v2 =	vsel vm3, $0x0, v1;
	(xrf0) =	vmax.scan.msk.u32 $0xffff, v3;
	v11, _, _ =	vpop (xrf0)  }
0x190: {  	v2 =	vxor.u32 $0x80000000, v2;
	(xrf0) =	vmax.scan.msk.u32 $0xffff, v7;
	(v2sf) =	vpush v11, $0xF  }
0x191: {  	v9 =	vsel vm4, $0x0, v1;
	(xrf0) =	vmax.scan.msk.u32 $0xffff, v2;
	v26, _, _ =	vpop (xrf0)  }
0x192: {  	v6 =	vsel vm3, $0x0, v0;
	v3 =	vxor.u32 $0x80000000, v9;
	v12, _, _ =	vpop (xrf0);
	(v2sf) =	vpush v26, $0xF  }
0x193: {  	v6 =	vxor.u32 $0x80000000, v6;
	(xrf0) =	vmax.scan.msk.u32 $0xffff, v3;
	(v2sf) =	vpush v12, $0xF;
	v29, _, _ =	vpop (xrf0)  }
0x194: {  	s15 =	smov.u32 s17;
	(xrf0) =	vmax.scan.msk.u32 $0xffff, v6;
	(v2sf) =	vpush v29, $0xF  }
0x195: {  	s18 =	sshra.s32 s15, $0x2;
	v8 =	vsel vm5, $0x0, v0;
	v30, _, _ =	vpop (xrf0)  }
0x196: {  	s0 =	sadd.s32 $0x800, s18;
	v25 =	vsel vm5, $0x0, v1;
	v22 =	vxor.u32 $0x80000000, v8;
	v31, _, _ =	vpop (xrf0)  }
0x197: {  	s16 =	sadd.s32 $0x980, s18;
	[dreg:$0x5] =	wrdreg s0;
	v23 =	vsel vm6, $0x0, v0;
	v7 =	vxor.u32 $0x80000000, v25;
	(xrf0) =	vmax.scan.msk.u32 $0xffff, v22;
	(v2sf) =	vpush v30, $0xF;
	v34, _, _ =	vpop (xrf0)  }
0x198: {  	p0 =	sne.s32 s17, $0x1E000;
	s21 =	sadd.s32 $0x8580, s18;
	[dreg:$0xc] =	wrdreg s16;
	v10 =	vsel vm6, $0x0, v1;
	v8 =	vxor.u32 $0x80000000, v23;
	(xrf0) =	vmax.scan.msk.u32 $0xffff, v7;
	(v2sf) =	vpush v34, $0xF  }
0x199: {  	s17 =	sadd.s32 $0x2000, s17;
	s22 =	sadd.s32 $0x780, s18;
	[dreg:$0xe] =	wrdreg s21;
	v35 =	vsel vm7, $0x0, v1;
	v10 =	vxor.u32 $0x80000000, v10;
	v36, _, _ =	vpop (xrf0);
	(xrf0) =	vmax.scan.msk.u32 $0xffff, v8  }
0x19a: {  	s31 =	sadd.s32 $0x580, s18;
	s23 =	sadd.s32 $0x8800, s18;
	[dreg:$0xa] =	wrdreg s22;
	v37 =	vsel vm2, $0x0, v0;
	v7 =	vxor.u32 $0x80000000, v35;
	v16, _, _ =	vpop (xrf0);
	(xrf0) =	vmax.scan.msk.u32 $0xffff, v10  }
0x19b: {  	s26 =	sadd.s32 $0x8A80, s18;
	s15 =	sadd.s32 $0x680, s18;
	[dreg:$0x7] =	wrdreg s23;
	v13 =	vsel vm9, $0x0, v0;
	v8 =	vxor.u32 $0x80000000, v37;
	(v2sf) =	vpush v36, $0xF;
	(xrf0) =	vmax.scan.msk.u32 $0xffff, v7  }
0x19c: {  	s30 =	sadd.s32 $0xA80, s18;
	[dreg:$0xb] =	wrdreg s26;
	s24 =	sadd.s32 $0x8680, s18;
	v27 =	vsel vm10, $0x0, v0;
	v3 =	vxor.u32 $0x80000000, v13;
	(v2sf) =	vpush v16, $0xF;
	(xrf0) =	vmax.scan.msk.u32 $0xffff, v8  }
0x19d: {  	s8 =	sadd.s32 $0x8400, s18;
	s29 =	sadd.s32 $0x8480, s18;
	[dreg:$0x10] =	wrdreg s24;
	v28 =	vsel vm11, $0x0, v0;
	v6 =	vxor.u32 $0x80000000, v27;
	v42, _, _ =	vpop (xrf0);
	(xrf0) =	vmax.scan.msk.u32 $0xffff, v3  }
0x19e: {  	s24 =	sadd.s32 $0xB00, s18;
	s10 =	sadd.s32 $0x400, s18;
	s2 =	sadd.s32 $0x500, s18;
	v14 =	vsel vm12, $0x0, v0;
	v11 =	vxor.u32 $0x80000000, v28;
	v17, _, _ =	vpop (xrf0);
	(xrf0) =	vmax.scan.msk.u32 $0xffff, v6  }
0x19f: {  	s9 =	sadd.s32 $0x600, s18;
	s6 =	sadd.s32 $0x480, s18;
	v24 =	vsel vm7, $0x0, v0;
	v15 =	vsel vm8, $0x0, v1;
	v32 =	vxor.u32 $0x80000000, v14;
	v47, _, _ =	vpop (xrf0);
	(xrf0) =	vmax.scan.msk.u32 $0xffff, v11;
	s25 =	spop (v2sf)  }
0x1a0: {  	s14 =	sadd.s32 $0x8600, s18;
	s19 =	sadd.s32 $0x10, s19;
	v33 =	vsel vm13, $0x0, v0;
	v38 =	vxor.u32 $0x80000000, v15;
	(v2sf) =	vpush v42, $0xF;
	v49, _, _ =	vpop (xrf0);
	(xrf0) =	vmax.scan.msk.u32 $0xffff, v32;
	s5 =	sshll.u32 s25, $0x4  }
0x1a1: {  	s20 =	sadd.s32 $0x10, s20;
	v14 =	vxor.u32 $0x80000000, v33;
	v2 =	vsel vm8, $0x0, v0;
	(v2sf) =	vpush v47, $0xF;
	v51, _, _ =	vpop (xrf0);
	(xrf0) =	vmax.scan.msk.u32 $0xffff, v38;
	s28 =	spop (v2sf);
	s5 =	sand.u32 $0x1FFFFFF0, s5  }
0x1a2: {  	v9 =	vxor.u32 $0x80000000, v24;
	v2 =	vxor.u32 $0x80000000, v2;
	v52, _, _ =	vpop (xrf0);
	(v2sf) =	vpush v17, $0xF;
	(xrf0) =	vmax.scan.msk.u32 $0xffff, v14;
	s0 =	spop (v2sf);
	s7 =	sshll.u32 s28, $0x4;
	s26 =	sadd.s32 s3, s5  }
0x1a3: {  	(v2sf) =	vpush v52, $0xF;
	(xrf0) =	vmax.scan.msk.u32 $0xffff, v9;
	s11 =	sshll.u32 s0, $0x4;
	s16 =	sand.u32 $0x1FFFFFF0, s7;
	s12 =	spop (v2sf)  }
0x1a4: {  	v53, _, _ =	vpop (xrf0);
	(xrf0) =	vmax.scan.msk.u32 $0xffff, v2;
	s7 =	sadd.s32 $0x8700, s18;
	s22 =	sand.u32 $0x1FFFFFF0, s11;
	s5 =	sshll.u32 s12, $0x4  }
0x1a5: {  	v39 =	vsel vm9, $0x0, v1;
	(v2sf) =	vpush v49, $0xF;
	v2, _, _ =	vpop (xrf0);
	[tilespmem:s10], [sflag:$0x1] =	stream.linear.gather [hbm4b:s26+s1], $0x80, $0x38;
	[tilespmem:$0x10400] =	vst v63  }
0x1a6: {  	v40 =	vsel vm11, $0x0, v1;
	v7 =	vxor.u32 $0x80000000, v39;
	s13 =	spop (v2sf);
	(v2sf) =	vpush v2, $0xF;
	s10 =	sadd.s32 $0x700, s18;
	s16 =	sadd.s32 s3, s16  }
0x1a7: {  	v18 =	vsel vm10, $0x0, v1;
	v3 =	vxor.u32 $0x80000000, v40;
	(xrf0) =	vmax.scan.msk.u32 $0xffff, v7;
	v54, _, _ =	vpop (xrf0);
	s12 =	sand.u32 $0x1FFFFFF0, s5;
	s22 =	sadd.s32 s4, s22;
	s23 =	spop (v2sf)  }
0x1a8: {  	v41 =	vxor.u32 $0x80000000, v18;
	v55, _, _ =	vpop (xrf0);
	(v2sf) =	vpush v31, $0xF;
	[tilespmem:s8], [sflag:$0x1] =	stream.linear.gather [hbm4b:s22+s1], $0x80, $0x38;
	[tilespmem:$0x10400] =	vst v63  }
0x1a9: {  	(xrf0) =	vmax.scan.msk.u32 $0xffff, v41;
	v56, _, _ =	vpop (xrf0);
	s21 =	sshll.u32 s13, $0x4;
	s5 =	sadd.s32 $0x8780, s18;
	s25 =	sshll.u32 s23, $0x4  }
0x1aa: {  	(xrf0) =	vmax.scan.msk.u32 $0xffff, v3;
	v3, _, _ =	vpop (xrf0);
	s13 =	sand.u32 $0x1FFFFFF0, s21;
	s28 =	spop (v2sf);
	s21 =	sand.u32 $0x1FFFFFF0, s25  }
0x1ab: {  	v2, _, _ =	vpop (xrf0);
	(v2sf) =	vpush v53, $0xF;
	s0 =	sshll.u32 s28, $0x4;
	s25 =	sadd.s32 $0x8500, s18;
	s28 =	spop (v2sf)  }
0x1ac: {  	v57, _, _ =	vpop (xrf0);
	[tilespmem:s6], [sflag:$0x1] =	stream.linear.gather [hbm4b:s16+s1], $0x80, $0x38;
	[tilespmem:$0x10400] =	vst v63  }
0x1ad: {  	s16 =	sadd.s32 s4, s12;
	s11 =	sand.u32 $0x1FFFFFF0, s0;
	(v2sf) =	vpush v57, $0xF;
	s23 =	sshll.u32 s28, $0x4  }
0x1ae: {  	[tilespmem:s29], [sflag:$0x1] =	stream.linear.gather [hbm4b:s16+s1], $0x80, $0x38;
	[tilespmem:$0x10400] =	vst v63  }
0x1af: {  	s23 =	sand.u32 $0x1FFFFFF0, s23;
	s16 =	sadd.s32 s4, s21;
	s28 =	spop (v2sf)  }
0x1b0: {  	s21 =	sadd.s32 s3, s23;
	s22 =	sshll.u32 s28, $0x4;
	s0 =	spop (v2sf);
	(v2sf) =	vpush v2, $0xF  }
0x1b1: {  	s26 =	sand.u32 $0x1FFFFFF0, s22;
	s0 =	sshll.u32 s0, $0x4;
	s28 =	spop (v2sf)  }
0x1b2: {  	s26 =	sadd.s32 s3, s26;
	s8 =	sand.u32 $0x1FFFFFF0, s0;
	s0 =	spop (v2sf)  }
0x1b3: {  	s28 =	sshll.u32 s28, $0x4;
	s8 =	sadd.s32 s3, s8;
	s22 =	sshll.u32 s0, $0x4  }
0x1b4: {  	s0 =	spop (v2sf);
	s28 =	sand.u32 $0x1FFFFFF0, s28;
	s22 =	sand.u32 $0x1FFFFFF0, s22  }
0x1b5: {  	s0 =	sshll.u32 s0, $0x4;
	s12 =	spop (v2sf);
	s22 =	sadd.s32 s3, s22  }
0x1b6: {  	(v2sf) =	vpush v51, $0xF;
	[tilespmem:s2], [sflag:$0x1] =	stream.linear.gather [hbm4b:s22+s1], $0x80, $0x38;
	[tilespmem:$0x10400] =	vst v63  }
0x1b7: {  	s28 =	sadd.s32 s4, s28;
	s0 =	sand.u32 $0x1FFFFFF0, s0;
	s29 =	spop (v2sf)  }
0x1b8: {  	s22 =	sadd.s32 s4, s13;
	s12 =	sshll.u32 s12, $0x4;
	(v2sf) =	vpush v54, $0xF;
	s29 =	sshll.u32 s29, $0x4  }
0x1b9: {  	[tilespmem:s25], [sflag:$0x1] =	stream.linear.gather [hbm4b:s22+s1], $0x80, $0x38;
	[tilespmem:$0x10400] =	vst v63  }
0x1ba: {  	s0 =	sadd.s32 s4, s0;
	s13 =	spop (v2sf);
	s6 =	sand.u32 $0x1FFFFFF0, s29  }
0x1bb: {  	[tilespmem:s31], [sflag:$0x1] =	stream.linear.gather [hbm4b:s21+s1], $0x80, $0x38;
	[tilespmem:$0x10400] =	vst v63  }
0x1bc: {  	s13 =	sshll.u32 s13, $0x4;
	s22 =	spop (v2sf);
	(v2sf) =	vpush v55, $0xF;
	s31 =	rddreg [dreg:$0xe]  }
0x1bd: {  	s23 =	sadd.s32 s3, s6;
	s21 =	rddreg [dreg:$0xc];
	s25 =	sshll.u32 s22, $0x4  }
0x1be: {  	[tilespmem:s31], [sflag:$0x1] =	stream.linear.gather [hbm4b:s16+s1], $0x80, $0x38;
	[tilespmem:$0x10400] =	vst v63  }
0x1bf: {  	s2 =	sand.u32 $0x1FFFFFF0, s13;
	s6 =	sand.u32 $0x1FFFFFF0, s25;
	s29 =	spop (v2sf)  }
0x1c0: {  	(v2sf) =	vpush v56, $0xF;
	[tilespmem:s9], [sflag:$0x1] =	stream.linear.gather [hbm4b:s23+s1], $0x80, $0x38;
	[tilespmem:$0x10400] =	vst v63  }
0x1c1: {  	s31 =	rddreg [dreg:$0x10];
	s23 =	sadd.s32 s4, s11;
	s22 =	sshll.u32 s29, $0x4;
	(v2sf) =	vpush v3, $0xF  }
0x1c2: {  	[tilespmem:s14], [sflag:$0x1] =	stream.linear.gather [hbm4b:s23+s1], $0x80, $0x38;
	[tilespmem:$0x10400] =	vst v63  }
0x1c3: {  	v58, _, _ =	vpop (xrf0);
	s9 =	sand.u32 $0x1FFFFFF0, s12;
	s11 =	sadd.s32 $0x8880, s18;
	s25 =	sand.u32 $0x1FFFFFF0, s22  }
0x1c4: {  	(v2sf) =	vpush v58, $0xF;
	[tilespmem:s15], [sflag:$0x1] =	stream.linear.gather [hbm4b:s26+s1], $0x80, $0x38;
	[tilespmem:$0x10400] =	vst v63  }
0x1c5: {  	v59, _, _ =	vpop (xrf0);
	s22 =	sadd.s32 s3, s25;
	s25 =	rddreg [dreg:$0xa];
	s29 =	spop (v2sf)  }
0x1c6: {  	v60, _, _ =	vpop (xrf0);
	(v2sf) =	vpush v59, $0xF;
	[tilespmem:s31], [sflag:$0x1] =	stream.linear.gather [hbm4b:s28+s1], $0x80, $0x38;
	[tilespmem:$0x10400] =	vst v63  }
0x1c7: {  	(v2sf) =	vpush v60, $0xF;
	s31 =	sadd.s32 s3, s6;
	s12 =	sshll.u32 s29, $0x4;
	s14 =	spop (v2sf)  }
0x1c8: {  	[tilespmem:s10], [sflag:$0x1] =	stream.linear.gather [hbm4b:s8+s1], $0x80, $0x38;
	[tilespmem:$0x10400] =	vst v63  }
0x1c9: {  	v43 =	vsel vm12, $0x0, v1;
	s15 =	sand.u32 $0x1FFFFFF0, s12;
	s8 =	sadd.s32 $0xA00, s18;
	s16 =	sshll.u32 s14, $0x4  }
0x1ca: {  	v45 =	vxor.u32 $0x80000000, v43;
	[tilespmem:s7], [sflag:$0x1] =	stream.linear.gather [hbm4b:s0+s1], $0x80, $0x38;
	[tilespmem:$0x10400] =	vst v63  }
0x1cb: {  	v44 =	vsel vm13, $0x0, v1;
	(xrf0) =	vmax.scan.msk.u32 $0xffff, v45;
	s26 =	sadd.s32 s4, s15;
	s0 =	sand.u32 $0x1FFFFFF0, s16;
	s23 =	spop (v2sf)  }
0x1cc: {  	v46 =	vxor.u32 $0x80000000, v44;
	[tilespmem:s25], [sflag:$0x1] =	stream.linear.gather [hbm4b:s22+s1], $0x80, $0x38;
	[tilespmem:$0x10400] =	vst v63  }
0x1cd: {  	v4 =	vsel vm14, $0x0, v0;
	(xrf0) =	vmax.scan.msk.u32 $0xffff, v46;
	s28 =	sshll.u32 s23, $0x4;
	s22 =	sadd.s32 s3, s2;
	s25 =	rddreg [dreg:$0x5]  }
0x1ce: {  	v48 =	vsel vm14, $0x0, v1;
	v4 =	vxor.u32 $0x80000000, v4;
	[tilespmem:s5], [sflag:$0x1] =	stream.linear.gather [hbm4b:s26+s1], $0x80, $0x38;
	[tilespmem:$0x10400] =	vst v63  }
0x1cf: {  	v50 =	vxor.u32 $0x80000000, v48;
	(xrf0) =	vmax.scan.msk.u32 $0xffff, v4;
	s6 =	sand.u32 $0x1FFFFFF0, s28;
	s28 =	rddreg [dreg:$0x7];
	s29 =	spop (v2sf)  }
0x1d0: {  	v0 =	vsel vm15, $0x0, v0;
	(xrf0) =	vmax.scan.msk.u32 $0xffff, v50;
	s5 =	sadd.s32 $0x8A00, s18;
	s13 =	sshll.u32 s29, $0x4;
	s14 =	spop (v2sf)  }
0x1d1: {  	v1 =	vsel vm15, $0x0, v1;
	v0 =	vxor.u32 $0x80000000, v0;
	[tilespmem:s25], [sflag:$0x1] =	stream.linear.gather [hbm4b:s31+s1], $0x80, $0x38;
	[tilespmem:$0x10400] =	vst v63  }
0x1d2: {  	v1 =	vxor.u32 $0x80000000, v1;
	(xrf0) =	vmax.scan.msk.u32 $0xffff, v0;
	s29 =	sadd.s32 $0x880, s18;
	s10 =	sand.u32 $0x1FFFFFF0, s13;
	s7 =	sshll.u32 s14, $0x4  }
0x1d3: {  	(xrf0) =	vmax.scan.msk.u32 $0xffff, v1;
	s15 =	spop (v2sf);
	s14 =	rddreg [dreg:$0xb];
	s10 =	sadd.s32 s4, s10  }
0x1d4: {  	v61, _, _ =	vpop (xrf0);
	[tilespmem:s28], [sflag:$0x1] =	stream.linear.gather [hbm4b:s10+s1], $0x80, $0x38;
	[tilespmem:$0x10400] =	vst v63  }
.Ltmp1:
0x1d5: {  	v62, _, _ =	vpop (xrf0);
	(v2sf) =	vpush v61, $0xF;
	s12 =	sshll.u32 s15, $0x4;
	s16 =	spop (v2sf);
	(pc) =	sbr.rel @p0 .LBB2_4-.Ltmp1, $4  }
0x1d6: {  	v63, _, _ =	vpop (xrf0);
	(v2sf) =	vpush v62, $0xF;
	s7 =	sand.u32 $0x1FFFFFF0, s7;
	s12 =	sand.u32 $0x1FFFFFF0, s12;
	s26 =	spop (v2sf)  }
0x1d7: {  	v2, _, _ =	vpop (xrf0);
	(v2sf) =	vpush v63, $0xF;
	[tilespmem:s29], [sflag:$0x1] =	stream.linear.gather [hbm4b:s22+s1], $0x80, $0x38;
	[tilespmem:$0x10400] =	vst v63  }
0x1d8: {  	v1, _, _ =	vpop (xrf0);
	s23 =	sshll.u32 s16, $0x4;
	s10 =	sadd.s32 s3, s9;
	(v2sf) =	vpush v2, $0xF;
	s31 =	sshll.u32 s26, $0x4  }
0x1d9: {  	v0, _, _ =	vpop (xrf0);
	s2 =	sand.u32 $0x1FFFFFF0, s23;
	s12 =	sadd.s32 s4, s12;
	(v2sf) =	vpush v1, $0xF;
	s9 =	sand.u32 $0x1FFFFFF0, s31  }
0x1da: {  	[tilespmem:s11], [sflag:$0x1] =	stream.linear.gather [hbm4b:s12+s1], $0x80, $0x38;
	[tilespmem:$0x10400] =	vst v63  }
0x1db: {  	s29 =	sadd.s32 $0x900, s18  }
0x1dc: {  	[tilespmem:s29], [sflag:$0x1] =	stream.linear.gather [hbm4b:s10+s1], $0x80, $0x38;
	[tilespmem:$0x10400] =	vst v63  }
0x1dd: {  	s31 =	sadd.s32 $0x8900, s18;
	s2 =	sadd.s32 s4, s2  }
0x1de: {  	[tilespmem:s31], [sflag:$0x1] =	stream.linear.gather [hbm4b:s2+s1], $0x80, $0x38;
	[tilespmem:$0x10400] =	vst v63  }
0x1df: {  	s0 =	sadd.s32 s3, s0  }
0x1e0: {  	[tilespmem:s21], [sflag:$0x1] =	stream.linear.gather [hbm4b:s0+s1], $0x80, $0x38;
	[tilespmem:$0x10400] =	vst v63  }
0x1e1: {  	s10 =	sadd.s32 s4, s9;
	s2 =	sadd.s32 $0x8980, s18  }
0x1e2: {  	[tilespmem:s2], [sflag:$0x1] =	stream.linear.gather [hbm4b:s10+s1], $0x80, $0x38;
	[tilespmem:$0x10400] =	vst v63  }
0x1e3: {  	s11 =	sadd.s32 s3, s6  }
0x1e4: {  	[tilespmem:s8], [sflag:$0x1] =	stream.linear.gather [hbm4b:s11+s1], $0x80, $0x38;
	[tilespmem:$0x10400] =	vst v63  }
0x1e5: {  	s12 =	spop (v2sf)  }
0x1e6: {  	s0 =	sshll.u32 s12, $0x4  }
0x1e7: {  	s0 =	sand.u32 $0x1FFFFFF0, s0  }
0x1e8: {  	s15 =	spop (v2sf);
	s0 =	sadd.s32 s4, s0  }
0x1e9: {  	[tilespmem:s5], [sflag:$0x1] =	stream.linear.gather [hbm4b:s0+s1], $0x80, $0x38;
	[tilespmem:$0x10400] =	vst v63  }
0x1ea: {  	(v2sf) =	vpush v0, $0xF;
	s0 =	sshll.u32 s15, $0x4  }
0x1eb: {  	s13 =	sadd.s32 s3, s7;
	s0 =	sand.u32 $0x1FFFFFF0, s0  }
0x1ec: {  	[tilespmem:s30], [sflag:$0x1] =	stream.linear.gather [hbm4b:s13+s1], $0x80, $0x38;
	[tilespmem:$0x10400] =	vst v63  }
0x1ed: {  	s16 =	spop (v2sf);
	s0 =	sadd.s32 s4, s0  }
0x1ee: {  	[tilespmem:s14], [sflag:$0x1] =	stream.linear.gather [hbm4b:s0+s1], $0x80, $0x38;
	[tilespmem:$0x10400] =	vst v63  }
0x1ef: {  	s0 =	sshll.u32 s16, $0x4  }
0x1f0: {  	s0 =	sand.u32 $0x1FFFFFF0, s0  }
0x1f1: {  	s17 =	spop (v2sf);
	s0 =	sadd.s32 s3, s0  }
0x1f2: {  	[tilespmem:s24], [sflag:$0x1] =	stream.linear.gather [hbm4b:s0+s1], $0x80, $0x38;
	[tilespmem:$0x10400] =	vst v63  }
0x1f3: {  	s0 =	sshll.u32 s17, $0x4  }
0x1f4: {  	s0 =	sand.u32 $0x1FFFFFF0, s0  }
0x1f5: {  	s19 =	sadd.s32 $0x8B00, s18;
	s20 =	spop (v2sf);
	s0 =	sadd.s32 s4, s0  }
0x1f6: {  	[tilespmem:s19], [sflag:$0x1] =	stream.linear.gather [hbm4b:s0+s1], $0x80, $0x38;
	[tilespmem:$0x10400] =	vst v63  }
0x1f7: {  	s0 =	sshll.u32 s20, $0x4  }
0x1f8: {  	s0 =	sand.u32 $0x1FFFFFF0, s0  }
0x1f9: {  	s21 =	sadd.s32 $0xB80, s18;
	s22 =	spop (v2sf);
	s0 =	sadd.s32 s3, s0  }
0x1fa: {  	[tilespmem:s21], [sflag:$0x1] =	stream.linear.gather [hbm4b:s0+s1], $0x80, $0x38;
	[tilespmem:$0x10400] =	vst v63  }
0x1fb: {  	s0 =	sshll.u32 s22, $0x4  }
0x1fc: {  	s0 =	sand.u32 $0x1FFFFFF0, s0  }
0x1fd: {  	s23 =	sadd.s32 $0x8B80, s18;
	s24 =	simm.s32 $0x1;
	s0 =	sadd.s32 s4, s0  }
0x1fe: {  	[tilespmem:s23], [sflag:$0x1] =	stream.linear.gather [hbm4b:s0+s1], $0x80, $0x38;
	[tilespmem:$0x10400] =	vst v63  }
0x1ff: {  	_ =	swait.ge [sflag:s24], $0x8000  }
0x200: {  	[sflag:s24] =	ssyncset.done $0x0  }
0x201: {  	[sflag:s24] =	ssyncadd.s32 $0xFFFF8000  }
0x202: {  	_ =	swait.ge [sflag:s24], $0x8000  }
0x203: {  	s26 =	simm.s32 $0x400;
	[sflag:s24] =	ssyncset.done $0x0  }
0x204: {  	s5 =	simm.s32 $0x2;
	s25 =	rddreg [dreg:$0x16];
	[sflag:s24] =	ssyncadd.s32 $0xFFFF8000  }
0x205: {  	[hbm4b:s25+s1] =	stream.linear.scatter [tilespmem:s26], [sflag:$0x2], $0x8000, $0x38;
	[tilespmem:$0x10400] =	vst v63  }
0x206: {  	_ =	swait.ge [sflag:s5], $0x8000  }
0x207: {  	[sflag:s5] =	ssyncset.done $0x0  }
0x208: {  	s29 =	simm.s32 $0x8400;
	s28 =	rddreg [dreg:$0x17];
	[sflag:s5] =	ssyncadd.s32 $0xFFFF8000  }
0x209: {  	[hbm4b:s28+s1] =	stream.linear.scatter [tilespmem:s29], [sflag:$0x2], $0x8000, $0x38;
	[tilespmem:$0x10400] =	vst v63  }
0x20a: {  	_ =	swait.ge [sflag:s5], $0x8000  }
0x20b: {  	s30 =	rddreg [dreg:$0x19]  }
0x20c: {  	s31 =	rddreg [dreg:$0x18];
	s2 =	sadd.s32 $0x1, s30  }
0x20d: {  	p0 =	sne.s32 s2, s31  }
.Ltmp2:
0x20e: {  	_ = 	snop;
	(pc) =	sbr.rel @p0 .LBB2_1-.Ltmp2, $3  }
0x20f: {  	_ =	sdelay $0x1  }
0x210: {  	[sflag:s5] =	ssyncset.done $0x0  }
0x211: {  	[sflag:s5] =	ssyncadd.s32 $0xFFFF8000  }
0x212: {  	_ =	sfence.sel $0x180000  }
0x213: {  	[bflag:$0x0] =	sbarrier.arrive $0xFFFF  }
0x214: {  	_ =	strace $0x90000047  }
0x215: {  	s0 =	stileid.u32;
	[bflag:$0x2] =	sbarrier.arrive $0xFFFF  }
0x216: {  	p0 =	sne.s32 s0, $0x0;
	s0 =	rddreg [dreg:$0x3]  }
0x217: {  	s0 =	sadd.s32 @!p0 $0x100000, s0  }
0x218: {  	[sflag:s0] =	ssyncadd.tile.s32 @!p0 $0x1;
	_ =	shalt  }
.Lfunc_end2:
_tile_overlayer_lowered:
.L_overlay_start_2:
0x219: {  	(tag) =	ssettag $0x2  }
0x21a: {  	s0 =	rddreg [dreg:$0x0];
	s2 =	stileid.u32  }
0x21b: {  	s1 =	rddreg [dreg:$0x1];
	p0 =	sne.s32 s2, $0x0  }
0x21c: {  	s3 =	rddreg [dreg:$0x2];
	[bflag:$0x3] =	sbarrier.arrive $0xFFFF;
	s2 =	simm.s32 @!p0 $0x1C02  }
0x21d: {  	[timem:s3], [sflag:s2] =	dma.local @!p0 [hbm:s0], s1  }
0x21e: {  	s0 =	simm.s32 @!p0 $0x2  }
0x21f: {  	_ =	swait.ge @!p0 [sflag:s0], s1  }
0x220: {  	s1 =	ssub.s32 @!p0 $0x0, s1;
	[sflag:s0] =	ssyncset.done @!p0 $0x0  }
0x221: {  	[sflag:s0] =	ssyncadd.s32 @!p0 s1  }
0x222: {  	[bflag:$0x3] =	sbarrier.arrive $0xFFFF  }
0x223: {  	_ =	shalt  }

</sc_bundles>
